<compile_context>
chip_gen: v7x
topology: tpu7x:2x2x1
jax: 0.10.2.dev20260603
libtpu: 0.0.44.dev20260713+nightly
codegen_flags: <defaults>
</compile_context>

<pallas_src>
import functools

import jax
import jax.numpy as jnp
from jax import lax
from jax.experimental import pallas as pl
from jax.experimental.pallas import tpu as pltpu
from jax.experimental.pallas import tpu_sc as plsc

EMBED = 64
SCALE = 8.0
NC, NS = 2, 16
CHUNK = 128


def _rsqrt_newton(x):
    i = plsc.bitcast(x, jnp.int32)
    i = jnp.int32(0x5F3759DF) - lax.shift_right_logical(i, 1)
    y = plsc.bitcast(i, jnp.float32)
    for _ in range(3):
        y = y * (jnp.float32(1.5) - jnp.float32(0.5) * x * y * y)
    return y


def _normalize(big_v, offs_v, out_v):
    lanes = lax.iota(jnp.int32, 16)
    perm = [lanes ^ (1 << k) for k in range(4)]

    @plsc.parallel_loop(0, CHUNK, unroll=8)
    def _row(r):
        o = offs_v[pl.ds(r, 16)][0]
        vs = [big_v[r, pl.ds(o + k * 16, 16)] for k in range(EMBED // 16)]
        ssv = vs[0] * vs[0]
        for v in vs[1:]:
            ssv = ssv + v * v
        for p in perm:
            ssv = ssv + jnp.take(ssv, p)
        x = jnp.maximum(ssv, jnp.float32(1e-30))
        norm = x * _rsqrt_newton(x)
        factor = jnp.float32(SCALE) / jnp.maximum(norm, jnp.float32(1e-12))
        for k, v in enumerate(vs):
            out_v[r, pl.ds(k * 16, 16)] = v * factor


def _sc_embed(idx2d, w2):
    R, C = idx2d.shape
    NW = NC * NS
    rpw = R // NW
    B = R * C

    mesh = plsc.VectorSubcoreMesh(core_axis_name="c", subcore_axis_name="s")

    @functools.partial(
        pl.kernel,
        out_type=jax.ShapeDtypeStruct((B, EMBED), jnp.float32),
        mesh=mesh,
        scratch_types=[
            pltpu.VMEM((rpw, C), jnp.int32),
            pltpu.VMEM((C, 2 * EMBED), jnp.float32),
            pltpu.VMEM((C, 2 * EMBED), jnp.float32),
            pltpu.VMEM((C, EMBED), jnp.float32),
            pltpu.VMEM((C, EMBED), jnp.float32),
            pltpu.VMEM((C,), jnp.int32),
            pltpu.VMEM((C,), jnp.int32),
            pltpu.VMEM((C + 16,), jnp.int32),
            pltpu.VMEM((C + 16,), jnp.int32),
            pltpu.SemaphoreType.DMA,
            pltpu.SemaphoreType.DMA,
            pltpu.SemaphoreType.DMA,
            pltpu.SemaphoreType.DMA,
        ],
        compiler_params=pltpu.CompilerParams(
            needs_layout_passes=False,
            use_tc_tiling_on_sc=True,
        ),
    )
    def k(w_hbm, idx_hbm, out_hbm, idx_v, big_a, big_b, out_a, out_b,
          ids_a, ids_b, off_a, off_b, sia, sib, soa, sob):
        wid = lax.axis_index("s") * NC + lax.axis_index("c")
        pltpu.sync_copy(idx_hbm.at[pl.ds(wid * rpw, rpw)], idx_v)
        base = wid * rpw

        def prep(j, ids, off):
            for kk in range(C // 16):
                v = idx_v[j, pl.ds(kk * 16, 16)]
                ids[pl.ds(kk * 16, 16)] = lax.shift_right_logical(v, 1)
                off[pl.ds(kk * 16, 16)] = lax.shift_left(v & 1, 6)

        def gather(buf, ids, sem):
            pltpu.async_copy(w_hbm.at[ids], buf, sem)

        def wait_in(buf, ids, sem):
            pltpu.make_async_copy(w_hbm.at[ids], buf, sem).wait()

        def put(j, buf, sem):
            pltpu.async_copy(buf, out_hbm.at[pl.ds((base + j) * C, C)], sem)

        def wait_out(j, buf, sem):
            pltpu.make_async_copy(
                buf, out_hbm.at[pl.ds((base + j) * C, C)], sem).wait()

        prep(0, ids_a, off_a)
        gather(big_a, ids_a, sia)

        @pl.loop(0, rpw // 2)
        def _it(g):
            j0 = 2 * g

            prep(j0 + 1, ids_b, off_b)
            gather(big_b, ids_b, sib)

            wait_in(big_a, ids_a, sia)

            @pl.when(g > 0)
            def _():
                wait_out(j0 - 2, out_a, soa)

            _normalize(big_a, off_a, out_a)
            put(j0, out_a, soa)

            @pl.when(j0 + 2 < rpw)
            def _():
                prep(j0 + 2, ids_a, off_a)
                gather(big_a, ids_a, sia)

            wait_in(big_b, ids_b, sib)

            @pl.when(g > 0)
            def _():
                wait_out(j0 - 1, out_b, sob)

            _normalize(big_b, off_b, out_b)
            put(j0 + 1, out_b, sob)

        wait_out(rpw - 2, out_a, soa)
        wait_out(rpw - 1, out_b, sob)

    return k(w2, idx2d)


def kernel(x, weight):
    nb, t = x.shape
    b = nb * t
    idx2d = x.reshape(b // CHUNK, CHUNK).astype(jnp.int32)
    w2 = weight.reshape(weight.shape[0] // 2, 2 * EMBED)
    out = _sc_embed(idx2d, w2)
    return out.reshape(nb, t, EMBED)

# --- scband reference (transcript-rebuilt; emitter-appended) ---
"""Pipeline reference for scband-embedding-80547816669631 (READ-ONLY COPY).

The authoritative reference and input builder live on the scoring server;
editing this copy changes nothing except your own understanding.
"""

import jax, jax.numpy as jnp
import numpy as np

EMBED_DIM = 64
VOCAB_DIM = 1000000


def setup_inputs(seed: int = 0) -> dict:
    key = jax.random.key(seed)
    k1, k2 = jax.random.split(key)
    x = jax.random.randint(k1, (4096, 200), 0, VOCAB_DIM, dtype=jnp.int64 if jax.config.jax_enable_x64 else jnp.int32)
    weight = jax.random.uniform(k2, (VOCAB_DIM, EMBED_DIM), minval=-0.01, maxval=0.01, dtype=jnp.float32)
    return {"x": x, "weight": weight}


def reference(x, weight):
    scale = EMBED_DIM ** 0.5
    emb = jnp.take(weight, x, axis=0)
    norm = jnp.linalg.norm(emb, axis=-1, keepdims=True)
    normalized = emb / jnp.maximum(norm, 1e-12)
    return scale * normalized

if __name__ == "__main__":
    import jax
    _d = setup_inputs()
    print(jax.jit(kernel)(*tuple(_d.values())))

</pallas_src>

<mosaic_0001>
#map = affine_map<(d0, d1) -> (0, 0)>
module attributes {stable_mosaic.version = 14 : i64} {
  func.func @k(%arg0: i32, %arg1: i32, %arg2: memref<500000x128xf32, #tpu.memory_space<hbm>>, %arg3: memref<6400x128xi32, #tpu.memory_space<hbm>>, %arg4: memref<819200x64xf32, #tpu.memory_space<hbm>>, %arg5: memref<200x128xi32, #tpu.memory_space<vmem>>, %arg6: memref<128x128xf32, #tpu.memory_space<vmem>>, %arg7: memref<128x128xf32, #tpu.memory_space<vmem>>, %arg8: memref<128x64xf32, #tpu.memory_space<vmem>>, %arg9: memref<128x64xf32, #tpu.memory_space<vmem>>, %arg10: memref<128xi32, #tpu.memory_space<vmem>>, %arg11: memref<128xi32, #tpu.memory_space<vmem>>, %arg12: memref<144xi32, #tpu.memory_space<vmem>>, %arg13: memref<144xi32, #tpu.memory_space<vmem>>, %arg14: memref<!tpu.dma_semaphore, #tpu.memory_space<semaphore_mem>>, %arg15: memref<!tpu.dma_semaphore, #tpu.memory_space<semaphore_mem>>, %arg16: memref<!tpu.dma_semaphore, #tpu.memory_space<semaphore_mem>>, %arg17: memref<!tpu.dma_semaphore, #tpu.memory_space<semaphore_mem>>) attributes {dimension_semantics = [#tpu.dimension_semantics<core_parallel>, #tpu.dimension_semantics<subcore_parallel>], iteration_bounds = array<i64: 2, 16>, scalar_prefetch = 0 : i64, scratch_operands = 13 : i64, tpu.core_type = #tpu.core_type<sc_vector_subcore>, window_params = [{transform_indices = #map}, {transform_indices = #map}, {transform_indices = #map}]} {
    %mul3A = arith.constant 2 : i32
    %mul3A_0 = arith.muli %arg1, %mul3A : i32
    %add3A = arith.addi %mul3A_0, %arg0 : i32
    %mul3A_1 = arith.constant 200 : i32
    %mul3A_2 = arith.muli %add3A, %mul3A_1 : i32
    "tpu.region"() ({
      %run_scoped3A = tpu.sem_alloc : memref<!tpu.dma_semaphore, #tpu.memory_space<semaphore_mem>>
      %dma_start3A_157 = arith.constant 0 : i32
      %dma_start3A_158 = tpu.memref_slice %arg3[%mul3A_2, %dma_start3A_157] : memref<6400x128xi32, #tpu.memory_space<hbm>> -> memref<200x128xi32, #tpu.memory_space<hbm>>
      %dma_start3A_159 = arith.constant 0 : i32
      %dma_start3A_160 = tpu.memref_slice %arg3[%mul3A_2, %dma_start3A_159] : memref<6400x128xi32, #tpu.memory_space<hbm>> -> memref<200x128xi32, #tpu.memory_space<hbm>>
      tpu.enqueue_dma source(%dma_start3A_160 : memref<200x128xi32, #tpu.memory_space<hbm>>) target(%arg5 : memref<200x128xi32, #tpu.memory_space<vmem>>) target_semaphore(%run_scoped3A : memref<!tpu.dma_semaphore, #tpu.memory_space<semaphore_mem>>)
      %dma_wait3A_161 = arith.constant 0 : i32
      %dma_wait3A_162 = tpu.memref_slice %arg3[%mul3A_2, %dma_wait3A_161] : memref<6400x128xi32, #tpu.memory_space<hbm>> -> memref<200x128xi32, #tpu.memory_space<hbm>>
      %dma_wait3A_163 = arith.constant 0 : i32
      %dma_wait3A_164 = tpu.memref_slice %arg3[%mul3A_2, %dma_wait3A_163] : memref<6400x128xi32, #tpu.memory_space<hbm>> -> memref<200x128xi32, #tpu.memory_space<hbm>>
      tpu.wait_dma2 semaphore(%run_scoped3A : memref<!tpu.dma_semaphore, #tpu.memory_space<semaphore_mem>>) src(%dma_wait3A_164 : memref<200x128xi32, #tpu.memory_space<hbm>>) dst(%arg5 : memref<200x128xi32, #tpu.memory_space<vmem>>)
      tpu.yield
    }) : () -> ()
    %mul3A_3 = arith.constant 200 : i32
    %mul3A_4 = arith.muli %add3A, %mul3A_3 : i32
    %get3A = arith.constant 0 : i32
    %get3A_5 = arith.index_cast %get3A : i32 to index
    %get3A_6 = arith.constant 0 : index
    %get3A_7 = tpu.vector_load %arg5[%get3A_5, %get3A_6] {strides = array<i32>} : memref<200x128xi32, #tpu.memory_space<vmem>>, vector<16xi32>,
    %shift_right_logical3A = arith.constant 1 : i32
    %shift_right_logical3A_8 = vector.broadcast %shift_right_logical3A : i32 to vector<16xi32>
    %shift_right_logical3A_9 = arith.shrui %get3A_7, %shift_right_logical3A_8 : vector<16xi32>
    %swap3A = arith.constant 0 : index
    %swap3A_10 = tpu.vector_load %arg10[%swap3A] {strides = array<i32>} : memref<128xi32, #tpu.memory_space<vmem>>, vector<16xi32>,
    tpu.vector_store %arg10[%swap3A], %shift_right_logical3A_9 {strides = array<i32>} : memref<128xi32, #tpu.memory_space<vmem>>, vector<16xi32>,
    %and3A = arith.constant 1 : i32
    %and3A_11 = vector.broadcast %and3A : i32 to vector<16xi32>
    %and3A_12 = arith.andi %get3A_7, %and3A_11 : vector<16xi32>
    %shift_left3A = arith.constant 6 : i32
    %shift_left3A_13 = vector.broadcast %shift_left3A : i32 to vector<16xi32>
    %shift_left3A_14 = arith.shli %and3A_12, %shift_left3A_13 : vector<16xi32>
    %swap3A_15 = arith.constant 0 : index
    %swap3A_16 = tpu.vector_load %arg12[%swap3A_15] {strides = array<i32>} : memref<144xi32, #tpu.memory_space<vmem>>, vector<16xi32>,
    tpu.vector_store %arg12[%swap3A_15], %shift_left3A_14 {strides = array<i32>} : memref<144xi32, #tpu.memory_space<vmem>>, vector<16xi32>,
    %get3A_17 = arith.constant 0 : i32
    %get3A_18 = arith.index_cast %get3A_17 : i32 to index
    %get3A_19 = arith.constant 16 : index
    %get3A_20 = tpu.vector_load %arg5[%get3A_18, %get3A_19] {strides = array<i32>} : memref<200x128xi32, #tpu.memory_space<vmem>>, vector<16xi32>,
    %shift_right_logical3A_21 = arith.constant 1 : i32
    %shift_right_logical3A_22 = vector.broadcast %shift_right_logical3A_21 : i32 to vector<16xi32>
    %shift_right_logical3A_23 = arith.shrui %get3A_20, %shift_right_logical3A_22 : vector<16xi32>
    %swap3A_24 = arith.constant 16 : index
    %swap3A_25 = tpu.vector_load %arg10[%swap3A_24] {strides = array<i32>} : memref<128xi32, #tpu.memory_space<vmem>>, vector<16xi32>,
    tpu.vector_store %arg10[%swap3A_24], %shift_right_logical3A_23 {strides = array<i32>} : memref<128xi32, #tpu.memory_space<vmem>>, vector<16xi32>,
    %and3A_26 = arith.constant 1 : i32
    %and3A_27 = vector.broadcast %and3A_26 : i32 to vector<16xi32>
    %and3A_28 = arith.andi %get3A_20, %and3A_27 : vector<16xi32>
    %shift_left3A_29 = arith.constant 6 : i32
    %shift_left3A_30 = vector.broadcast %shift_left3A_29 : i32 to vector<16xi32>
    %shift_left3A_31 = arith.shli %and3A_28, %shift_left3A_30 : vector<16xi32>
    %swap3A_32 = arith.constant 16 : index
    %swap3A_33 = tpu.vector_load %arg12[%swap3A_32] {strides = array<i32>} : memref<144xi32, #tpu.memory_space<vmem>>, vector<16xi32>,
    tpu.vector_store %arg12[%swap3A_32], %shift_left3A_31 {strides = array<i32>} : memref<144xi32, #tpu.memory_space<vmem>>, vector<16xi32>,
    %get3A_34 = arith.constant 0 : i32
    %get3A_35 = arith.index_cast %get3A_34 : i32 to index
    %get3A_36 = arith.constant 32 : index
    %get3A_37 = tpu.vector_load %arg5[%get3A_35, %get3A_36] {strides = array<i32>} : memref<200x128xi32, #tpu.memory_space<vmem>>, vector<16xi32>,
    %shift_right_logical3A_38 = arith.constant 1 : i32
    %shift_right_logical3A_39 = vector.broadcast %shift_right_logical3A_38 : i32 to vector<16xi32>
    %shift_right_logical3A_40 = arith.shrui %get3A_37, %shift_right_logical3A_39 : vector<16xi32>
    %swap3A_41 = arith.constant 32 : index
    %swap3A_42 = tpu.vector_load %arg10[%swap3A_41] {strides = array<i32>} : memref<128xi32, #tpu.memory_space<vmem>>, vector<16xi32>,
    tpu.vector_store %arg10[%swap3A_41], %shift_right_logical3A_40 {strides = array<i32>} : memref<128xi32, #tpu.memory_space<vmem>>, vector<16xi32>,
    %and3A_43 = arith.constant 1 : i32
    %and3A_44 = vector.broadcast %and3A_43 : i32 to vector<16xi32>
    %and3A_45 = arith.andi %get3A_37, %and3A_44 : vector<16xi32>
    %shift_left3A_46 = arith.constant 6 : i32
    %shift_left3A_47 = vector.broadcast %shift_left3A_46 : i32 to vector<16xi32>
    %shift_left3A_48 = arith.shli %and3A_45, %shift_left3A_47 : vector<16xi32>
    %swap3A_49 = arith.constant 32 : index
    %swap3A_50 = tpu.vector_load %arg12[%swap3A_49] {strides = array<i32>} : memref<144xi32, #tpu.memory_space<vmem>>, vector<16xi32>,
    tpu.vector_store %arg12[%swap3A_49], %shift_left3A_48 {strides = array<i32>} : memref<144xi32, #tpu.memory_space<vmem>>, vector<16xi32>,
    %get3A_51 = arith.constant 0 : i32
    %get3A_52 = arith.index_cast %get3A_51 : i32 to index
    %get3A_53 = arith.constant 48 : index
    %get3A_54 = tpu.vector_load %arg5[%get3A_52, %get3A_53] {strides = array<i32>} : memref<200x128xi32, #tpu.memory_space<vmem>>, vector<16xi32>,
    %shift_right_logical3A_55 = arith.constant 1 : i32
    %shift_right_logical3A_56 = vector.broadcast %shift_right_logical3A_55 : i32 to vector<16xi32>
    %shift_right_logical3A_57 = arith.shrui %get3A_54, %shift_right_logical3A_56 : vector<16xi32>
    %swap3A_58 = arith.constant 48 : index
    %swap3A_59 = tpu.vector_load %arg10[%swap3A_58] {strides = array<i32>} : memref<128xi32, #tpu.memory_space<vmem>>, vector<16xi32>,
    tpu.vector_store %arg10[%swap3A_58], %shift_right_logical3A_57 {strides = array<i32>} : memref<128xi32, #tpu.memory_space<vmem>>, vector<16xi32>,
    %and3A_60 = arith.constant 1 : i32
    %and3A_61 = vector.broadcast %and3A_60 : i32 to vector<16xi32>
    %and3A_62 = arith.andi %get3A_54, %and3A_61 : vector<16xi32>
    %shift_left3A_63 = arith.constant 6 : i32
    %shift_left3A_64 = vector.broadcast %shift_left3A_63 : i32 to vector<16xi32>
    %shift_left3A_65 = arith.shli %and3A_62, %shift_left3A_64 : vector<16xi32>
    %swap3A_66 = arith.constant 48 : index
    %swap3A_67 = tpu.vector_load %arg12[%swap3A_66] {strides = array<i32>} : memref<144xi32, #tpu.memory_space<vmem>>, vector<16xi32>,
    tpu.vector_store %arg12[%swap3A_66], %shift_left3A_65 {strides = array<i32>} : memref<144xi32, #tpu.memory_space<vmem>>, vector<16xi32>,
    %get3A_68 = arith.constant 0 : i32
    %get3A_69 = arith.index_cast %get3A_68 : i32 to index
    %get3A_70 = arith.constant 64 : index
    %get3A_71 = tpu.vector_load %arg5[%get3A_69, %get3A_70] {strides = array<i32>} : memref<200x128xi32, #tpu.memory_space<vmem>>, vector<16xi32>,
    %shift_right_logical3A_72 = arith.constant 1 : i32
    %shift_right_logical3A_73 = vector.broadcast %shift_right_logical3A_72 : i32 to vector<16xi32>
    %shift_right_logical3A_74 = arith.shrui %get3A_71, %shift_right_logical3A_73 : vector<16xi32>
    %swap3A_75 = arith.constant 64 : index
    %swap3A_76 = tpu.vector_load %arg10[%swap3A_75] {strides = array<i32>} : memref<128xi32, #tpu.memory_space<vmem>>, vector<16xi32>,
    tpu.vector_store %arg10[%swap3A_75], %shift_right_logical3A_74 {strides = array<i32>} : memref<128xi32, #tpu.memory_space<vmem>>, vector<16xi32>,
    %and3A_77 = arith.constant 1 : i32
    %and3A_78 = vector.broadcast %and3A_77 : i32 to vector<16xi32>
    %and3A_79 = arith.andi %get3A_71, %and3A_78 : vector<16xi32>
    %shift_left3A_80 = arith.constant 6 : i32
    %shift_left3A_81 = vector.broadcast %shift_left3A_80 : i32 to vector<16xi32>
    %shift_left3A_82 = arith.shli %and3A_79, %shift_left3A_81 : vector<16xi32>
    %swap3A_83 = arith.constant 64 : index
    %swap3A_84 = tpu.vector_load %arg12[%swap3A_83] {strides = array<i32>} : memref<144xi32, #tpu.memory_space<vmem>>, vector<16xi32>,
    tpu.vector_store %arg12[%swap3A_83], %shift_left3A_82 {strides = array<i32>} : memref<144xi32, #tpu.memory_space<vmem>>, vector<16xi32>,
    %get3A_85 = arith.constant 0 : i32
    %get3A_86 = arith.index_cast %get3A_85 : i32 to index
    %get3A_87 = arith.constant 80 : index
    %get3A_88 = tpu.vector_load %arg5[%get3A_86, %get3A_87] {strides = array<i32>} : memref<200x128xi32, #tpu.memory_space<vmem>>, vector<16xi32>,
    %shift_right_logical3A_89 = arith.constant 1 : i32
    %shift_right_logical3A_90 = vector.broadcast %shift_right_logical3A_89 : i32 to vector<16xi32>
    %shift_right_logical3A_91 = arith.shrui %get3A_88, %shift_right_logical3A_90 : vector<16xi32>
    %swap3A_92 = arith.constant 80 : index
    %swap3A_93 = tpu.vector_load %arg10[%swap3A_92] {strides = array<i32>} : memref<128xi32, #tpu.memory_space<vmem>>, vector<16xi32>,
    tpu.vector_store %arg10[%swap3A_92], %shift_right_logical3A_91 {strides = array<i32>} : memref<128xi32, #tpu.memory_space<vmem>>, vector<16xi32>,
    %and3A_94 = arith.constant 1 : i32
    %and3A_95 = vector.broadcast %and3A_94 : i32 to vector<16xi32>
    %and3A_96 = arith.andi %get3A_88, %and3A_95 : vector<16xi32>
    %shift_left3A_97 = arith.constant 6 : i32
    %shift_left3A_98 = vector.broadcast %shift_left3A_97 : i32 to vector<16xi32>
    %shift_left3A_99 = arith.shli %and3A_96, %shift_left3A_98 : vector<16xi32>
    %swap3A_100 = arith.constant 80 : index
    %swap3A_101 = tpu.vector_load %arg12[%swap3A_100] {strides = array<i32>} : memref<144xi32, #tpu.memory_space<vmem>>, vector<16xi32>,
    tpu.vector_store %arg12[%swap3A_100], %shift_left3A_99 {strides = array<i32>} : memref<144xi32, #tpu.memory_space<vmem>>, vector<16xi32>,
    %get3A_102 = arith.constant 0 : i32
    %get3A_103 = arith.index_cast %get3A_102 : i32 to index
    %get3A_104 = arith.constant 96 : index
    %get3A_105 = tpu.vector_load %arg5[%get3A_103, %get3A_104] {strides = array<i32>} : memref<200x128xi32, #tpu.memory_space<vmem>>, vector<16xi32>,
    %shift_right_logical3A_106 = arith.constant 1 : i32
    %shift_right_logical3A_107 = vector.broadcast %shift_right_logical3A_106 : i32 to vector<16xi32>
    %shift_right_logical3A_108 = arith.shrui %get3A_105, %shift_right_logical3A_107 : vector<16xi32>
    %swap3A_109 = arith.constant 96 : index
    %swap3A_110 = tpu.vector_load %arg10[%swap3A_109] {strides = array<i32>} : memref<128xi32, #tpu.memory_space<vmem>>, vector<16xi32>,
    tpu.vector_store %arg10[%swap3A_109], %shift_right_logical3A_108 {strides = array<i32>} : memref<128xi32, #tpu.memory_space<vmem>>, vector<16xi32>,
    %and3A_111 = arith.constant 1 : i32
    %and3A_112 = vector.broadcast %and3A_111 : i32 to vector<16xi32>
    %and3A_113 = arith.andi %get3A_105, %and3A_112 : vector<16xi32>
    %shift_left3A_114 = arith.constant 6 : i32
    %shift_left3A_115 = vector.broadcast %shift_left3A_114 : i32 to vector<16xi32>
    %shift_left3A_116 = arith.shli %and3A_113, %shift_left3A_115 : vector<16xi32>
    %swap3A_117 = arith.constant 96 : index
    %swap3A_118 = tpu.vector_load %arg12[%swap3A_117] {strides = array<i32>} : memref<144xi32, #tpu.memory_space<vmem>>, vector<16xi32>,
    tpu.vector_store %arg12[%swap3A_117], %shift_left3A_116 {strides = array<i32>} : memref<144xi32, #tpu.memory_space<vmem>>, vector<16xi32>,
    %get3A_119 = arith.constant 0 : i32
    %get3A_120 = arith.index_cast %get3A_119 : i32 to index
    %get3A_121 = arith.constant 112 : index
    %get3A_122 = tpu.vector_load %arg5[%get3A_120, %get3A_121] {strides = array<i32>} : memref<200x128xi32, #tpu.memory_space<vmem>>, vector<16xi32>,
    %shift_right_logical3A_123 = arith.constant 1 : i32
    %shift_right_logical3A_124 = vector.broadcast %shift_right_logical3A_123 : i32 to vector<16xi32>
    %shift_right_logical3A_125 = arith.shrui %get3A_122, %shift_right_logical3A_124 : vector<16xi32>
    %swap3A_126 = arith.constant 112 : index
    %swap3A_127 = tpu.vector_load %arg10[%swap3A_126] {strides = array<i32>} : memref<128xi32, #tpu.memory_space<vmem>>, vector<16xi32>,
    tpu.vector_store %arg10[%swap3A_126], %shift_right_logical3A_125 {strides = array<i32>} : memref<128xi32, #tpu.memory_space<vmem>>, vector<16xi32>,
    %and3A_128 = arith.constant 1 : i32
    %and3A_129 = vector.broadcast %and3A_128 : i32 to vector<16xi32>
    %and3A_130 = arith.andi %get3A_122, %and3A_129 : vector<16xi32>
    %shift_left3A_131 = arith.constant 6 : i32
    %shift_left3A_132 = vector.broadcast %shift_left3A_131 : i32 to vector<16xi32>
    %shift_left3A_133 = arith.shli %and3A_130, %shift_left3A_132 : vector<16xi32>
    %swap3A_134 = arith.constant 112 : index
    %swap3A_135 = tpu.vector_load %arg12[%swap3A_134] {strides = array<i32>} : memref<144xi32, #tpu.memory_space<vmem>>, vector<16xi32>,
    tpu.vector_store %arg12[%swap3A_134], %shift_left3A_133 {strides = array<i32>} : memref<144xi32, #tpu.memory_space<vmem>>, vector<16xi32>,
    %dma_start3A = arith.constant 0 : i32
    %dma_start3A_136 = arith.constant 0 : i32
    %dma_start3A_137 = tpu.memref_slice %arg2[%dma_start3A, %dma_start3A_136] : memref<500000x128xf32, #tpu.memory_space<hbm>> -> memref<500000x128xf32, #tpu.memory_space<hbm>>
    tpu.enqueue_indirect_dma source(%dma_start3A_137 : memref<500000x128xf32, #tpu.memory_space<hbm>>) target(%arg6 : memref<128x128xf32, #tpu.memory_space<vmem>>) offsets(%arg10 : memref<128xi32, #tpu.memory_space<vmem>>) semaphore(%arg14 : memref<!tpu.dma_semaphore, #tpu.memory_space<semaphore_mem>>)
    %scan3A = arith.constant 0 : i32
    %scan3A_138 = arith.constant 100 : i32
    %scan3A_139 = arith.addi %scan3A, %scan3A_138 : i32
    %scan3A_140 = arith.constant 1 : i32
    scf.for %scan3A_157 = %scan3A to %scan3A_139 step %scan3A_140  : i32 {
      %mul3A_158 = arith.constant 1 : i32
      %mul3A_159 = arith.muli %scan3A_157, %mul3A_158 : i32
      %add3A_160 = arith.constant 0 : i32
      %add3A_161 = arith.addi %add3A_160, %mul3A_159 : i32
      %mul3A_162 = arith.constant 2 : i32
      %mul3A_163 = arith.muli %mul3A_162, %add3A_161 : i32
      %add3A_164 = arith.constant 1 : i32
      %add3A_165 = arith.addi %mul3A_163, %add3A_164 : i32
      %get3A_166 = arith.index_cast %add3A_165 : i32 to index
      %get3A_167 = arith.constant 0 : index
      %get3A_168 = tpu.vector_load %arg5[%get3A_166, %get3A_167] {strides = array<i32>} : memref<200x128xi32, #tpu.memory_space<vmem>>, vector<16xi32>,
      %shift_right_logical3A_169 = arith.constant 1 : i32
      %shift_right_logical3A_170 = vector.broadcast %shift_right_logical3A_169 : i32 to vector<16xi32>
      %shift_right_logical3A_171 = arith.shrui %get3A_168, %shift_right_logical3A_170 : vector<16xi32>
      %swap3A_172 = arith.constant 0 : index
      %swap3A_173 = tpu.vector_load %arg11[%swap3A_172] {strides = array<i32>} : memref<128xi32, #tpu.memory_space<vmem>>, vector<16xi32>,
      tpu.vector_store %arg11[%swap3A_172], %shift_right_logical3A_171 {strides = array<i32>} : memref<128xi32, #tpu.memory_space<vmem>>, vector<16xi32>,
      %and3A_174 = arith.constant 1 : i32
      %and3A_175 = vector.broadcast %and3A_174 : i32 to vector<16xi32>
      %and3A_176 = arith.andi %get3A_168, %and3A_175 : vector<16xi32>
      %shift_left3A_177 = arith.constant 6 : i32
      %shift_left3A_178 = vector.broadcast %shift_left3A_177 : i32 to vector<16xi32>
      %shift_left3A_179 = arith.shli %and3A_176, %shift_left3A_178 : vector<16xi32>
      %swap3A_180 = arith.constant 0 : index
      %swap3A_181 = tpu.vector_load %arg13[%swap3A_180] {strides = array<i32>} : memref<144xi32, #tpu.memory_space<vmem>>, vector<16xi32>,
      tpu.vector_store %arg13[%swap3A_180], %shift_left3A_179 {strides = array<i32>} : memref<144xi32, #tpu.memory_space<vmem>>, vector<16xi32>,
      %get3A_182 = arith.index_cast %add3A_165 : i32 to index
      %get3A_183 = arith.constant 16 : index
      %get3A_184 = tpu.vector_load %arg5[%get3A_182, %get3A_183] {strides = array<i32>} : memref<200x128xi32, #tpu.memory_space<vmem>>, vector<16xi32>,
      %shift_right_logical3A_185 = arith.constant 1 : i32
      %shift_right_logical3A_186 = vector.broadcast %shift_right_logical3A_185 : i32 to vector<16xi32>
      %shift_right_logical3A_187 = arith.shrui %get3A_184, %shift_right_logical3A_186 : vector<16xi32>
      %swap3A_188 = arith.constant 16 : index
      %swap3A_189 = tpu.vector_load %arg11[%swap3A_188] {strides = array<i32>} : memref<128xi32, #tpu.memory_space<vmem>>, vector<16xi32>,
      tpu.vector_store %arg11[%swap3A_188], %shift_right_logical3A_187 {strides = array<i32>} : memref<128xi32, #tpu.memory_space<vmem>>, vector<16xi32>,
      %and3A_190 = arith.constant 1 : i32
      %and3A_191 = vector.broadcast %and3A_190 : i32 to vector<16xi32>
      %and3A_192 = arith.andi %get3A_184, %and3A_191 : vector<16xi32>
      %shift_left3A_193 = arith.constant 6 : i32
      %shift_left3A_194 = vector.broadcast %shift_left3A_193 : i32 to vector<16xi32>
      %shift_left3A_195 = arith.shli %and3A_192, %shift_left3A_194 : vector<16xi32>
      %swap3A_196 = arith.constant 16 : index
      %swap3A_197 = tpu.vector_load %arg13[%swap3A_196] {strides = array<i32>} : memref<144xi32, #tpu.memory_space<vmem>>, vector<16xi32>,
      tpu.vector_store %arg13[%swap3A_196], %shift_left3A_195 {strides = array<i32>} : memref<144xi32, #tpu.memory_space<vmem>>, vector<16xi32>,
      %get3A_198 = arith.index_cast %add3A_165 : i32 to index
      %get3A_199 = arith.constant 32 : index
      %get3A_200 = tpu.vector_load %arg5[%get3A_198, %get3A_199] {strides = array<i32>} : memref<200x128xi32, #tpu.memory_space<vmem>>, vector<16xi32>,
      %shift_right_logical3A_201 = arith.constant 1 : i32
      %shift_right_logical3A_202 = vector.broadcast %shift_right_logical3A_201 : i32 to vector<16xi32>
      %shift_right_logical3A_203 = arith.shrui %get3A_200, %shift_right_logical3A_202 : vector<16xi32>
      %swap3A_204 = arith.constant 32 : index
      %swap3A_205 = tpu.vector_load %arg11[%swap3A_204] {strides = array<i32>} : memref<128xi32, #tpu.memory_space<vmem>>, vector<16xi32>,
      tpu.vector_store %arg11[%swap3A_204], %shift_right_logical3A_203 {strides = array<i32>} : memref<128xi32, #tpu.memory_space<vmem>>, vector<16xi32>,
      %and3A_206 = arith.constant 1 : i32
      %and3A_207 = vector.broadcast %and3A_206 : i32 to vector<16xi32>
      %and3A_208 = arith.andi %get3A_200, %and3A_207 : vector<16xi32>
      %shift_left3A_209 = arith.constant 6 : i32
      %shift_left3A_210 = vector.broadcast %shift_left3A_209 : i32 to vector<16xi32>
      %shift_left3A_211 = arith.shli %and3A_208, %shift_left3A_210 : vector<16xi32>
      %swap3A_212 = arith.constant 32 : index
      %swap3A_213 = tpu.vector_load %arg13[%swap3A_212] {strides = array<i32>} : memref<144xi32, #tpu.memory_space<vmem>>, vector<16xi32>,
      tpu.vector_store %arg13[%swap3A_212], %shift_left3A_211 {strides = array<i32>} : memref<144xi32, #tpu.memory_space<vmem>>, vector<16xi32>,
      %get3A_214 = arith.index_cast %add3A_165 : i32 to index
      %get3A_215 = arith.constant 48 : index
      %get3A_216 = tpu.vector_load %arg5[%get3A_214, %get3A_215] {strides = array<i32>} : memref<200x128xi32, #tpu.memory_space<vmem>>, vector<16xi32>,
      %shift_right_logical3A_217 = arith.constant 1 : i32
      %shift_right_logical3A_218 = vector.broadcast %shift_right_logical3A_217 : i32 to vector<16xi32>
      %shift_right_logical3A_219 = arith.shrui %get3A_216, %shift_right_logical3A_218 : vector<16xi32>
      %swap3A_220 = arith.constant 48 : index
      %swap3A_221 = tpu.vector_load %arg11[%swap3A_220] {strides = array<i32>} : memref<128xi32, #tpu.memory_space<vmem>>, vector<16xi32>,
      tpu.vector_store %arg11[%swap3A_220], %shift_right_logical3A_219 {strides = array<i32>} : memref<128xi32, #tpu.memory_space<vmem>>, vector<16xi32>,
      %and3A_222 = arith.constant 1 : i32
      %and3A_223 = vector.broadcast %and3A_222 : i32 to vector<16xi32>
      %and3A_224 = arith.andi %get3A_216, %and3A_223 : vector<16xi32>
      %shift_left3A_225 = arith.constant 6 : i32
      %shift_left3A_226 = vector.broadcast %shift_left3A_225 : i32 to vector<16xi32>
      %shift_left3A_227 = arith.shli %and3A_224, %shift_left3A_226 : vector<16xi32>
      %swap3A_228 = arith.constant 48 : index
      %swap3A_229 = tpu.vector_load %arg13[%swap3A_228] {strides = array<i32>} : memref<144xi32, #tpu.memory_space<vmem>>, vector<16xi32>,
      tpu.vector_store %arg13[%swap3A_228], %shift_left3A_227 {strides = array<i32>} : memref<144xi32, #tpu.memory_space<vmem>>, vector<16xi32>,
      %get3A_230 = arith.index_cast %add3A_165 : i32 to index
      %get3A_231 = arith.constant 64 : index
      %get3A_232 = tpu.vector_load %arg5[%get3A_230, %get3A_231] {strides = array<i32>} : memref<200x128xi32, #tpu.memory_space<vmem>>, vector<16xi32>,
      %shift_right_logical3A_233 = arith.constant 1 : i32
      %shift_right_logical3A_234 = vector.broadcast %shift_right_logical3A_233 : i32 to vector<16xi32>
      %shift_right_logical3A_235 = arith.shrui %get3A_232, %shift_right_logical3A_234 : vector<16xi32>
      %swap3A_236 = arith.constant 64 : index
      %swap3A_237 = tpu.vector_load %arg11[%swap3A_236] {strides = array<i32>} : memref<128xi32, #tpu.memory_space<vmem>>, vector<16xi32>,
      tpu.vector_store %arg11[%swap3A_236], %shift_right_logical3A_235 {strides = array<i32>} : memref<128xi32, #tpu.memory_space<vmem>>, vector<16xi32>,
      %and3A_238 = arith.constant 1 : i32
      %and3A_239 = vector.broadcast %and3A_238 : i32 to vector<16xi32>
      %and3A_240 = arith.andi %get3A_232, %and3A_239 : vector<16xi32>
      %shift_left3A_241 = arith.constant 6 : i32
      %shift_left3A_242 = vector.broadcast %shift_left3A_241 : i32 to vector<16xi32>
      %shift_left3A_243 = arith.shli %and3A_240, %shift_left3A_242 : vector<16xi32>
      %swap3A_244 = arith.constant 64 : index
      %swap3A_245 = tpu.vector_load %arg13[%swap3A_244] {strides = array<i32>} : memref<144xi32, #tpu.memory_space<vmem>>, vector<16xi32>,
      tpu.vector_store %arg13[%swap3A_244], %shift_left3A_243 {strides = array<i32>} : memref<144xi32, #tpu.memory_space<vmem>>, vector<16xi32>,
      %get3A_246 = arith.index_cast %add3A_165 : i32 to index
      %get3A_247 = arith.constant 80 : index
      %get3A_248 = tpu.vector_load %arg5[%get3A_246, %get3A_247] {strides = array<i32>} : memref<200x128xi32, #tpu.memory_space<vmem>>, vector<16xi32>,
      %shift_right_logical3A_249 = arith.constant 1 : i32
      %shift_right_logical3A_250 = vector.broadcast %shift_right_logical3A_249 : i32 to vector<16xi32>
      %shift_right_logical3A_251 = arith.shrui %get3A_248, %shift_right_logical3A_250 : vector<16xi32>
      %swap3A_252 = arith.constant 80 : index
      %swap3A_253 = tpu.vector_load %arg11[%swap3A_252] {strides = array<i32>} : memref<128xi32, #tpu.memory_space<vmem>>, vector<16xi32>,
      tpu.vector_store %arg11[%swap3A_252], %shift_right_logical3A_251 {strides = array<i32>} : memref<128xi32, #tpu.memory_space<vmem>>, vector<16xi32>,
      %and3A_254 = arith.constant 1 : i32
      %and3A_255 = vector.broadcast %and3A_254 : i32 to vector<16xi32>
      %and3A_256 = arith.andi %get3A_248, %and3A_255 : vector<16xi32>
      %shift_left3A_257 = arith.constant 6 : i32
      %shift_left3A_258 = vector.broadcast %shift_left3A_257 : i32 to vector<16xi32>
      %shift_left3A_259 = arith.shli %and3A_256, %shift_left3A_258 : vector<16xi32>
      %swap3A_260 = arith.constant 80 : index
      %swap3A_261 = tpu.vector_load %arg13[%swap3A_260] {strides = array<i32>} : memref<144xi32, #tpu.memory_space<vmem>>, vector<16xi32>,
      tpu.vector_store %arg13[%swap3A_260], %shift_left3A_259 {strides = array<i32>} : memref<144xi32, #tpu.memory_space<vmem>>, vector<16xi32>,
      %get3A_262 = arith.index_cast %add3A_165 : i32 to index
      %get3A_263 = arith.constant 96 : index
      %get3A_264 = tpu.vector_load %arg5[%get3A_262, %get3A_263] {strides = array<i32>} : memref<200x128xi32, #tpu.memory_space<vmem>>, vector<16xi32>,
      %shift_right_logical3A_265 = arith.constant 1 : i32
      %shift_right_logical3A_266 = vector.broadcast %shift_right_logical3A_265 : i32 to vector<16xi32>
      %shift_right_logical3A_267 = arith.shrui %get3A_264, %shift_right_logical3A_266 : vector<16xi32>
      %swap3A_268 = arith.constant 96 : index
      %swap3A_269 = tpu.vector_load %arg11[%swap3A_268] {strides = array<i32>} : memref<128xi32, #tpu.memory_space<vmem>>, vector<16xi32>,
      tpu.vector_store %arg11[%swap3A_268], %shift_right_logical3A_267 {strides = array<i32>} : memref<128xi32, #tpu.memory_space<vmem>>, vector<16xi32>,
      %and3A_270 = arith.constant 1 : i32
      %and3A_271 = vector.broadcast %and3A_270 : i32 to vector<16xi32>
      %and3A_272 = arith.andi %get3A_264, %and3A_271 : vector<16xi32>
      %shift_left3A_273 = arith.constant 6 : i32
      %shift_left3A_274 = vector.broadcast %shift_left3A_273 : i32 to vector<16xi32>
      %shift_left3A_275 = arith.shli %and3A_272, %shift_left3A_274 : vector<16xi32>
      %swap3A_276 = arith.constant 96 : index
      %swap3A_277 = tpu.vector_load %arg13[%swap3A_276] {strides = array<i32>} : memref<144xi32, #tpu.memory_space<vmem>>, vector<16xi32>,
      tpu.vector_store %arg13[%swap3A_276], %shift_left3A_275 {strides = array<i32>} : memref<144xi32, #tpu.memory_space<vmem>>, vector<16xi32>,
      %get3A_278 = arith.index_cast %add3A_165 : i32 to index
      %get3A_279 = arith.constant 112 : index
      %get3A_280 = tpu.vector_load %arg5[%get3A_278, %get3A_279] {strides = array<i32>} : memref<200x128xi32, #tpu.memory_space<vmem>>, vector<16xi32>,
      %shift_right_logical3A_281 = arith.constant 1 : i32
      %shift_right_logical3A_282 = vector.broadcast %shift_right_logical3A_281 : i32 to vector<16xi32>
      %shift_right_logical3A_283 = arith.shrui %get3A_280, %shift_right_logical3A_282 : vector<16xi32>
      %swap3A_284 = arith.constant 112 : index
      %swap3A_285 = tpu.vector_load %arg11[%swap3A_284] {strides = array<i32>} : memref<128xi32, #tpu.memory_space<vmem>>, vector<16xi32>,
      tpu.vector_store %arg11[%swap3A_284], %shift_right_logical3A_283 {strides = array<i32>} : memref<128xi32, #tpu.memory_space<vmem>>, vector<16xi32>,
      %and3A_286 = arith.constant 1 : i32
      %and3A_287 = vector.broadcast %and3A_286 : i32 to vector<16xi32>
      %and3A_288 = arith.andi %get3A_280, %and3A_287 : vector<16xi32>
      %shift_left3A_289 = arith.constant 6 : i32
      %shift_left3A_290 = vector.broadcast %shift_left3A_289 : i32 to vector<16xi32>
      %shift_left3A_291 = arith.shli %and3A_288, %shift_left3A_290 : vector<16xi32>
      %swap3A_292 = arith.constant 112 : index
      %swap3A_293 = tpu.vector_load %arg13[%swap3A_292] {strides = array<i32>} : memref<144xi32, #tpu.memory_space<vmem>>, vector<16xi32>,
      tpu.vector_store %arg13[%swap3A_292], %shift_left3A_291 {strides = array<i32>} : memref<144xi32, #tpu.memory_space<vmem>>, vector<16xi32>,
      %dma_start3A_294 = arith.constant 0 : i32
      %dma_start3A_295 = arith.constant 0 : i32
      %dma_start3A_296 = tpu.memref_slice %arg2[%dma_start3A_294, %dma_start3A_295] : memref<500000x128xf32, #tpu.memory_space<hbm>> -> memref<500000x128xf32, #tpu.memory_space<hbm>>
      tpu.enqueue_indirect_dma source(%dma_start3A_296 : memref<500000x128xf32, #tpu.memory_space<hbm>>) target(%arg7 : memref<128x128xf32, #tpu.memory_space<vmem>>) offsets(%arg11 : memref<128xi32, #tpu.memory_space<vmem>>) semaphore(%arg15 : memref<!tpu.dma_semaphore, #tpu.memory_space<semaphore_mem>>)
      %dma_wait3A_297 = arith.constant 0 : i32
      %dma_wait3A_298 = arith.constant 0 : i32
      %dma_wait3A_299 = tpu.memref_slice %arg2[%dma_wait3A_297, %dma_wait3A_298] : memref<500000x128xf32, #tpu.memory_space<hbm>> -> memref<500000x128xf32, #tpu.memory_space<hbm>>
      tpu.wait_indirect_dma semaphore(%arg14 : memref<!tpu.dma_semaphore, #tpu.memory_space<semaphore_mem>>) src(%dma_wait3A_299 : memref<500000x128xf32, #tpu.memory_space<hbm>>) dst(%arg6 : memref<128x128xf32, #tpu.memory_space<vmem>>)
      %gt3A = arith.constant 0 : i32
      %gt3A_300 = arith.cmpi sgt, %add3A_161, %gt3A : i32
      %convert_element_type3A = arith.extui %gt3A_300 : i1 to i32
      %cond3A = arith.constant 0 : i32
      %cond3A_301 = arith.cmpi ne, %convert_element_type3A, %cond3A : i32
      scf.if %cond3A_301 {
        %sub3A = arith.constant 2 : i32
        %sub3A_361 = arith.subi %mul3A_163, %sub3A : i32
        %add3A_362 = arith.addi %mul3A_4, %sub3A_361 : i32
        %mul3A_363 = arith.constant 128 : i32
        %mul3A_364 = arith.muli %add3A_362, %mul3A_363 : i32
        %dma_wait3A_365 = arith.constant 0 : i32
        %dma_wait3A_366 = tpu.memref_slice %arg4[%mul3A_364, %dma_wait3A_365] : memref<819200x64xf32, #tpu.memory_space<hbm>> -> memref<128x64xf32, #tpu.memory_space<hbm>>
        %dma_wait3A_367 = arith.constant 0 : i32
        %dma_wait3A_368 = tpu.memref_slice %arg4[%mul3A_364, %dma_wait3A_367] : memref<819200x64xf32, #tpu.memory_space<hbm>> -> memref<128x64xf32, #tpu.memory_space<hbm>>
        tpu.wait_dma2 semaphore(%arg16 : memref<!tpu.dma_semaphore, #tpu.memory_space<semaphore_mem>>) src(%arg8 : memref<128x64xf32, #tpu.memory_space<vmem>>) dst(%dma_wait3A_368 : memref<128x64xf32, #tpu.memory_space<hbm>>)
      } else {
      }
      %iota3A = tpu.iota {dimensions = array<i32: 0>} : vector<16xi32>
      %xor3A = arith.constant 1 : i32
      %xor3A_302 = vector.broadcast %xor3A : i32 to vector<16xi32>
      %xor3A_303 = arith.xori %iota3A, %xor3A_302 : vector<16xi32>
      %xor3A_304 = arith.constant 2 : i32
      %xor3A_305 = vector.broadcast %xor3A_304 : i32 to vector<16xi32>
      %xor3A_306 = arith.xori %iota3A, %xor3A_305 : vector<16xi32>
      %xor3A_307 = arith.constant 4 : i32
      %xor3A_308 = vector.broadcast %xor3A_307 : i32 to vector<16xi32>
      %xor3A_309 = arith.xori %iota3A, %xor3A_308 : vector<16xi32>
      %xor3A_310 = arith.constant 8 : i32
      %xor3A_311 = vector.broadcast %xor3A_310 : i32 to vector<16xi32>
      %xor3A_312 = arith.xori %iota3A, %xor3A_311 : vector<16xi32>
      %parallel_loop3A = arith.constant 0 : i32
      %parallel_loop3A_313 = arith.constant 128 : i32
      %parallel_loop3A_314 = arith.constant 1 : i32
      scf.for %parallel_loop3A_361 = %parallel_loop3A to %parallel_loop3A_313 step %parallel_loop3A_314  : i32 {
        %parallel_loop3A_362 = arith.index_cast %parallel_loop3A_361 : i32 to index
        %parallel_loop3A_363 = tpu.vector_load %arg12[%parallel_loop3A_362] {strides = array<i32>} : memref<144xi32, #tpu.memory_space<vmem>>, vector<16xi32>,
        %parallel_loop3A_364 = vector.extract_strided_slice %parallel_loop3A_363 {offsets = [0], sizes = [1], strides = [1]} : vector<16xi32> to vector<1xi32>
        %parallel_loop3A_365 = vector.extract %parallel_loop3A_364[0] : i32 from vector<1xi32>
        %parallel_loop3A_366 = arith.constant 0 : i32
        %parallel_loop3A_367 = arith.addi %parallel_loop3A_365, %parallel_loop3A_366 : i32
        %parallel_loop3A_368 = arith.index_cast %parallel_loop3A_361 : i32 to index
        %parallel_loop3A_369 = arith.index_cast %parallel_loop3A_367 : i32 to index
        %parallel_loop3A_370 = tpu.vector_load %arg6[%parallel_loop3A_368, %parallel_loop3A_369] {strides = array<i32>} : memref<128x128xf32, #tpu.memory_space<vmem>>, vector<16xf32>,
        %parallel_loop3A_371 = arith.constant 16 : i32
        %parallel_loop3A_372 = arith.addi %parallel_loop3A_365, %parallel_loop3A_371 : i32
        %parallel_loop3A_373 = arith.index_cast %parallel_loop3A_361 : i32 to index
        %parallel_loop3A_374 = arith.index_cast %parallel_loop3A_372 : i32 to index
        %parallel_loop3A_375 = tpu.vector_load %arg6[%parallel_loop3A_373, %parallel_loop3A_374] {strides = array<i32>} : memref<128x128xf32, #tpu.memory_space<vmem>>, vector<16xf32>,
        %parallel_loop3A_376 = arith.constant 32 : i32
        %parallel_loop3A_377 = arith.addi %parallel_loop3A_365, %parallel_loop3A_376 : i32
        %parallel_loop3A_378 = arith.index_cast %parallel_loop3A_361 : i32 to index
        %parallel_loop3A_379 = arith.index_cast %parallel_loop3A_377 : i32 to index
        %parallel_loop3A_380 = tpu.vector_load %arg6[%parallel_loop3A_378, %parallel_loop3A_379] {strides = array<i32>} : memref<128x128xf32, #tpu.memory_space<vmem>>, vector<16xf32>,
        %parallel_loop3A_381 = arith.constant 48 : i32
        %parallel_loop3A_382 = arith.addi %parallel_loop3A_365, %parallel_loop3A_381 : i32
        %parallel_loop3A_383 = arith.index_cast %parallel_loop3A_361 : i32 to index
        %parallel_loop3A_384 = arith.index_cast %parallel_loop3A_382 : i32 to index
        %parallel_loop3A_385 = tpu.vector_load %arg6[%parallel_loop3A_383, %parallel_loop3A_384] {strides = array<i32>} : memref<128x128xf32, #tpu.memory_space<vmem>>, vector<16xf32>,
        %parallel_loop3A_386 = arith.mulf %parallel_loop3A_370, %parallel_loop3A_370 : vector<16xf32>
        %parallel_loop3A_387 = arith.mulf %parallel_loop3A_375, %parallel_loop3A_375 : vector<16xf32>
        %parallel_loop3A_388 = arith.addf %parallel_loop3A_386, %parallel_loop3A_387 : vector<16xf32>
        %parallel_loop3A_389 = arith.mulf %parallel_loop3A_380, %parallel_loop3A_380 : vector<16xf32>
        %parallel_loop3A_390 = arith.addf %parallel_loop3A_388, %parallel_loop3A_389 : vector<16xf32>
        %parallel_loop3A_391 = arith.mulf %parallel_loop3A_385, %parallel_loop3A_385 : vector<16xf32>
        %parallel_loop3A_392 = arith.addf %parallel_loop3A_390, %parallel_loop3A_391 : vector<16xf32>
        %parallel_loop3A_393 = arith.constant 0 : i32
        %parallel_loop3A_394 = vector.broadcast %parallel_loop3A_393 : i32 to vector<16xi32>
        %parallel_loop3A_395 = arith.cmpi slt, %xor3A_303, %parallel_loop3A_394 : vector<16xi32>
        %parallel_loop3A_396 = arith.constant 16 : i32
        %parallel_loop3A_397 = vector.broadcast %parallel_loop3A_396 : i32 to vector<16xi32>
        %parallel_loop3A_398 = arith.addi %xor3A_303, %parallel_loop3A_397 : vector<16xi32>
        %parallel_loop3A_399 = arith.select %parallel_loop3A_395, %parallel_loop3A_398, %xor3A_303 : vector<16xi1>, vector<16xi32>
        %parallel_loop3A_400 = vector.shape_cast %parallel_loop3A_399 : vector<16xi32> to vector<16x1xi32>
        %parallel_loop3A_401 = vector.shape_cast %parallel_loop3A_400 : vector<16x1xi32> to vector<16xi32>
        %parallel_loop3A_402 = tpu.dynamic_gather %parallel_loop3A_392[%parallel_loop3A_401] in [0] : vector<16xf32>, vector<16xi32> -> vector<16xf32>
        %parallel_loop3A_403 = arith.addf %parallel_loop3A_392, %parallel_loop3A_402 : vector<16xf32>
        %parallel_loop3A_404 = arith.constant 0 : i32
        %parallel_loop3A_405 = vector.broadcast %parallel_loop3A_404 : i32 to vector<16xi32>
        %parallel_loop3A_406 = arith.cmpi slt, %xor3A_306, %parallel_loop3A_405 : vector<16xi32>
        %parallel_loop3A_407 = arith.constant 16 : i32
        %parallel_loop3A_408 = vector.broadcast %parallel_loop3A_407 : i32 to vector<16xi32>
        %parallel_loop3A_409 = arith.addi %xor3A_306, %parallel_loop3A_408 : vector<16xi32>
        %parallel_loop3A_410 = arith.select %parallel_loop3A_406, %parallel_loop3A_409, %xor3A_306 : vector<16xi1>, vector<16xi32>
        %parallel_loop3A_411 = vector.shape_cast %parallel_loop3A_410 : vector<16xi32> to vector<16x1xi32>
        %parallel_loop3A_412 = vector.shape_cast %parallel_loop3A_411 : vector<16x1xi32> to vector<16xi32>
        %parallel_loop3A_413 = tpu.dynamic_gather %parallel_loop3A_403[%parallel_loop3A_412] in [0] : vector<16xf32>, vector<16xi32> -> vector<16xf32>
        %parallel_loop3A_414 = arith.addf %parallel_loop3A_403, %parallel_loop3A_413 : vector<16xf32>
        %parallel_loop3A_415 = arith.constant 0 : i32
        %parallel_loop3A_416 = vector.broadcast %parallel_loop3A_415 : i32 to vector<16xi32>
        %parallel_loop3A_417 = arith.cmpi slt, %xor3A_309, %parallel_loop3A_416 : vector<16xi32>
        %parallel_loop3A_418 = arith.constant 16 : i32
        %parallel_loop3A_419 = vector.broadcast %parallel_loop3A_418 : i32 to vector<16xi32>
        %parallel_loop3A_420 = arith.addi %xor3A_309, %parallel_loop3A_419 : vector<16xi32>
        %parallel_loop3A_421 = arith.select %parallel_loop3A_417, %parallel_loop3A_420, %xor3A_309 : vector<16xi1>, vector<16xi32>
        %parallel_loop3A_422 = vector.shape_cast %parallel_loop3A_421 : vector<16xi32> to vector<16x1xi32>
        %parallel_loop3A_423 = vector.shape_cast %parallel_loop3A_422 : vector<16x1xi32> to vector<16xi32>
        %parallel_loop3A_424 = tpu.dynamic_gather %parallel_loop3A_414[%parallel_loop3A_423] in [0] : vector<16xf32>, vector<16xi32> -> vector<16xf32>
        %parallel_loop3A_425 = arith.addf %parallel_loop3A_414, %parallel_loop3A_424 : vector<16xf32>
        %parallel_loop3A_426 = arith.constant 0 : i32
        %parallel_loop3A_427 = vector.broadcast %parallel_loop3A_426 : i32 to vector<16xi32>
        %parallel_loop3A_428 = arith.cmpi slt, %xor3A_312, %parallel_loop3A_427 : vector<16xi32>
        %parallel_loop3A_429 = arith.constant 16 : i32
        %parallel_loop3A_430 = vector.broadcast %parallel_loop3A_429 : i32 to vector<16xi32>
        %parallel_loop3A_431 = arith.addi %xor3A_312, %parallel_loop3A_430 : vector<16xi32>
        %parallel_loop3A_432 = arith.select %parallel_loop3A_428, %parallel_loop3A_431, %xor3A_312 : vector<16xi1>, vector<16xi32>
        %parallel_loop3A_433 = vector.shape_cast %parallel_loop3A_432 : vector<16xi32> to vector<16x1xi32>
        %parallel_loop3A_434 = vector.shape_cast %parallel_loop3A_433 : vector<16x1xi32> to vector<16xi32>
        %parallel_loop3A_435 = tpu.dynamic_gather %parallel_loop3A_425[%parallel_loop3A_434] in [0] : vector<16xf32>, vector<16xi32> -> vector<16xf32>
        %parallel_loop3A_436 = arith.addf %parallel_loop3A_425, %parallel_loop3A_435 : vector<16xf32>
        %parallel_loop3A_437 = arith.constant 1.000000e-30 : f32
        %parallel_loop3A_438 = vector.broadcast %parallel_loop3A_437 : f32 to vector<16xf32>
        %parallel_loop3A_439 = arith.maximumf %parallel_loop3A_436, %parallel_loop3A_438 : vector<16xf32>
        %parallel_loop3A_440 = vector.bitcast %parallel_loop3A_439 : vector<16xf32> to vector<16xi32>
        %parallel_loop3A_441 = arith.constant 1 : i32
        %parallel_loop3A_442 = vector.broadcast %parallel_loop3A_441 : i32 to vector<16xi32>
        %parallel_loop3A_443 = arith.shrui %parallel_loop3A_440, %parallel_loop3A_442 : vector<16xi32>
        %parallel_loop3A_444 = arith.constant 1597463007 : i32
        %parallel_loop3A_445 = vector.broadcast %parallel_loop3A_444 : i32 to vector<16xi32>
        %parallel_loop3A_446 = arith.subi %parallel_loop3A_445, %parallel_loop3A_443 : vector<16xi32>
        %parallel_loop3A_447 = vector.bitcast %parallel_loop3A_446 : vector<16xi32> to vector<16xf32>
        %parallel_loop3A_448 = arith.constant 5.000000e-01 : f32
        %parallel_loop3A_449 = vector.broadcast %parallel_loop3A_448 : f32 to vector<16xf32>
        %parallel_loop3A_450 = arith.mulf %parallel_loop3A_449, %parallel_loop3A_439 : vector<16xf32>
        %parallel_loop3A_451 = arith.mulf %parallel_loop3A_450, %parallel_loop3A_447 : vector<16xf32>
        %parallel_loop3A_452 = arith.mulf %parallel_loop3A_451, %parallel_loop3A_447 : vector<16xf32>
        %parallel_loop3A_453 = arith.constant 1.500000e+00 : f32
        %parallel_loop3A_454 = vector.broadcast %parallel_loop3A_453 : f32 to vector<16xf32>
        %parallel_loop3A_455 = arith.subf %parallel_loop3A_454, %parallel_loop3A_452 : vector<16xf32>
        %parallel_loop3A_456 = arith.mulf %parallel_loop3A_447, %parallel_loop3A_455 : vector<16xf32>
        %parallel_loop3A_457 = arith.constant 5.000000e-01 : f32
        %parallel_loop3A_458 = vector.broadcast %parallel_loop3A_457 : f32 to vector<16xf32>
        %parallel_loop3A_459 = arith.mulf %parallel_loop3A_458, %parallel_loop3A_439 : vector<16xf32>
        %parallel_loop3A_460 = arith.mulf %parallel_loop3A_459, %parallel_loop3A_456 : vector<16xf32>
        %parallel_loop3A_461 = arith.mulf %parallel_loop3A_460, %parallel_loop3A_456 : vector<16xf32>
        %parallel_loop3A_462 = arith.constant 1.500000e+00 : f32
        %parallel_loop3A_463 = vector.broadcast %parallel_loop3A_462 : f32 to vector<16xf32>
        %parallel_loop3A_464 = arith.subf %parallel_loop3A_463, %parallel_loop3A_461 : vector<16xf32>
        %parallel_loop3A_465 = arith.mulf %parallel_loop3A_456, %parallel_loop3A_464 : vector<16xf32>
        %parallel_loop3A_466 = arith.constant 5.000000e-01 : f32
        %parallel_loop3A_467 = vector.broadcast %parallel_loop3A_466 : f32 to vector<16xf32>
        %parallel_loop3A_468 = arith.mulf %parallel_loop3A_467, %parallel_loop3A_439 : vector<16xf32>
        %parallel_loop3A_469 = arith.mulf %parallel_loop3A_468, %parallel_loop3A_465 : vector<16xf32>
        %parallel_loop3A_470 = arith.mulf %parallel_loop3A_469, %parallel_loop3A_465 : vector<16xf32>
        %parallel_loop3A_471 = arith.constant 1.500000e+00 : f32
        %parallel_loop3A_472 = vector.broadcast %parallel_loop3A_471 : f32 to vector<16xf32>
        %parallel_loop3A_473 = arith.subf %parallel_loop3A_472, %parallel_loop3A_470 : vector<16xf32>
        %parallel_loop3A_474 = arith.mulf %parallel_loop3A_465, %parallel_loop3A_473 : vector<16xf32>
        %parallel_loop3A_475 = arith.mulf %parallel_loop3A_439, %parallel_loop3A_474 : vector<16xf32>
        %parallel_loop3A_476 = arith.constant 9.99999996E-13 : f32
        %parallel_loop3A_477 = vector.broadcast %parallel_loop3A_476 : f32 to vector<16xf32>
        %parallel_loop3A_478 = arith.maximumf %parallel_loop3A_475, %parallel_loop3A_477 : vector<16xf32>
        %parallel_loop3A_479 = arith.constant 8.000000e+00 : f32
        %parallel_loop3A_480 = vector.broadcast %parallel_loop3A_479 : f32 to vector<16xf32>
        %parallel_loop3A_481 = arith.divf %parallel_loop3A_480, %parallel_loop3A_478 : vector<16xf32>
        %parallel_loop3A_482 = arith.mulf %parallel_loop3A_370, %parallel_loop3A_481 : vector<16xf32>
        %parallel_loop3A_483 = arith.index_cast %parallel_loop3A_361 : i32 to index
        %parallel_loop3A_484 = arith.constant 0 : index
        %parallel_loop3A_485 = tpu.vector_load %arg8[%parallel_loop3A_483, %parallel_loop3A_484] {strides = array<i32>} : memref<128x64xf32, #tpu.memory_space<vmem>>, vector<16xf32>,
        tpu.vector_store %arg8[%parallel_loop3A_483, %parallel_loop3A_484], %parallel_loop3A_482 {strides = array<i32>} : memref<128x64xf32, #tpu.memory_space<vmem>>, vector<16xf32>,
        %parallel_loop3A_486 = arith.mulf %parallel_loop3A_375, %parallel_loop3A_481 : vector<16xf32>
        %parallel_loop3A_487 = arith.index_cast %parallel_loop3A_361 : i32 to index
        %parallel_loop3A_488 = arith.constant 16 : index
        %parallel_loop3A_489 = tpu.vector_load %arg8[%parallel_loop3A_487, %parallel_loop3A_488] {strides = array<i32>} : memref<128x64xf32, #tpu.memory_space<vmem>>, vector<16xf32>,
        tpu.vector_store %arg8[%parallel_loop3A_487, %parallel_loop3A_488], %parallel_loop3A_486 {strides = array<i32>} : memref<128x64xf32, #tpu.memory_space<vmem>>, vector<16xf32>,
        %parallel_loop3A_490 = arith.mulf %parallel_loop3A_380, %parallel_loop3A_481 : vector<16xf32>
        %parallel_loop3A_491 = arith.index_cast %parallel_loop3A_361 : i32 to index
        %parallel_loop3A_492 = arith.constant 32 : index
        %parallel_loop3A_493 = tpu.vector_load %arg8[%parallel_loop3A_491, %parallel_loop3A_492] {strides = array<i32>} : memref<128x64xf32, #tpu.memory_space<vmem>>, vector<16xf32>,
        tpu.vector_store %arg8[%parallel_loop3A_491, %parallel_loop3A_492], %parallel_loop3A_490 {strides = array<i32>} : memref<128x64xf32, #tpu.memory_space<vmem>>, vector<16xf32>,
        %parallel_loop3A_494 = arith.mulf %parallel_loop3A_385, %parallel_loop3A_481 : vector<16xf32>
        %parallel_loop3A_495 = arith.index_cast %parallel_loop3A_361 : i32 to index
        %parallel_loop3A_496 = arith.constant 48 : index
        %parallel_loop3A_497 = tpu.vector_load %arg8[%parallel_loop3A_495, %parallel_loop3A_496] {strides = array<i32>} : memref<128x64xf32, #tpu.memory_space<vmem>>, vector<16xf32>,
        tpu.vector_store %arg8[%parallel_loop3A_495, %parallel_loop3A_496], %parallel_loop3A_494 {strides = array<i32>} : memref<128x64xf32, #tpu.memory_space<vmem>>, vector<16xf32>,
      } {sc.loop_unroll_factor = 8 : i64, sc.parallel_access}
      %add3A_315 = arith.addi %mul3A_4, %mul3A_163 : i32
      %mul3A_316 = arith.constant 128 : i32
      %mul3A_317 = arith.muli %add3A_315, %mul3A_316 : i32
      %dma_start3A_318 = arith.constant 0 : i32
      %dma_start3A_319 = tpu.memref_slice %arg4[%mul3A_317, %dma_start3A_318] : memref<819200x64xf32, #tpu.memory_space<hbm>> -> memref<128x64xf32, #tpu.memory_space<hbm>>
      %dma_start3A_320 = arith.constant 0 : i32
      %dma_start3A_321 = tpu.memref_slice %arg4[%mul3A_317, %dma_start3A_320] : memref<819200x64xf32, #tpu.memory_space<hbm>> -> memref<128x64xf32, #tpu.memory_space<hbm>>
      tpu.enqueue_dma source(%arg8 : memref<128x64xf32, #tpu.memory_space<vmem>>) target(%dma_start3A_321 : memref<128x64xf32, #tpu.memory_space<hbm>>) target_semaphore(%arg16 : memref<!tpu.dma_semaphore, #tpu.memory_space<semaphore_mem>>)
      %add3A_322 = arith.constant 2 : i32
      %add3A_323 = arith.addi %mul3A_163, %add3A_322 : i32
      %lt3A = arith.constant 200 : i32
      %lt3A_324 = arith.cmpi slt, %add3A_323, %lt3A : i32
      %convert_element_type3A_325 = arith.extui %lt3A_324 : i1 to i32
      %cond3A_326 = arith.constant 0 : i32
      %cond3A_327 = arith.cmpi ne, %convert_element_type3A_325, %cond3A_326 : i32
      scf.if %cond3A_327 {
        %add3A_361 = arith.constant 2 : i32
        %add3A_362 = arith.addi %mul3A_163, %add3A_361 : i32
        %get3A_363 = arith.index_cast %add3A_362 : i32 to index
        %get3A_364 = arith.constant 0 : index
        %get3A_365 = tpu.vector_load %arg5[%get3A_363, %get3A_364] {strides = array<i32>} : memref<200x128xi32, #tpu.memory_space<vmem>>, vector<16xi32>,
        %shift_right_logical3A_366 = arith.constant 1 : i32
        %shift_right_logical3A_367 = vector.broadcast %shift_right_logical3A_366 : i32 to vector<16xi32>
        %shift_right_logical3A_368 = arith.shrui %get3A_365, %shift_right_logical3A_367 : vector<16xi32>
        %swap3A_369 = arith.constant 0 : index
        %swap3A_370 = tpu.vector_load %arg10[%swap3A_369] {strides = array<i32>} : memref<128xi32, #tpu.memory_space<vmem>>, vector<16xi32>,
        tpu.vector_store %arg10[%swap3A_369], %shift_right_logical3A_368 {strides = array<i32>} : memref<128xi32, #tpu.memory_space<vmem>>, vector<16xi32>,
        %and3A_371 = arith.constant 1 : i32
        %and3A_372 = vector.broadcast %and3A_371 : i32 to vector<16xi32>
        %and3A_373 = arith.andi %get3A_365, %and3A_372 : vector<16xi32>
        %shift_left3A_374 = arith.constant 6 : i32
        %shift_left3A_375 = vector.broadcast %shift_left3A_374 : i32 to vector<16xi32>
        %shift_left3A_376 = arith.shli %and3A_373, %shift_left3A_375 : vector<16xi32>
        %swap3A_377 = arith.constant 0 : index
        %swap3A_378 = tpu.vector_load %arg12[%swap3A_377] {strides = array<i32>} : memref<144xi32, #tpu.memory_space<vmem>>, vector<16xi32>,
        tpu.vector_store %arg12[%swap3A_377], %shift_left3A_376 {strides = array<i32>} : memref<144xi32, #tpu.memory_space<vmem>>, vector<16xi32>,
        %get3A_379 = arith.index_cast %add3A_362 : i32 to index
        %get3A_380 = arith.constant 16 : index
        %get3A_381 = tpu.vector_load %arg5[%get3A_379, %get3A_380] {strides = array<i32>} : memref<200x128xi32, #tpu.memory_space<vmem>>, vector<16xi32>,
        %shift_right_logical3A_382 = arith.constant 1 : i32
        %shift_right_logical3A_383 = vector.broadcast %shift_right_logical3A_382 : i32 to vector<16xi32>
        %shift_right_logical3A_384 = arith.shrui %get3A_381, %shift_right_logical3A_383 : vector<16xi32>
        %swap3A_385 = arith.constant 16 : index
        %swap3A_386 = tpu.vector_load %arg10[%swap3A_385] {strides = array<i32>} : memref<128xi32, #tpu.memory_space<vmem>>, vector<16xi32>,
        tpu.vector_store %arg10[%swap3A_385], %shift_right_logical3A_384 {strides = array<i32>} : memref<128xi32, #tpu.memory_space<vmem>>, vector<16xi32>,
        %and3A_387 = arith.constant 1 : i32
        %and3A_388 = vector.broadcast %and3A_387 : i32 to vector<16xi32>
        %and3A_389 = arith.andi %get3A_381, %and3A_388 : vector<16xi32>
        %shift_left3A_390 = arith.constant 6 : i32
        %shift_left3A_391 = vector.broadcast %shift_left3A_390 : i32 to vector<16xi32>
        %shift_left3A_392 = arith.shli %and3A_389, %shift_left3A_391 : vector<16xi32>
        %swap3A_393 = arith.constant 16 : index
        %swap3A_394 = tpu.vector_load %arg12[%swap3A_393] {strides = array<i32>} : memref<144xi32, #tpu.memory_space<vmem>>, vector<16xi32>,
        tpu.vector_store %arg12[%swap3A_393], %shift_left3A_392 {strides = array<i32>} : memref<144xi32, #tpu.memory_space<vmem>>, vector<16xi32>,
        %get3A_395 = arith.index_cast %add3A_362 : i32 to index
        %get3A_396 = arith.constant 32 : index
        %get3A_397 = tpu.vector_load %arg5[%get3A_395, %get3A_396] {strides = array<i32>} : memref<200x128xi32, #tpu.memory_space<vmem>>, vector<16xi32>,
        %shift_right_logical3A_398 = arith.constant 1 : i32
        %shift_right_logical3A_399 = vector.broadcast %shift_right_logical3A_398 : i32 to vector<16xi32>
        %shift_right_logical3A_400 = arith.shrui %get3A_397, %shift_right_logical3A_399 : vector<16xi32>
        %swap3A_401 = arith.constant 32 : index
        %swap3A_402 = tpu.vector_load %arg10[%swap3A_401] {strides = array<i32>} : memref<128xi32, #tpu.memory_space<vmem>>, vector<16xi32>,
        tpu.vector_store %arg10[%swap3A_401], %shift_right_logical3A_400 {strides = array<i32>} : memref<128xi32, #tpu.memory_space<vmem>>, vector<16xi32>,
        %and3A_403 = arith.constant 1 : i32
        %and3A_404 = vector.broadcast %and3A_403 : i32 to vector<16xi32>
        %and3A_405 = arith.andi %get3A_397, %and3A_404 : vector<16xi32>
        %shift_left3A_406 = arith.constant 6 : i32
        %shift_left3A_407 = vector.broadcast %shift_left3A_406 : i32 to vector<16xi32>
        %shift_left3A_408 = arith.shli %and3A_405, %shift_left3A_407 : vector<16xi32>
        %swap3A_409 = arith.constant 32 : index
        %swap3A_410 = tpu.vector_load %arg12[%swap3A_409] {strides = array<i32>} : memref<144xi32, #tpu.memory_space<vmem>>, vector<16xi32>,
        tpu.vector_store %arg12[%swap3A_409], %shift_left3A_408 {strides = array<i32>} : memref<144xi32, #tpu.memory_space<vmem>>, vector<16xi32>,
        %get3A_411 = arith.index_cast %add3A_362 : i32 to index
        %get3A_412 = arith.constant 48 : index
        %get3A_413 = tpu.vector_load %arg5[%get3A_411, %get3A_412] {strides = array<i32>} : memref<200x128xi32, #tpu.memory_space<vmem>>, vector<16xi32>,
        %shift_right_logical3A_414 = arith.constant 1 : i32
        %shift_right_logical3A_415 = vector.broadcast %shift_right_logical3A_414 : i32 to vector<16xi32>
        %shift_right_logical3A_416 = arith.shrui %get3A_413, %shift_right_logical3A_415 : vector<16xi32>
        %swap3A_417 = arith.constant 48 : index
        %swap3A_418 = tpu.vector_load %arg10[%swap3A_417] {strides = array<i32>} : memref<128xi32, #tpu.memory_space<vmem>>, vector<16xi32>,
        tpu.vector_store %arg10[%swap3A_417], %shift_right_logical3A_416 {strides = array<i32>} : memref<128xi32, #tpu.memory_space<vmem>>, vector<16xi32>,
        %and3A_419 = arith.constant 1 : i32
        %and3A_420 = vector.broadcast %and3A_419 : i32 to vector<16xi32>
        %and3A_421 = arith.andi %get3A_413, %and3A_420 : vector<16xi32>
        %shift_left3A_422 = arith.constant 6 : i32
        %shift_left3A_423 = vector.broadcast %shift_left3A_422 : i32 to vector<16xi32>
        %shift_left3A_424 = arith.shli %and3A_421, %shift_left3A_423 : vector<16xi32>
        %swap3A_425 = arith.constant 48 : index
        %swap3A_426 = tpu.vector_load %arg12[%swap3A_425] {strides = array<i32>} : memref<144xi32, #tpu.memory_space<vmem>>, vector<16xi32>,
        tpu.vector_store %arg12[%swap3A_425], %shift_left3A_424 {strides = array<i32>} : memref<144xi32, #tpu.memory_space<vmem>>, vector<16xi32>,
        %get3A_427 = arith.index_cast %add3A_362 : i32 to index
        %get3A_428 = arith.constant 64 : index
        %get3A_429 = tpu.vector_load %arg5[%get3A_427, %get3A_428] {strides = array<i32>} : memref<200x128xi32, #tpu.memory_space<vmem>>, vector<16xi32>,
        %shift_right_logical3A_430 = arith.constant 1 : i32
        %shift_right_logical3A_431 = vector.broadcast %shift_right_logical3A_430 : i32 to vector<16xi32>
        %shift_right_logical3A_432 = arith.shrui %get3A_429, %shift_right_logical3A_431 : vector<16xi32>
        %swap3A_433 = arith.constant 64 : index
        %swap3A_434 = tpu.vector_load %arg10[%swap3A_433] {strides = array<i32>} : memref<128xi32, #tpu.memory_space<vmem>>, vector<16xi32>,
        tpu.vector_store %arg10[%swap3A_433], %shift_right_logical3A_432 {strides = array<i32>} : memref<128xi32, #tpu.memory_space<vmem>>, vector<16xi32>,
        %and3A_435 = arith.constant 1 : i32
        %and3A_436 = vector.broadcast %and3A_435 : i32 to vector<16xi32>
        %and3A_437 = arith.andi %get3A_429, %and3A_436 : vector<16xi32>
        %shift_left3A_438 = arith.constant 6 : i32
        %shift_left3A_439 = vector.broadcast %shift_left3A_438 : i32 to vector<16xi32>
        %shift_left3A_440 = arith.shli %and3A_437, %shift_left3A_439 : vector<16xi32>
        %swap3A_441 = arith.constant 64 : index
        %swap3A_442 = tpu.vector_load %arg12[%swap3A_441] {strides = array<i32>} : memref<144xi32, #tpu.memory_space<vmem>>, vector<16xi32>,
        tpu.vector_store %arg12[%swap3A_441], %shift_left3A_440 {strides = array<i32>} : memref<144xi32, #tpu.memory_space<vmem>>, vector<16xi32>,
        %get3A_443 = arith.index_cast %add3A_362 : i32 to index
        %get3A_444 = arith.constant 80 : index
        %get3A_445 = tpu.vector_load %arg5[%get3A_443, %get3A_444] {strides = array<i32>} : memref<200x128xi32, #tpu.memory_space<vmem>>, vector<16xi32>,
        %shift_right_logical3A_446 = arith.constant 1 : i32
        %shift_right_logical3A_447 = vector.broadcast %shift_right_logical3A_446 : i32 to vector<16xi32>
        %shift_right_logical3A_448 = arith.shrui %get3A_445, %shift_right_logical3A_447 : vector<16xi32>
        %swap3A_449 = arith.constant 80 : index
        %swap3A_450 = tpu.vector_load %arg10[%swap3A_449] {strides = array<i32>} : memref<128xi32, #tpu.memory_space<vmem>>, vector<16xi32>,
        tpu.vector_store %arg10[%swap3A_449], %shift_right_logical3A_448 {strides = array<i32>} : memref<128xi32, #tpu.memory_space<vmem>>, vector<16xi32>,
        %and3A_451 = arith.constant 1 : i32
        %and3A_452 = vector.broadcast %and3A_451 : i32 to vector<16xi32>
        %and3A_453 = arith.andi %get3A_445, %and3A_452 : vector<16xi32>
        %shift_left3A_454 = arith.constant 6 : i32
        %shift_left3A_455 = vector.broadcast %shift_left3A_454 : i32 to vector<16xi32>
        %shift_left3A_456 = arith.shli %and3A_453, %shift_left3A_455 : vector<16xi32>
        %swap3A_457 = arith.constant 80 : index
        %swap3A_458 = tpu.vector_load %arg12[%swap3A_457] {strides = array<i32>} : memref<144xi32, #tpu.memory_space<vmem>>, vector<16xi32>,
        tpu.vector_store %arg12[%swap3A_457], %shift_left3A_456 {strides = array<i32>} : memref<144xi32, #tpu.memory_space<vmem>>, vector<16xi32>,
        %get3A_459 = arith.index_cast %add3A_362 : i32 to index
        %get3A_460 = arith.constant 96 : index
        %get3A_461 = tpu.vector_load %arg5[%get3A_459, %get3A_460] {strides = array<i32>} : memref<200x128xi32, #tpu.memory_space<vmem>>, vector<16xi32>,
        %shift_right_logical3A_462 = arith.constant 1 : i32
        %shift_right_logical3A_463 = vector.broadcast %shift_right_logical3A_462 : i32 to vector<16xi32>
        %shift_right_logical3A_464 = arith.shrui %get3A_461, %shift_right_logical3A_463 : vector<16xi32>
        %swap3A_465 = arith.constant 96 : index
        %swap3A_466 = tpu.vector_load %arg10[%swap3A_465] {strides = array<i32>} : memref<128xi32, #tpu.memory_space<vmem>>, vector<16xi32>,
        tpu.vector_store %arg10[%swap3A_465], %shift_right_logical3A_464 {strides = array<i32>} : memref<128xi32, #tpu.memory_space<vmem>>, vector<16xi32>,
        %and3A_467 = arith.constant 1 : i32
        %and3A_468 = vector.broadcast %and3A_467 : i32 to vector<16xi32>
        %and3A_469 = arith.andi %get3A_461, %and3A_468 : vector<16xi32>
        %shift_left3A_470 = arith.constant 6 : i32
        %shift_left3A_471 = vector.broadcast %shift_left3A_470 : i32 to vector<16xi32>
        %shift_left3A_472 = arith.shli %and3A_469, %shift_left3A_471 : vector<16xi32>
        %swap3A_473 = arith.constant 96 : index
        %swap3A_474 = tpu.vector_load %arg12[%swap3A_473] {strides = array<i32>} : memref<144xi32, #tpu.memory_space<vmem>>, vector<16xi32>,
        tpu.vector_store %arg12[%swap3A_473], %shift_left3A_472 {strides = array<i32>} : memref<144xi32, #tpu.memory_space<vmem>>, vector<16xi32>,
        %get3A_475 = arith.index_cast %add3A_362 : i32 to index
        %get3A_476 = arith.constant 112 : index
        %get3A_477 = tpu.vector_load %arg5[%get3A_475, %get3A_476] {strides = array<i32>} : memref<200x128xi32, #tpu.memory_space<vmem>>, vector<16xi32>,
        %shift_right_logical3A_478 = arith.constant 1 : i32
        %shift_right_logical3A_479 = vector.broadcast %shift_right_logical3A_478 : i32 to vector<16xi32>
        %shift_right_logical3A_480 = arith.shrui %get3A_477, %shift_right_logical3A_479 : vector<16xi32>
        %swap3A_481 = arith.constant 112 : index
        %swap3A_482 = tpu.vector_load %arg10[%swap3A_481] {strides = array<i32>} : memref<128xi32, #tpu.memory_space<vmem>>, vector<16xi32>,
        tpu.vector_store %arg10[%swap3A_481], %shift_right_logical3A_480 {strides = array<i32>} : memref<128xi32, #tpu.memory_space<vmem>>, vector<16xi32>,
        %and3A_483 = arith.constant 1 : i32
        %and3A_484 = vector.broadcast %and3A_483 : i32 to vector<16xi32>
        %and3A_485 = arith.andi %get3A_477, %and3A_484 : vector<16xi32>
        %shift_left3A_486 = arith.constant 6 : i32
        %shift_left3A_487 = vector.broadcast %shift_left3A_486 : i32 to vector<16xi32>
        %shift_left3A_488 = arith.shli %and3A_485, %shift_left3A_487 : vector<16xi32>
        %swap3A_489 = arith.constant 112 : index
        %swap3A_490 = tpu.vector_load %arg12[%swap3A_489] {strides = array<i32>} : memref<144xi32, #tpu.memory_space<vmem>>, vector<16xi32>,
        tpu.vector_store %arg12[%swap3A_489], %shift_left3A_488 {strides = array<i32>} : memref<144xi32, #tpu.memory_space<vmem>>, vector<16xi32>,
        %dma_start3A_491 = arith.constant 0 : i32
        %dma_start3A_492 = arith.constant 0 : i32
        %dma_start3A_493 = tpu.memref_slice %arg2[%dma_start3A_491, %dma_start3A_492] : memref<500000x128xf32, #tpu.memory_space<hbm>> -> memref<500000x128xf32, #tpu.memory_space<hbm>>
        tpu.enqueue_indirect_dma source(%dma_start3A_493 : memref<500000x128xf32, #tpu.memory_space<hbm>>) target(%arg6 : memref<128x128xf32, #tpu.memory_space<vmem>>) offsets(%arg10 : memref<128xi32, #tpu.memory_space<vmem>>) semaphore(%arg14 : memref<!tpu.dma_semaphore, #tpu.memory_space<semaphore_mem>>)
      } else {
      }
      %dma_wait3A_328 = arith.constant 0 : i32
      %dma_wait3A_329 = arith.constant 0 : i32
      %dma_wait3A_330 = tpu.memref_slice %arg2[%dma_wait3A_328, %dma_wait3A_329] : memref<500000x128xf32, #tpu.memory_space<hbm>> -> memref<500000x128xf32, #tpu.memory_space<hbm>>
      tpu.wait_indirect_dma semaphore(%arg15 : memref<!tpu.dma_semaphore, #tpu.memory_space<semaphore_mem>>) src(%dma_wait3A_330 : memref<500000x128xf32, #tpu.memory_space<hbm>>) dst(%arg7 : memref<128x128xf32, #tpu.memory_space<vmem>>)
      %gt3A_331 = arith.constant 0 : i32
      %gt3A_332 = arith.cmpi sgt, %add3A_161, %gt3A_331 : i32
      %convert_element_type3A_333 = arith.extui %gt3A_332 : i1 to i32
      %cond3A_334 = arith.constant 0 : i32
      %cond3A_335 = arith.cmpi ne, %convert_element_type3A_333, %cond3A_334 : i32
      scf.if %cond3A_335 {
        %sub3A = arith.constant 1 : i32
        %sub3A_361 = arith.subi %mul3A_163, %sub3A : i32
        %add3A_362 = arith.addi %mul3A_4, %sub3A_361 : i32
        %mul3A_363 = arith.constant 128 : i32
        %mul3A_364 = arith.muli %add3A_362, %mul3A_363 : i32
        %dma_wait3A_365 = arith.constant 0 : i32
        %dma_wait3A_366 = tpu.memref_slice %arg4[%mul3A_364, %dma_wait3A_365] : memref<819200x64xf32, #tpu.memory_space<hbm>> -> memref<128x64xf32, #tpu.memory_space<hbm>>
        %dma_wait3A_367 = arith.constant 0 : i32
        %dma_wait3A_368 = tpu.memref_slice %arg4[%mul3A_364, %dma_wait3A_367] : memref<819200x64xf32, #tpu.memory_space<hbm>> -> memref<128x64xf32, #tpu.memory_space<hbm>>
        tpu.wait_dma2 semaphore(%arg17 : memref<!tpu.dma_semaphore, #tpu.memory_space<semaphore_mem>>) src(%arg9 : memref<128x64xf32, #tpu.memory_space<vmem>>) dst(%dma_wait3A_368 : memref<128x64xf32, #tpu.memory_space<hbm>>)
      } else {
      }
      %iota3A_336 = tpu.iota {dimensions = array<i32: 0>} : vector<16xi32>
      %xor3A_337 = arith.constant 1 : i32
      %xor3A_338 = vector.broadcast %xor3A_337 : i32 to vector<16xi32>
      %xor3A_339 = arith.xori %iota3A_336, %xor3A_338 : vector<16xi32>
      %xor3A_340 = arith.constant 2 : i32
      %xor3A_341 = vector.broadcast %xor3A_340 : i32 to vector<16xi32>
      %xor3A_342 = arith.xori %iota3A_336, %xor3A_341 : vector<16xi32>
      %xor3A_343 = arith.constant 4 : i32
      %xor3A_344 = vector.broadcast %xor3A_343 : i32 to vector<16xi32>
      %xor3A_345 = arith.xori %iota3A_336, %xor3A_344 : vector<16xi32>
      %xor3A_346 = arith.constant 8 : i32
      %xor3A_347 = vector.broadcast %xor3A_346 : i32 to vector<16xi32>
      %xor3A_348 = arith.xori %iota3A_336, %xor3A_347 : vector<16xi32>
      %parallel_loop3A_349 = arith.constant 0 : i32
      %parallel_loop3A_350 = arith.constant 128 : i32
      %parallel_loop3A_351 = arith.constant 1 : i32
      scf.for %parallel_loop3A_361 = %parallel_loop3A_349 to %parallel_loop3A_350 step %parallel_loop3A_351  : i32 {
        %parallel_loop3A_362 = arith.index_cast %parallel_loop3A_361 : i32 to index
        %parallel_loop3A_363 = tpu.vector_load %arg13[%parallel_loop3A_362] {strides = array<i32>} : memref<144xi32, #tpu.memory_space<vmem>>, vector<16xi32>,
        %parallel_loop3A_364 = vector.extract_strided_slice %parallel_loop3A_363 {offsets = [0], sizes = [1], strides = [1]} : vector<16xi32> to vector<1xi32>
        %parallel_loop3A_365 = vector.extract %parallel_loop3A_364[0] : i32 from vector<1xi32>
        %parallel_loop3A_366 = arith.constant 0 : i32
        %parallel_loop3A_367 = arith.addi %parallel_loop3A_365, %parallel_loop3A_366 : i32
        %parallel_loop3A_368 = arith.index_cast %parallel_loop3A_361 : i32 to index
        %parallel_loop3A_369 = arith.index_cast %parallel_loop3A_367 : i32 to index
        %parallel_loop3A_370 = tpu.vector_load %arg7[%parallel_loop3A_368, %parallel_loop3A_369] {strides = array<i32>} : memref<128x128xf32, #tpu.memory_space<vmem>>, vector<16xf32>,
        %parallel_loop3A_371 = arith.constant 16 : i32
        %parallel_loop3A_372 = arith.addi %parallel_loop3A_365, %parallel_loop3A_371 : i32
        %parallel_loop3A_373 = arith.index_cast %parallel_loop3A_361 : i32 to index
        %parallel_loop3A_374 = arith.index_cast %parallel_loop3A_372 : i32 to index
        %parallel_loop3A_375 = tpu.vector_load %arg7[%parallel_loop3A_373, %parallel_loop3A_374] {strides = array<i32>} : memref<128x128xf32, #tpu.memory_space<vmem>>, vector<16xf32>,
        %parallel_loop3A_376 = arith.constant 32 : i32
        %parallel_loop3A_377 = arith.addi %parallel_loop3A_365, %parallel_loop3A_376 : i32
        %parallel_loop3A_378 = arith.index_cast %parallel_loop3A_361 : i32 to index
        %parallel_loop3A_379 = arith.index_cast %parallel_loop3A_377 : i32 to index
        %parallel_loop3A_380 = tpu.vector_load %arg7[%parallel_loop3A_378, %parallel_loop3A_379] {strides = array<i32>} : memref<128x128xf32, #tpu.memory_space<vmem>>, vector<16xf32>,
        %parallel_loop3A_381 = arith.constant 48 : i32
        %parallel_loop3A_382 = arith.addi %parallel_loop3A_365, %parallel_loop3A_381 : i32
        %parallel_loop3A_383 = arith.index_cast %parallel_loop3A_361 : i32 to index
        %parallel_loop3A_384 = arith.index_cast %parallel_loop3A_382 : i32 to index
        %parallel_loop3A_385 = tpu.vector_load %arg7[%parallel_loop3A_383, %parallel_loop3A_384] {strides = array<i32>} : memref<128x128xf32, #tpu.memory_space<vmem>>, vector<16xf32>,
        %parallel_loop3A_386 = arith.mulf %parallel_loop3A_370, %parallel_loop3A_370 : vector<16xf32>
        %parallel_loop3A_387 = arith.mulf %parallel_loop3A_375, %parallel_loop3A_375 : vector<16xf32>
        %parallel_loop3A_388 = arith.addf %parallel_loop3A_386, %parallel_loop3A_387 : vector<16xf32>
        %parallel_loop3A_389 = arith.mulf %parallel_loop3A_380, %parallel_loop3A_380 : vector<16xf32>
        %parallel_loop3A_390 = arith.addf %parallel_loop3A_388, %parallel_loop3A_389 : vector<16xf32>
        %parallel_loop3A_391 = arith.mulf %parallel_loop3A_385, %parallel_loop3A_385 : vector<16xf32>
        %parallel_loop3A_392 = arith.addf %parallel_loop3A_390, %parallel_loop3A_391 : vector<16xf32>
        %parallel_loop3A_393 = arith.constant 0 : i32
        %parallel_loop3A_394 = vector.broadcast %parallel_loop3A_393 : i32 to vector<16xi32>
        %parallel_loop3A_395 = arith.cmpi slt, %xor3A_339, %parallel_loop3A_394 : vector<16xi32>
        %parallel_loop3A_396 = arith.constant 16 : i32
        %parallel_loop3A_397 = vector.broadcast %parallel_loop3A_396 : i32 to vector<16xi32>
        %parallel_loop3A_398 = arith.addi %xor3A_339, %parallel_loop3A_397 : vector<16xi32>
        %parallel_loop3A_399 = arith.select %parallel_loop3A_395, %parallel_loop3A_398, %xor3A_339 : vector<16xi1>, vector<16xi32>
        %parallel_loop3A_400 = vector.shape_cast %parallel_loop3A_399 : vector<16xi32> to vector<16x1xi32>
        %parallel_loop3A_401 = vector.shape_cast %parallel_loop3A_400 : vector<16x1xi32> to vector<16xi32>
        %parallel_loop3A_402 = tpu.dynamic_gather %parallel_loop3A_392[%parallel_loop3A_401] in [0] : vector<16xf32>, vector<16xi32> -> vector<16xf32>
        %parallel_loop3A_403 = arith.addf %parallel_loop3A_392, %parallel_loop3A_402 : vector<16xf32>
        %parallel_loop3A_404 = arith.constant 0 : i32
        %parallel_loop3A_405 = vector.broadcast %parallel_loop3A_404 : i32 to vector<16xi32>
        %parallel_loop3A_406 = arith.cmpi slt, %xor3A_342, %parallel_loop3A_405 : vector<16xi32>
        %parallel_loop3A_407 = arith.constant 16 : i32
        %parallel_loop3A_408 = vector.broadcast %parallel_loop3A_407 : i32 to vector<16xi32>
        %parallel_loop3A_409 = arith.addi %xor3A_342, %parallel_loop3A_408 : vector<16xi32>
        %parallel_loop3A_410 = arith.select %parallel_loop3A_406, %parallel_loop3A_409, %xor3A_342 : vector<16xi1>, vector<16xi32>
        %parallel_loop3A_411 = vector.shape_cast %parallel_loop3A_410 : vector<16xi32> to vector<16x1xi32>
        %parallel_loop3A_412 = vector.shape_cast %parallel_loop3A_411 : vector<16x1xi32> to vector<16xi32>
        %parallel_loop3A_413 = tpu.dynamic_gather %parallel_loop3A_403[%parallel_loop3A_412] in [0] : vector<16xf32>, vector<16xi32> -> vector<16xf32>
        %parallel_loop3A_414 = arith.addf %parallel_loop3A_403, %parallel_loop3A_413 : vector<16xf32>
        %parallel_loop3A_415 = arith.constant 0 : i32
        %parallel_loop3A_416 = vector.broadcast %parallel_loop3A_415 : i32 to vector<16xi32>
        %parallel_loop3A_417 = arith.cmpi slt, %xor3A_345, %parallel_loop3A_416 : vector<16xi32>
        %parallel_loop3A_418 = arith.constant 16 : i32
        %parallel_loop3A_419 = vector.broadcast %parallel_loop3A_418 : i32 to vector<16xi32>
        %parallel_loop3A_420 = arith.addi %xor3A_345, %parallel_loop3A_419 : vector<16xi32>
        %parallel_loop3A_421 = arith.select %parallel_loop3A_417, %parallel_loop3A_420, %xor3A_345 : vector<16xi1>, vector<16xi32>
        %parallel_loop3A_422 = vector.shape_cast %parallel_loop3A_421 : vector<16xi32> to vector<16x1xi32>
        %parallel_loop3A_423 = vector.shape_cast %parallel_loop3A_422 : vector<16x1xi32> to vector<16xi32>
        %parallel_loop3A_424 = tpu.dynamic_gather %parallel_loop3A_414[%parallel_loop3A_423] in [0] : vector<16xf32>, vector<16xi32> -> vector<16xf32>
        %parallel_loop3A_425 = arith.addf %parallel_loop3A_414, %parallel_loop3A_424 : vector<16xf32>
        %parallel_loop3A_426 = arith.constant 0 : i32
        %parallel_loop3A_427 = vector.broadcast %parallel_loop3A_426 : i32 to vector<16xi32>
        %parallel_loop3A_428 = arith.cmpi slt, %xor3A_348, %parallel_loop3A_427 : vector<16xi32>
        %parallel_loop3A_429 = arith.constant 16 : i32
        %parallel_loop3A_430 = vector.broadcast %parallel_loop3A_429 : i32 to vector<16xi32>
        %parallel_loop3A_431 = arith.addi %xor3A_348, %parallel_loop3A_430 : vector<16xi32>
        %parallel_loop3A_432 = arith.select %parallel_loop3A_428, %parallel_loop3A_431, %xor3A_348 : vector<16xi1>, vector<16xi32>
        %parallel_loop3A_433 = vector.shape_cast %parallel_loop3A_432 : vector<16xi32> to vector<16x1xi32>
        %parallel_loop3A_434 = vector.shape_cast %parallel_loop3A_433 : vector<16x1xi32> to vector<16xi32>
        %parallel_loop3A_435 = tpu.dynamic_gather %parallel_loop3A_425[%parallel_loop3A_434] in [0] : vector<16xf32>, vector<16xi32> -> vector<16xf32>
        %parallel_loop3A_436 = arith.addf %parallel_loop3A_425, %parallel_loop3A_435 : vector<16xf32>
        %parallel_loop3A_437 = arith.constant 1.000000e-30 : f32
        %parallel_loop3A_438 = vector.broadcast %parallel_loop3A_437 : f32 to vector<16xf32>
        %parallel_loop3A_439 = arith.maximumf %parallel_loop3A_436, %parallel_loop3A_438 : vector<16xf32>
        %parallel_loop3A_440 = vector.bitcast %parallel_loop3A_439 : vector<16xf32> to vector<16xi32>
        %parallel_loop3A_441 = arith.constant 1 : i32
        %parallel_loop3A_442 = vector.broadcast %parallel_loop3A_441 : i32 to vector<16xi32>
        %parallel_loop3A_443 = arith.shrui %parallel_loop3A_440, %parallel_loop3A_442 : vector<16xi32>
        %parallel_loop3A_444 = arith.constant 1597463007 : i32
        %parallel_loop3A_445 = vector.broadcast %parallel_loop3A_444 : i32 to vector<16xi32>
        %parallel_loop3A_446 = arith.subi %parallel_loop3A_445, %parallel_loop3A_443 : vector<16xi32>
        %parallel_loop3A_447 = vector.bitcast %parallel_loop3A_446 : vector<16xi32> to vector<16xf32>
        %parallel_loop3A_448 = arith.constant 5.000000e-01 : f32
        %parallel_loop3A_449 = vector.broadcast %parallel_loop3A_448 : f32 to vector<16xf32>
        %parallel_loop3A_450 = arith.mulf %parallel_loop3A_449, %parallel_loop3A_439 : vector<16xf32>
        %parallel_loop3A_451 = arith.mulf %parallel_loop3A_450, %parallel_loop3A_447 : vector<16xf32>
        %parallel_loop3A_452 = arith.mulf %parallel_loop3A_451, %parallel_loop3A_447 : vector<16xf32>
        %parallel_loop3A_453 = arith.constant 1.500000e+00 : f32
        %parallel_loop3A_454 = vector.broadcast %parallel_loop3A_453 : f32 to vector<16xf32>
        %parallel_loop3A_455 = arith.subf %parallel_loop3A_454, %parallel_loop3A_452 : vector<16xf32>
        %parallel_loop3A_456 = arith.mulf %parallel_loop3A_447, %parallel_loop3A_455 : vector<16xf32>
        %parallel_loop3A_457 = arith.constant 5.000000e-01 : f32
        %parallel_loop3A_458 = vector.broadcast %parallel_loop3A_457 : f32 to vector<16xf32>
        %parallel_loop3A_459 = arith.mulf %parallel_loop3A_458, %parallel_loop3A_439 : vector<16xf32>
        %parallel_loop3A_460 = arith.mulf %parallel_loop3A_459, %parallel_loop3A_456 : vector<16xf32>
        %parallel_loop3A_461 = arith.mulf %parallel_loop3A_460, %parallel_loop3A_456 : vector<16xf32>
        %parallel_loop3A_462 = arith.constant 1.500000e+00 : f32
        %parallel_loop3A_463 = vector.broadcast %parallel_loop3A_462 : f32 to vector<16xf32>
        %parallel_loop3A_464 = arith.subf %parallel_loop3A_463, %parallel_loop3A_461 : vector<16xf32>
        %parallel_loop3A_465 = arith.mulf %parallel_loop3A_456, %parallel_loop3A_464 : vector<16xf32>
        %parallel_loop3A_466 = arith.constant 5.000000e-01 : f32
        %parallel_loop3A_467 = vector.broadcast %parallel_loop3A_466 : f32 to vector<16xf32>
        %parallel_loop3A_468 = arith.mulf %parallel_loop3A_467, %parallel_loop3A_439 : vector<16xf32>
        %parallel_loop3A_469 = arith.mulf %parallel_loop3A_468, %parallel_loop3A_465 : vector<16xf32>
        %parallel_loop3A_470 = arith.mulf %parallel_loop3A_469, %parallel_loop3A_465 : vector<16xf32>
        %parallel_loop3A_471 = arith.constant 1.500000e+00 : f32
        %parallel_loop3A_472 = vector.broadcast %parallel_loop3A_471 : f32 to vector<16xf32>
        %parallel_loop3A_473 = arith.subf %parallel_loop3A_472, %parallel_loop3A_470 : vector<16xf32>
        %parallel_loop3A_474 = arith.mulf %parallel_loop3A_465, %parallel_loop3A_473 : vector<16xf32>
        %parallel_loop3A_475 = arith.mulf %parallel_loop3A_439, %parallel_loop3A_474 : vector<16xf32>
        %parallel_loop3A_476 = arith.constant 9.99999996E-13 : f32
        %parallel_loop3A_477 = vector.broadcast %parallel_loop3A_476 : f32 to vector<16xf32>
        %parallel_loop3A_478 = arith.maximumf %parallel_loop3A_475, %parallel_loop3A_477 : vector<16xf32>
        %parallel_loop3A_479 = arith.constant 8.000000e+00 : f32
        %parallel_loop3A_480 = vector.broadcast %parallel_loop3A_479 : f32 to vector<16xf32>
        %parallel_loop3A_481 = arith.divf %parallel_loop3A_480, %parallel_loop3A_478 : vector<16xf32>
        %parallel_loop3A_482 = arith.mulf %parallel_loop3A_370, %parallel_loop3A_481 : vector<16xf32>
        %parallel_loop3A_483 = arith.index_cast %parallel_loop3A_361 : i32 to index
        %parallel_loop3A_484 = arith.constant 0 : index
        %parallel_loop3A_485 = tpu.vector_load %arg9[%parallel_loop3A_483, %parallel_loop3A_484] {strides = array<i32>} : memref<128x64xf32, #tpu.memory_space<vmem>>, vector<16xf32>,
        tpu.vector_store %arg9[%parallel_loop3A_483, %parallel_loop3A_484], %parallel_loop3A_482 {strides = array<i32>} : memref<128x64xf32, #tpu.memory_space<vmem>>, vector<16xf32>,
        %parallel_loop3A_486 = arith.mulf %parallel_loop3A_375, %parallel_loop3A_481 : vector<16xf32>
        %parallel_loop3A_487 = arith.index_cast %parallel_loop3A_361 : i32 to index
        %parallel_loop3A_488 = arith.constant 16 : index
        %parallel_loop3A_489 = tpu.vector_load %arg9[%parallel_loop3A_487, %parallel_loop3A_488] {strides = array<i32>} : memref<128x64xf32, #tpu.memory_space<vmem>>, vector<16xf32>,
        tpu.vector_store %arg9[%parallel_loop3A_487, %parallel_loop3A_488], %parallel_loop3A_486 {strides = array<i32>} : memref<128x64xf32, #tpu.memory_space<vmem>>, vector<16xf32>,
        %parallel_loop3A_490 = arith.mulf %parallel_loop3A_380, %parallel_loop3A_481 : vector<16xf32>
        %parallel_loop3A_491 = arith.index_cast %parallel_loop3A_361 : i32 to index
        %parallel_loop3A_492 = arith.constant 32 : index
        %parallel_loop3A_493 = tpu.vector_load %arg9[%parallel_loop3A_491, %parallel_loop3A_492] {strides = array<i32>} : memref<128x64xf32, #tpu.memory_space<vmem>>, vector<16xf32>,
        tpu.vector_store %arg9[%parallel_loop3A_491, %parallel_loop3A_492], %parallel_loop3A_490 {strides = array<i32>} : memref<128x64xf32, #tpu.memory_space<vmem>>, vector<16xf32>,
        %parallel_loop3A_494 = arith.mulf %parallel_loop3A_385, %parallel_loop3A_481 : vector<16xf32>
        %parallel_loop3A_495 = arith.index_cast %parallel_loop3A_361 : i32 to index
        %parallel_loop3A_496 = arith.constant 48 : index
        %parallel_loop3A_497 = tpu.vector_load %arg9[%parallel_loop3A_495, %parallel_loop3A_496] {strides = array<i32>} : memref<128x64xf32, #tpu.memory_space<vmem>>, vector<16xf32>,
        tpu.vector_store %arg9[%parallel_loop3A_495, %parallel_loop3A_496], %parallel_loop3A_494 {strides = array<i32>} : memref<128x64xf32, #tpu.memory_space<vmem>>, vector<16xf32>,
      } {sc.loop_unroll_factor = 8 : i64, sc.parallel_access}
      %add3A_352 = arith.constant 1 : i32
      %add3A_353 = arith.addi %mul3A_163, %add3A_352 : i32
      %add3A_354 = arith.addi %mul3A_4, %add3A_353 : i32
      %mul3A_355 = arith.constant 128 : i32
      %mul3A_356 = arith.muli %add3A_354, %mul3A_355 : i32
      %dma_start3A_357 = arith.constant 0 : i32
      %dma_start3A_358 = tpu.memref_slice %arg4[%mul3A_356, %dma_start3A_357] : memref<819200x64xf32, #tpu.memory_space<hbm>> -> memref<128x64xf32, #tpu.memory_space<hbm>>
      %dma_start3A_359 = arith.constant 0 : i32
      %dma_start3A_360 = tpu.memref_slice %arg4[%mul3A_356, %dma_start3A_359] : memref<819200x64xf32, #tpu.memory_space<hbm>> -> memref<128x64xf32, #tpu.memory_space<hbm>>
      tpu.enqueue_dma source(%arg9 : memref<128x64xf32, #tpu.memory_space<vmem>>) target(%dma_start3A_360 : memref<128x64xf32, #tpu.memory_space<hbm>>) target_semaphore(%arg17 : memref<!tpu.dma_semaphore, #tpu.memory_space<semaphore_mem>>)
    }
    %scan3A_141 = arith.constant 100 : i32
    %add3A_142 = arith.constant 198 : i32
    %add3A_143 = arith.addi %mul3A_4, %add3A_142 : i32
    %mul3A_144 = arith.constant 128 : i32
    %mul3A_145 = arith.muli %add3A_143, %mul3A_144 : i32
    %dma_wait3A = arith.constant 0 : i32
    %dma_wait3A_146 = tpu.memref_slice %arg4[%mul3A_145, %dma_wait3A] : memref<819200x64xf32, #tpu.memory_space<hbm>> -> memref<128x64xf32, #tpu.memory_space<hbm>>
    %dma_wait3A_147 = arith.constant 0 : i32
    %dma_wait3A_148 = tpu.memref_slice %arg4[%mul3A_145, %dma_wait3A_147] : memref<819200x64xf32, #tpu.memory_space<hbm>> -> memref<128x64xf32, #tpu.memory_space<hbm>>
    tpu.wait_dma2 semaphore(%arg16 : memref<!tpu.dma_semaphore, #tpu.memory_space<semaphore_mem>>) src(%arg8 : memref<128x64xf32, #tpu.memory_space<vmem>>) dst(%dma_wait3A_148 : memref<128x64xf32, #tpu.memory_space<hbm>>)
    %add3A_149 = arith.constant 199 : i32
    %add3A_150 = arith.addi %mul3A_4, %add3A_149 : i32
    %mul3A_151 = arith.constant 128 : i32
    %mul3A_152 = arith.muli %add3A_150, %mul3A_151 : i32
    %dma_wait3A_153 = arith.constant 0 : i32
    %dma_wait3A_154 = tpu.memref_slice %arg4[%mul3A_152, %dma_wait3A_153] : memref<819200x64xf32, #tpu.memory_space<hbm>> -> memref<128x64xf32, #tpu.memory_space<hbm>>
    %dma_wait3A_155 = arith.constant 0 : i32
    %dma_wait3A_156 = tpu.memref_slice %arg4[%mul3A_152, %dma_wait3A_155] : memref<819200x64xf32, #tpu.memory_space<hbm>> -> memref<128x64xf32, #tpu.memory_space<hbm>>
    tpu.wait_dma2 semaphore(%arg17 : memref<!tpu.dma_semaphore, #tpu.memory_space<semaphore_mem>>) src(%arg9 : memref<128x64xf32, #tpu.memory_space<vmem>>) dst(%dma_wait3A_156 : memref<128x64xf32, #tpu.memory_space<hbm>>)
    return
  }
}

</mosaic_0001>

<sc_bundles>
// kernel: kernel.3.cloned.1.call-start
scs
__scs_entry_jumppad:
0x0: {  	(pc) =	sbr.rel $0x88, $3  }
0x1: {  	(tag) =	ssettag $0x0;
	lr =	simm.s32 $0x1  }
0x2: {  	[smem:$0x3F9F] =	sst lr;
	_ =	strace $0xD0000000  }
0x3: {  	_ = 	snop  }
0x4: {  	_ = 	snop  }
0x5: {  	_ = 	snop  }
0x6: {  	_ = 	snop  }
0x7: {  	_ = 	snop  }
__scs_overlays_trampoline_lowered:
0x8: {  	[smem:$0x3FAE] =	sst s0  }
0x9: {  	[smem:$0x3FAF] =	sst s1  }
0xa: {  	[smem:$0x3FB0] =	sst s2  }
0xb: {  	[smem:$0x3FB1] =	sst s3  }
0xc: {  	[smem:$0x3FB2] =	sst s4  }
0xd: {  	[smem:$0x3FB3] =	sst s5  }
0xe: {  	[smem:$0x3FB4] =	sst s6  }
0xf: {  	[smem:$0x3FB5] =	sst s7  }
0x10: {  	[smem:$0x3FB6] =	sst s8  }
0x11: {  	[smem:$0x3FB7] =	sst s9;
	s0 =	simm.s32 @!p0 $0x0  }
0x12: {  	s1 =	sld [smem:$0x3F9D];
	s0 =	simm.s32 @p0 $0x1  }
0x13: {  	[smem:$0x3FB8] =	sst s0;
	s0 =	simm.s32 @!p1 $0x0  }
0x14: {  	s2 =	sld [smem:$0x3F9C];
	s0 =	simm.s32 @p1 $0x1  }
0x15: {  	[smem:$0x3FB9] =	sst s0;
	s0 =	simm.s32 @!p2 $0x0  }
0x16: {  	s3 =	sld [smem:$0x3FDB];
	s0 =	simm.s32 @p2 $0x1  }
0x17: {  	s4 =	simm.s32 $0x1BF5;
	[smem:$0x3FBB] =	sst s0  }
0x18: {  	s0 =	sld [smem:$0x3F9E];
	_ =	swait.ge [sflag:s4], $0x0  }
0x19: {  	s7 =	sld [smem:$0x3F9F]  }
0x1a: {  	s8 =	sadd.s32 $0xFFFFE003, lr  }
0x1b: {  	s9 =	sadd.s32 $0xFFFFFEF7, lr;
	s5 =	simm.s32 $0xFFFFFFFF;
	p2 =	slt.u32 s8, $0xFFFFF086  }
0x1c: {  	p1 =	slt.u32 s9, $0xF7A;
	s5 =	simm.s32 @!p2 $0x0  }
0x1d: {  	s5 =	simm.s32 @p1 $0x1;
	p0 =	seq.s32 s7, s2  }
0x1e: {  	s7 =	smul.u32 @!p0 $0xF7A, s2;
	p2 =	seq.s32 @!p0 s5, $0x0  }
0x1f: {  	s9 =	smul.u32 $0xF7A, s1;
	s8 =	simm.s32 @!p0 $0x1BF5;
	p2 =	por !p2, p0  }
0x20: {  	[sflag:s8] =	ssyncset.s32 @!p0 $0xFFFFF086;
	s6 =	sadd.s32 @!p0 s3, s7;
	s7 =	simm.s32 @!p0 $0x108  }
0x21: {  	s3 =	sadd.s32 s3, s9;
	s6 =	sadd.s32 @!p0 $0x88, s6;
	s7 =	simm.s32 @p2 $0x1082  }
0x22: {  	[simem:s7], [sflag:s8] =	dma.local @!p0 [hbm:s6], $0xF7A  }
0x23: {  	s9 =	sor.u32 $0xD0000000, s2;
	s6 =	simm.s32 $0x108;
	_ =	swait.ge @!p0 [sflag:s8], $0x0  }
0x24: {  	s3 =	sadd.s32 $0x88, s3;
	s6 =	simm.s32 @!p1 $0x1082;
	[sflag:s4] =	ssyncset.s32 $0xFFFFF086  }
0x25: {  	[simem:s6], [sflag:s4] =	dma.local [hbm:s3], $0xF7A  }
0x26: {  	[smem:$0x3F9F] =	sst s1;
	(tag) =	ssettag s2;
	_ =	strace s9  }
0x27: {  	s1 =	sld [smem:$0x3FAF]  }
0x28: {  	s2 =	sld [smem:$0x3FB0]  }
0x29: {  	s4 =	sld [smem:$0x3FB2]  }
0x2a: {  	p0 =	seq.s32 s5, $0x0;
	s5 =	sld [smem:$0x3FB3]  }
0x2b: {  	s6 =	sld [smem:$0x3FB4]  }
0x2c: {  	s7 =	sld [smem:$0x3FB5]  }
0x2d: {  	s3 =	simm.s32 $0x108;
	s8 =	sld [smem:$0x3FB6]  }
0x2e: {  	s3 =	simm.s32 @!p0 $0x1082;
	s9 =	sld [smem:$0x3FB7]  }
0x2f: {  	lr =	sadd.s32 s0, s3;
	s0 =	sld [smem:$0x3FAE]  }
0x30: {  	s3 =	sld [smem:$0x3FB1]  }
0x31: {  	[smem:$0x3FBA] =	sst s10  }
0x32: {  	s10 =	sld [smem:$0x3FB8];
	_ =	sdelay $0x3  }
0x33: {  	p0 =	seq.s32 s10, $0x1;
	s10 =	sld [smem:$0x3FBA];
	_ =	sdelay $0x3  }
0x34: {  	[smem:$0x3FBA] =	sst s10  }
0x35: {  	s10 =	sld [smem:$0x3FB9];
	_ =	sdelay $0x3  }
0x36: {  	p1 =	seq.s32 s10, $0x1;
	s10 =	sld [smem:$0x3FBA];
	_ =	sdelay $0x3  }
0x37: {  	[smem:$0x3FBA] =	sst s10  }
0x38: {  	s10 =	sld [smem:$0x3FBB]  }
0x39: {  	_ = 	snop;
	(pc) =	sbr.ind lr, $3  }
0x3a: {  	_ = 	snop  }
0x3b: {  	_ = 	snop  }
0x3c: {  	p2 =	seq.s32 s10, $0x1;
	s10 =	sld [smem:$0x3FBA]  }
0x3d: {  	_ =	shalt  }
0x3e: {  	_ =	shalt  }
0x3f: {  	_ =	shalt  }
0x40: {  	_ =	shalt  }
0x41: {  	_ =	shalt  }
0x42: {  	_ =	shalt  }
0x43: {  	_ =	shalt  }
0x44: {  	_ =	shalt  }
0x45: {  	_ =	shalt  }
0x46: {  	_ =	shalt  }
0x47: {  	_ =	shalt  }
0x48: {  	_ =	shalt  }
0x49: {  	_ =	shalt  }
0x4a: {  	_ =	shalt  }
0x4b: {  	_ =	shalt  }
0x4c: {  	_ =	shalt  }
0x4d: {  	_ =	shalt  }
0x4e: {  	_ =	shalt  }
0x4f: {  	_ =	shalt  }
0x50: {  	_ =	shalt  }
0x51: {  	_ =	shalt  }
0x52: {  	_ =	shalt  }
0x53: {  	_ =	shalt  }
0x54: {  	_ =	shalt  }
0x55: {  	_ =	shalt  }
0x56: {  	_ =	shalt  }
0x57: {  	_ =	shalt  }
0x58: {  	_ =	shalt  }
0x59: {  	_ =	shalt  }
0x5a: {  	_ =	shalt  }
0x5b: {  	_ =	shalt  }
0x5c: {  	_ =	shalt  }
0x5d: {  	_ =	shalt  }
0x5e: {  	_ =	shalt  }
0x5f: {  	_ =	shalt  }
0x60: {  	_ =	shalt  }
0x61: {  	_ =	shalt  }
0x62: {  	_ =	shalt  }
0x63: {  	_ =	shalt  }
0x64: {  	_ =	shalt  }
0x65: {  	_ =	shalt  }
0x66: {  	_ =	shalt  }
0x67: {  	_ =	shalt  }
0x68: {  	_ =	shalt  }
0x69: {  	_ =	shalt  }
0x6a: {  	_ =	shalt  }
0x6b: {  	_ =	shalt  }
0x6c: {  	_ =	shalt  }
0x6d: {  	_ =	shalt  }
0x6e: {  	_ =	shalt  }
0x6f: {  	_ =	shalt  }
0x70: {  	_ =	shalt  }
0x71: {  	_ =	shalt  }
0x72: {  	_ =	shalt  }
0x73: {  	_ =	shalt  }
0x74: {  	_ =	shalt  }
0x75: {  	_ =	shalt  }
0x76: {  	_ =	shalt  }
0x77: {  	_ =	shalt  }
0x78: {  	_ =	shalt  }
0x79: {  	_ =	shalt  }
0x7a: {  	_ =	shalt  }
0x7b: {  	_ =	shalt  }
0x7c: {  	_ =	shalt  }
0x7d: {  	_ =	shalt  }
0x7e: {  	_ =	shalt  }
0x7f: {  	_ =	shalt  }
0x80: {  	_ =	shalt  }
0x81: {  	_ =	shalt  }
0x82: {  	_ =	shalt  }
0x83: {  	_ =	shalt  }
0x84: {  	_ =	shalt  }
0x85: {  	_ =	shalt  }
0x86: {  	_ =	shalt  }
0x87: {  	_ =	shalt  }
.Lfunc_end0:
.L_simem_size_0:
called_computation.1_lowered:
.L_overlay_start_0:
0x88: {  	s2 =	sld [smem:$0x3FD9]  }
0x89: {  	s3 =	sld [smem:$0x3FFE];
	_ =	sdelay $0x1  }
0x8a: {  	s1 =	srdreg.scid  }
0x8b: {  	s0 =	sand.u32 $0x1, s1  }
0x8c: {  	s17 =	sshll.u32 s0, $0xA;
	s2 =	sadd.s32 s3, s2  }
0x8d: {  	s2 =	sadd.s32 s2, s17  }
0x8e: {  	[smem:$0x3FC6] =	sst s2  }
0x8f: {  	_ = 	snop  }
0x90: {  	s2 =	sld [smem:$0x3FD0];
	(tm) =	ssettm $0x1  }
0x91: {  	s18 =	sld [smem:$0x3FFB];
	_ =	sdelay $0x3  }
0x92: {  	_ =	strace s18  }
0x93: {  	s3 =	sld [smem:$0x3FFC];
	_ =	sdelay $0x3  }
0x94: {  	_ =	strace s3  }
0x95: {  	s3 =	sld [smem:$0x3FFD];
	_ =	sdelay $0x3  }
0x96: {  	_ =	strace s3  }
0x97: {  	_ =	strace $0x8FFFFFFF  }
0x98: {  	s19 =	sld [smem:$0x3FDB];
	_ =	sdelay $0x1  }
0x99: {  	s4 =	simm.s32 $_scs_section_size  }
0x9a: {  	s5 =	simm.s32 $_size__tile_overlayer_lowered;
	s6 =	simm.s32 $_tile_overlayer_lowered  }
0x9b: {  	s22 =	simm.s32 $0x1BFF;
	s21 =	sshll.u32 s6, $0x1;
	s3 =	sadd.s32 s4, s19  }
0x9c: {  	s7 =	simm.s32 $0x0;
	s20 =	sshll.u32 s5, $0x1;
	s5 =	sadd.s32 s21, s3  }
0x9d: {  	[timem:s7], [sflag:s22] =	dma.local [hbm:s5], s20  }
0x9e: {  	_ =	swait.ge [sflag:s22], s20  }
0x9f: {  	s4 =	ssub.s32 $0x0, s20;
	[sflag:s22] =	ssyncset.done $0x0  }
0xa0: {  	[sflag:s22] =	ssyncadd.s32 s4;
	_ =	sdelay $0x1  }
0xa1: {  	s23 =	simm.s32 $0x1B8B  }
0xa2: {  	_ =	swait.ge [sflag:s23], $0x1  }
0xa3: {  	[sflag:s23] =	ssyncset.done $0x0  }
0xa4: {  	s25 =	simm.s32 $0x1B8E;
	s24 =	sld [smem:$0x3FFE];
	[sflag:s23] =	ssyncadd.s32 $0xFFFFFFFF  }
0xa5: {  	s26 =	simm.s32 $execute0_lowered;
	[smem:$0x3FD2] =	sst s25  }
0xa6: {  	s5 =	sshll.u32 s26, $0x1;
	_ =	strace $0x80000046;
	[dreg:$0x1] =	wrdreg $0xFFFFFFFF  }
0xa7: {  	s28 =	simm.s32 $_size_execute0_lowered;
	s3 =	sadd.s32 s3, s5;
	[dreg:$0x0] =	wrdreg $0x0  }
0xa8: {  	s5 =	sshll.u32 s28, $0x1;
	[dreg:$0x2] =	wrdreg s3  }
0xa9: {  	[dreg:$0x3] =	wrdreg s5  }
0xaa: {  	[dreg:$0x4] =	wrdreg $0xC0  }
0xab: {  	_ =	task [dreg:s7], $0x5FFFF  }
0xac: {  	[dreg:$0x1] =	wrdreg $0xFFFFFFFF  }
0xad: {  	[dreg:$0x0] =	wrdreg $0x60  }
0xae: {  	[dreg:$0x2] =	wrdreg s24  }
0xaf: {  	[dreg:$0x3] =	wrdreg s2  }
0xb0: {  	[dreg:$0x4] =	wrdreg $0x9  }
0xb1: {  	_ =	task.clear_ibuf [dreg:s7], $0x5FFFF;
	_ =	strace $0x90000046  }
0xb2: {  	s29 =	simm.s32 $0x9;
	_ =	strace $0x80000048  }
0xb3: {  	_ =	swait.ge [sflag:s29], $0x1  }
0xb4: {  	[sflag:s29] =	ssyncadd.s32 $0xFFFFFFFF  }
0xb5: {  	_ =	strace $0x90000048  }
0xb6: {  	_ =	sfence  }
0xb7: {  	s30 =	sld [smem:$0x0];
	_ =	sdelay $0x2  }
0xb8: {  	s31 =	sshll.u32 s1, $0xD;
	s1 =	sshrl.u32 s1, $0x2  }
0xb9: {  	s3 =	sand.u32 $0x4000, s31;
	s1 =	sadd.s32 s1, s30  }
0xba: {  	s0 =	sor.u32 s3, s0;
	s1 =	sshll.u32 s1, $0x11  }
0xbb: {  	s0 =	sor.u32 s1, s0  }
0xbc: {  	s0 =	sadd.s32 $0x8F2B, s0  }
0xbd: {  	[sflag:s0] =	ssyncadd.remote.s32 $0x1  }
0xbe: {  	_ =	sfence.sel $0xFFFF  }
0xbf: {  	[dreg:$0x0] =	wrdreg $0xFFFFFFFF;
	(pc) =	sbr.abs _section_cstart, $3  }
0xc0: {  	[dreg:$0x1] =	wrdreg $0xFFFFFFFF  }
0xc1: {  	_ =	task.clear_ibuf [dreg:s7], $0x2FFFF;
	_ =	strace $0x9FFFFFFF  }
0xc2: {  	(tm) =	ssettm $0x7FFFFFFF  }
0xc3: {  	_ =	shalt  }
tec
execute0_lowered:
.L_overlay_start_1:
0x0: {  	(tag) =	ssettag $0x1  }
0x1: {  	v0 =	vimm.s32 $0xEFCDAB89  }
0x2: {  	s0 =	rddreg [dreg:$0x0];
	v1 =	vimm.s32 $0x67452301;
	v2 =	vimm.s32 $0xDCFE98BA;
	v3 =	vimm.s32 $0x54761032  }
0x3: {  	s1 =	rddreg [dreg:$0x1];
	v4 =	vimm.s32 $0xBA98FEDC;
	v5 =	vimm.s32 $0x32107654;
	v6 =	vimm.s32 $0xFEDCBA98  }
0x4: {  	s2 =	srdreg.scid;
	s3 =	stileid.u32;
	v7 =	vimm.s32 $0x76543210;
	v0 =	vunpack.c.l.s4.s8 v0;
	v1 =	vunpack.c.l.s4.s8 v1  }
0x5: {  	s4 =	simm.s32 $0x0;
	v2 =	vunpack.c.l.s4.s8 v2;
	s2 =	sand.u32 $0x1, s2;
	s3 =	sshll.u32 s3, $0x1;
	v3 =	vunpack.c.l.s4.s8 v3;
	v4 =	vunpack.c.l.s4.s8 v4  }
0x6: {  	[smem:$0x7FF] =	sst s4;
	v5 =	vunpack.c.l.s4.s8 v5;
	v6 =	vunpack.c.l.s4.s8 v6;
	v7 =	vunpack.c.l.s4.s8 v7;
	s28 =	ssub.s32 $0x2, s2;
	s2 =	sor.u32 s2, s3  }
0x7: {  	s29 =	sadd.s32 $0xF42E00, s0;
	s0 =	sadd.s32 $0xA00, s0;
	v0 =	vunpack.c.0.s8.s32 v0;
	v1 =	vunpack.c.0.s8.s32 v1;
	v2 =	vunpack.c.0.s8.s32 v2;
	s5 =	smul.u32 $0xC80, s2  }
0x8: {  	_ =	strace $0x80000047;
	[smem:$0x7F9] =	sst s29;
	s2 =	smul.u32 $0xC8, s2;
	v3 =	vunpack.c.0.s8.s32 v3;
	v4 =	vunpack.c.0.s8.s32 v4;
	v5 =	vunpack.c.0.s8.s32 v5  }
0x9: {  	[smem:$0x7FA] =	sst s0;
	s30 =	sshrl.u32 s28, $0x1;
	v0 =	vcombine.low v1, v0;
	v1 =	vunpack.c.0.s8.s32 v6  }
0xa: {  	s31 =	ssub.s32 s28, s30;
	[smem:$0x7FB] =	sst s2;
	s1 =	sadd.s32 s1, s5;
	v2 =	vcombine.low v3, v2;
	v3 =	vcombine.low v5, v4;
	v4 =	vunpack.c.0.s8.s32 v7  }
0xb: {  	s0 =	smax.u32 s31, $0x1;
	[smem:$0x7FC] =	sst s1;
	v0 =	vand.u32 $0xF, v0;
	v5 =	vand.u32 $0xF, v1  }
0xc: {  	s2 =	simm.s32 $0x0;
	[smem:$0x7FD] =	sst s0;
	v1 =	vand.u32 $0xF, v2;
	v2 =	vand.u32 $0xF, v3;
	v3 =	vcombine.low v5, v4  }
.LBB2_1:
0xd: {  	s1 =	sld [smem:$0x7FC];
	_ =	sdelay $0x1  }
0xe: {  	[smem:$0x7F8] =	sst s2;
	s0 =	simm.s32 $0x0;
	s28 =	simm.s32 $0x5  }
0xf: {  	[tilespmem:s0], [sflag:$0x5] =	stream.linear.gather [hbm4b:s1+s0], $0x6400, $0x38;
	[tilespmem:$0x16700] =	vst v63  }
0x10: {  	_ =	swait.ge [sflag:s28], $0x6400  }
0x11: {  	[sflag:s28] =	ssyncset.done $0x0  }
0x12: {  	[sflag:s28] =	ssyncadd.s32 $0xFFFF9C00  }
0x13: {  	v4 =	vld [tilespmem:$0x0];
	_ =	sdelay $0x1  }
0x14: {  	v5 =	vld [tilespmem:$0x10];
	_ =	sdelay $0x1  }
0x15: {  	v6 =	vld [tilespmem:$0x20]  }
0x16: {  	v7 =	vshrl.u32 v4, $0x1;
	v4 =	vshll.u32 v4, $0x6  }
0x17: {  	v60 =	vld [tilespmem:$0x30];
	[tilespmem:$0x16400] =	vst v7;
	v4 =	vand.u32 $0x40, v4  }
0x18: {  	[tilespmem:$0x16500] =	vst v4;
	v4 =	vshrl.u32 v5, $0x1;
	v5 =	vshll.u32 v5, $0x6  }
0x19: {  	[tilespmem:$0x16410] =	vst v4;
	v4 =	vand.u32 $0x40, v5;
	v5 =	vld [tilespmem:$0x40]  }
0x1a: {  	[tilespmem:$0x16510] =	vst v4;
	v4 =	vshrl.u32 v6, $0x1;
	v6 =	vshll.u32 v6, $0x6  }
0x1b: {  	v61 =	vld [tilespmem:$0x50];
	[tilespmem:$0x16420] =	vst v4;
	v4 =	vand.u32 $0x40, v6  }
0x1c: {  	v7 =	vshll.u32 v60, $0x6;
	[tilespmem:$0x16520] =	vst v4;
	v4 =	vshrl.u32 v60, $0x1  }
0x1d: {  	v62 =	vld [tilespmem:$0x60];
	[tilespmem:$0x16430] =	vst v4;
	v4 =	vand.u32 $0x40, v7  }
0x1e: {  	[tilespmem:$0x16530] =	vst v4;
	v4 =	vshrl.u32 v5, $0x1;
	v5 =	vshll.u32 v5, $0x6  }
0x1f: {  	[tilespmem:$0x16440] =	vst v4;
	v4 =	vand.u32 $0x40, v5;
	v5 =	vld [tilespmem:$0x70]  }
0x20: {  	v6 =	vshll.u32 v61, $0x6;
	[tilespmem:$0x16540] =	vst v4;
	v4 =	vshrl.u32 v61, $0x1  }
0x21: {  	[tilespmem:$0x16450] =	vst v4;
	v4 =	vand.u32 $0x40, v6  }
0x22: {  	v63 =	vshll.u32 v62, $0x6;
	[tilespmem:$0x16550] =	vst v4;
	v4 =	vshrl.u32 v62, $0x1  }
0x23: {  	[tilespmem:$0x16460] =	vst v4;
	v4 =	vand.u32 $0x40, v63  }
0x24: {  	s29 =	sld [smem:$0x7F9];
	[tilespmem:$0x16560] =	vst v4;
	v4 =	vshrl.u32 v5, $0x1;
	v5 =	vshll.u32 v5, $0x6  }
0x25: {  	s30 =	simm.s32 $0x80;
	[tilespmem:$0x16470] =	vst v4;
	v4 =	vand.u32 $0x40, v5  }
0x26: {  	s31 =	simm.s32 $0x16400;
	s3 =	simm.s32 $0x6400;
	s0 =	simm.s32 $0x0;
	[tilespmem:$0x16570] =	vst v4  }
0x27: {  	[tilespmem:s3], [sflag:$0x1] =	stream.indirect.gather [hbm4b:s29+s30], $0x80, s31, s30, $0xb8;
	[tilespmem:$0x16700] =	vst v63  }
.LBB2_2:
0x28: {  	s1 =	sshllo.u32 s0, $0x1  }
0x29: {  	s9 =	sshll.u32 s1, $0x7  }
0x2a: {  	s4 =	smov.u32 s0;
	[smem:$0x7F6] =	sst s0;
	s0 =	sand.u32 $0x3FFFFF80, s9  }
0x2b: {  	v4 =	vld [tilespmem:s0+$0x0];
	_ =	sdelay $0x4  }
0x2c: {  	v5 =	vshrl.u32 v4, $0x1;
	v4 =	vshll.u32 v4, $0x6  }
0x2d: {  	[tilespmem:$0x16480] =	vst v5;
	v4 =	vand.u32 $0x40, v4  }
0x2e: {  	[tilespmem:$0x16600] =	vst v4  }
0x2f: {  	v4 =	vld [tilespmem:s0+$0x10];
	_ =	sdelay $0x4  }
0x30: {  	v5 =	vshrl.u32 v4, $0x1;
	v4 =	vshll.u32 v4, $0x6  }
0x31: {  	[tilespmem:$0x16490] =	vst v5;
	v4 =	vand.u32 $0x40, v4  }
0x32: {  	[tilespmem:$0x16610] =	vst v4  }
0x33: {  	v4 =	vld [tilespmem:s0+$0x20];
	_ =	sdelay $0x4  }
0x34: {  	v5 =	vshrl.u32 v4, $0x1;
	v4 =	vshll.u32 v4, $0x6  }
0x35: {  	[tilespmem:$0x164A0] =	vst v5;
	v4 =	vand.u32 $0x40, v4  }
0x36: {  	[tilespmem:$0x16620] =	vst v4  }
0x37: {  	v4 =	vld [tilespmem:s0+$0x30];
	_ =	sdelay $0x4  }
0x38: {  	v5 =	vshrl.u32 v4, $0x1;
	v4 =	vshll.u32 v4, $0x6  }
0x39: {  	[tilespmem:$0x164B0] =	vst v5;
	v4 =	vand.u32 $0x40, v4  }
0x3a: {  	[tilespmem:$0x16630] =	vst v4  }
0x3b: {  	v4 =	vld [tilespmem:s0+$0x40];
	_ =	sdelay $0x4  }
0x3c: {  	v5 =	vshrl.u32 v4, $0x1;
	v4 =	vshll.u32 v4, $0x6  }
0x3d: {  	[tilespmem:$0x164C0] =	vst v5;
	v4 =	vand.u32 $0x40, v4  }
0x3e: {  	[tilespmem:$0x16640] =	vst v4  }
0x3f: {  	v4 =	vld [tilespmem:s0+$0x50];
	_ =	sdelay $0x4  }
0x40: {  	v5 =	vshrl.u32 v4, $0x1;
	v4 =	vshll.u32 v4, $0x6  }
0x41: {  	[tilespmem:$0x164D0] =	vst v5;
	v4 =	vand.u32 $0x40, v4  }
0x42: {  	[tilespmem:$0x16650] =	vst v4  }
0x43: {  	v4 =	vld [tilespmem:s0+$0x60];
	_ =	sdelay $0x4  }
0x44: {  	v5 =	vshrl.u32 v4, $0x1;
	v4 =	vshll.u32 v4, $0x6  }
0x45: {  	[tilespmem:$0x164E0] =	vst v5;
	v4 =	vand.u32 $0x40, v4  }
0x46: {  	[tilespmem:$0x16660] =	vst v4  }
0x47: {  	v4 =	vld [tilespmem:s0+$0x70];
	_ =	sdelay $0x4  }
0x48: {  	s10 =	sld [smem:$0x7F9];
	v5 =	vshrl.u32 v4, $0x1;
	v4 =	vshll.u32 v4, $0x6  }
0x49: {  	s11 =	simm.s32 $0x80;
	s2 =	simm.s32 $0x16480;
	[tilespmem:$0x164F0] =	vst v5;
	v4 =	vand.u32 $0x40, v4  }
0x4a: {  	s3 =	simm.s32 $0xA400;
	s12 =	simm.s32 $0x1;
	[smem:$0x7F5] =	sst s1;
	[tilespmem:$0x16670] =	vst v4  }
0x4b: {  	[tilespmem:s3], [sflag:$0x2] =	stream.indirect.gather [hbm4b:s10+s11], $0x80, s2, s11, $0xb8;
	[tilespmem:$0x16700] =	vst v63  }
0x4c: {  	_ =	swait.ge [sflag:s12], $0x4000  }
0x4d: {  	p0 =	seq.s32 s4, $0x0;
	[sflag:s12] =	ssyncset.done $0x0  }
0x4e: {  	s0 =	simm.s32 @!p0 $0x3;
	[sflag:s12] =	ssyncadd.s32 $0xFFFFC000  }
0x4f: {  	_ =	swait.ge @!p0 [sflag:s0], $0x4000  }
0x50: {  	[sflag:s0] =	ssyncset.done @!p0 $0x0  }
0x51: {  	s13 =	simm.s32 $0x16504;
	[sflag:s0] =	ssyncadd.s32 @!p0 $0xFFFFC000  }
0x52: {  	v4 =	vld [tilespmem:s13+$0x3];
	_ =	sdelay $0x4  }
0x53: {  	(v2sf) =	vpush v4, $0x0;
	_ =	sdelay $0x4  }
0x54: {  	v4 =	vld [tilespmem:s13+$0xFFFFFFFC]  }
0x55: {  	v5 =	vld [tilespmem:s13+$0xFFFFFFFD];
	_ =	sdelay $0x1  }
0x56: {  	v6 =	vld [tilespmem:s13+$0xFFFFFFFE];
	_ =	sdelay $0x1  }
0x57: {  	v7 =	vld [tilespmem:s13+$0xFFFFFFFF];
	(v2sf) =	vpush v4, $0x0  }
0x58: {  	(v2sf) =	vpush v5, $0x0  }
0x59: {  	v8 =	vld [tilespmem:s13+$0x0]  }
0x5a: {  	(v2sf) =	vpush v6, $0x0;
	_ =	sdelay $0x1  }
0x5b: {  	(v2sf) =	vpush v7, $0x0;
	s14 =	spop (v2sf)  }
0x5c: {  	s15 =	sand.u32 $0x7F, s14;
	s16 =	sadd.s32 $0x20, s14;
	s17 =	sadd.s32 $0x30, s14  }
0x5d: {  	(v2sf) =	vpush v8, $0x0;
	s18 =	sshll.u32 s14, $0x2;
	s0 =	sadd.s32 $0x10, s14;
	s5 =	sand.u32 $0x7F, s17  }
0x5e: {  	s4 =	sand.u32 $0xFFFFFE00, s18;
	s6 =	sand.u32 $0x7F, s16;
	s2 =	sshll.u32 s16, $0x2  }
0x5f: {  	s1 =	sshll.u32 s15, $0x2;
	s7 =	sand.u32 $0x7F, s0;
	s0 =	sshll.u32 s0, $0x2  }
0x60: {  	s24 =	sshll.u32 s17, $0x2;
	s1 =	sor.u32 s1, s4;
	s0 =	sand.u32 $0xFFFFFE00, s0  }
0x61: {  	s19 =	sshll.u32 s7, $0x2;
	s2 =	sand.u32 $0xFFFFFE00, s2;
	s20 =	sshll.u32 s6, $0x2  }
0x62: {  	v4 =	vld [tilespmem:s13+$0x1];
	s3 =	sand.u32 $0xFFFFFE00, s24;
	s25 =	sshll.u32 s5, $0x2;
	s1 =	sshra.s32 s1, $0x2  }
0x63: {  	s0 =	sor.u32 s19, s0;
	s21 =	sor.u32 s20, s2;
	s3 =	sor.u32 s25, s3  }
0x64: {  	v5 =	vld [tilespmem:s13+$0x2];
	s9 =	sadd.s32 $0x0, s1;
	s0 =	sshra.s32 s0, $0x2;
	s1 =	sshra.s32 s21, $0x2  }
0x65: {  	s3 =	sshra.s32 s3, $0x2;
	s22 =	sadd.s32 $0x0, s0;
	s0 =	spop (v2sf)  }
0x66: {  	s26 =	sadd.s32 $0x0, s1;
	s3 =	sadd.s32 $0x0, s3;
	s1 =	spop (v2sf)  }
0x67: {  	(v2sf) =	vpush v4, $0x0;
	s28 =	sadd.s32 $0x10, s0;
	s24 =	sand.u32 $0x7F, s0;
	s5 =	sshll.u32 s0, $0x2  }
0x68: {  	s10 =	sadd.s32 $0x10, s1;
	s6 =	spop (v2sf);
	s11 =	sand.u32 $0x7F, s28  }
0x69: {  	(v2sf) =	vpush v5, $0x0;
	s4 =	sshll.u32 s28, $0x2;
	s28 =	sand.u32 $0x7F, s1;
	s12 =	sadd.s32 $0x10, s6  }
0x6a: {  	s7 =	spop (v2sf);
	s14 =	sand.u32 $0x7F, s10;
	s10 =	sshll.u32 s10, $0x2  }
0x6b: {  	s4 =	sand.u32 $0xFFFFFE00, s4;
	s30 =	sshll.u32 s11, $0x2;
	s13 =	sadd.s32 $0x10, s7  }
0x6c: {  	v24 =	vld [tilespmem:s9+$0x6780];
	s8 =	spop (v2sf);
	s17 =	sand.u32 $0x7F, s12;
	s9 =	sshll.u32 s12, $0x2  }
0x6d: {  	s10 =	sand.u32 $0xFFFFFE00, s10;
	s31 =	sshll.u32 s14, $0x2;
	s11 =	sor.u32 s30, s4  }
0x6e: {  	s30 =	sand.u32 $0x7F, s6;
	s15 =	sadd.s32 $0x10, s8;
	s18 =	sand.u32 $0x7F, s13  }
0x6f: {  	s2 =	sshll.u32 s13, $0x2;
	s12 =	sor.u32 s31, s10;
	s10 =	sshll.u32 s6, $0x2  }
0x70: {  	s9 =	sand.u32 $0xFFFFFE00, s9;
	s13 =	sshll.u32 s17, $0x2;
	s11 =	sshra.s32 s11, $0x2  }
0x71: {  	s20 =	sand.u32 $0x7F, s15;
	s15 =	sshll.u32 s15, $0x2;
	s13 =	sor.u32 s13, s9  }
0x72: {  	s9 =	sand.u32 $0x7F, s7;
	s2 =	sand.u32 $0xFFFFFE00, s2;
	s14 =	sshll.u32 s18, $0x2  }
0x73: {  	v25 =	vld [tilespmem:s22+$0x6780];
	s10 =	sand.u32 $0xFFFFFE00, s10;
	s12 =	sshra.s32 s12, $0x2;
	s11 =	sadd.s32 $0x0, s11  }
0x74: {  	s17 =	sshll.u32 s20, $0x2;
	s14 =	sor.u32 s14, s2;
	s2 =	sshll.u32 s7, $0x2  }
0x75: {  	v37 =	vld [tilespmem:s26+$0x6780];
	s9 =	sshll.u32 s9, $0x2;
	s13 =	sshra.s32 s13, $0x2;
	s12 =	sadd.s32 $0x0, s12  }
0x76: {  	s2 =	sand.u32 $0xFFFFFE00, s2;
	s14 =	sshra.s32 s14, $0x2;
	s19 =	spop (v2sf)  }
0x77: {  	v32 =	vld [tilespmem:s3+$0x6780];
	s13 =	sadd.s32 $0x0, s13;
	s14 =	sadd.s32 $0x0, s14;
	s16 =	sadd.s32 $0x10, s19  }
0x78: {  	v4 =	vmul.f32 v24, v24;
	v5 =	vmul.f32 v25, v25;
	v29 =	vld [tilespmem:s11+$0x6400];
	s23 =	spop (v2sf);
	s31 =	sshll.u32 s19, $0x2;
	s11 =	sadd.s32 $0x30, s19  }
0x79: {  	s29 =	sadd.s32 $0x10, s23;
	s21 =	sand.u32 $0x7F, s16;
	s22 =	sshll.u32 s16, $0x2  }
0x7a: {  	v4 =	vadd.f32 v5, v4;
	v5 =	vmul.f32 v37, v37;
	s16 =	sand.u32 $0xFFFFFE00, s15;
	s15 =	sand.u32 $0x7F, s8;
	s25 =	sand.u32 $0x7F, s29  }
0x7b: {  	s26 =	sshll.u32 s29, $0x2;
	s29 =	sshll.u32 s1, $0x2;
	s16 =	sor.u32 s17, s16  }
0x7c: {  	v4 =	vadd.f32 v5, v4;
	v5 =	vmul.f32 v32, v32;
	s18 =	sand.u32 $0xFFFFFE00, s22;
	s20 =	sshll.u32 s21, $0x2;
	s17 =	sshll.u32 s8, $0x2  }
0x7d: {  	s21 =	sand.u32 $0xFFFFFE00, s5;
	s22 =	sshll.u32 s24, $0x2;
	s15 =	sshll.u32 s15, $0x2  }
0x7e: {  	v4 =	vadd.f32 v5, v4;
	s3 =	sor.u32 s20, s18;
	s24 =	sand.u32 $0xFFFFFE00, s29;
	s29 =	sshll.u32 s28, $0x2  }
0x7f: {  	s5 =	sor.u32 s22, s21;
	s21 =	sand.u32 $0x7F, s19;
	s28 =	sshll.u32 s30, $0x2  }
0x80: {  	s30 =	sshll.u32 s23, $0x2;
	s17 =	sand.u32 $0xFFFFFE00, s17;
	s22 =	sand.u32 $0xFFFFFE00, s31;
	v5 =	vperm.xlane v4, v0  }
0x81: {  	s16 =	sshra.s32 s16, $0x2;
	s4 =	sor.u32 s29, s24;
	s24 =	sand.u32 $0xFFFFFE00, s26  }
0x82: {  	s26 =	sshll.u32 s25, $0x2;
	s29 =	sand.u32 $0x7F, s23;
	s18 =	sor.u32 s28, s10;
	v4 =	vadd.f32 v4, v5  }
0x83: {  	s31 =	sshll.u32 s21, $0x2;
	s21 =	sor.u32 s9, s2;
	s28 =	sand.u32 $0xFFFFFE00, s30  }
0x84: {  	v11 =	vld [tilespmem:s13+$0x6500];
	s25 =	sor.u32 s15, s17;
	s30 =	sadd.s32 $0x20, s1;
	s20 =	sor.u32 s26, s24;
	v5 =	vperm.xlane v4, v1  }
0x85: {  	s26 =	sadd.s32 $0x20, s0;
	s29 =	sshll.u32 s29, $0x2;
	s22 =	sor.u32 s31, s22  }
0x86: {  	s17 =	sand.u32 $0x7F, s30;
	s15 =	sshll.u32 s30, $0x2;
	s31 =	sand.u32 $0x7F, s26;
	v4 =	vadd.f32 v4, v5  }
0x87: {  	s2 =	sshll.u32 s26, $0x2;
	s24 =	sor.u32 s29, s28;
	s26 =	sadd.s32 $0x20, s6  }
0x88: {  	s28 =	sand.u32 $0xFFFFFE00, s15;
	s2 =	sand.u32 $0xFFFFFE00, s2;
	s10 =	sshll.u32 s31, $0x2;
	v5 =	vperm.xlane v4, v2  }
0x89: {  	v36 =	vld [tilespmem:s12+$0x6480];
	[tilespmem:$0x1FF90] =	vst v11;
	s29 =	sand.u32 $0x7F, s26;
	s30 =	sshll.u32 s26, $0x2;
	s31 =	sadd.s32 $0x20, s7  }
0x8a: {  	v13 =	vld [tilespmem:s14+$0x6580];
	s2 =	sor.u32 s10, s2;
	s10 =	sshll.u32 s17, $0x2;
	s15 =	sand.u32 $0xFFFFFE00, s30;
	v4 =	vadd.f32 v4, v5  }
0x8b: {  	s26 =	sand.u32 $0x7F, s31;
	s17 =	sshll.u32 s31, $0x2;
	s30 =	sadd.s32 $0x20, s19  }
0x8c: {  	s9 =	sor.u32 s10, s28;
	s10 =	sshll.u32 s29, $0x2;
	s17 =	sand.u32 $0xFFFFFE00, s17;
	v5 =	vperm.xlane v4, v3  }
0x8d: {  	s28 =	sadd.s32 $0x20, s8;
	s10 =	sor.u32 s10, s15;
	s15 =	sshll.u32 s26, $0x2  }
0x8e: {  	s19 =	sadd.s32 $0x30, s23;
	s29 =	sand.u32 $0x7F, s28;
	s15 =	sor.u32 s15, s17;
	v4 =	vadd.f32 v4, v5  }
0x8f: {  	[tilespmem:$0x1FFB0] =	vst v13;
	s17 =	sshll.u32 s29, $0x2;
	s29 =	sadd.s32 $0x20, s23;
	s23 =	sadd.s32 $0x0, s16  }
0x90: {  	v14 =	vld [tilespmem:s23+$0x6600];
	v59 =	vmax.f32 v4, $1.000000000e-30  }
0x91: {  	v4 =	vshrl.u32 v59, $0x1;
	v5 =	vmul.f32 $5.000000000e-01, v59  }
0x92: {  	v4 =	vsub.s32 $0x5F3759DF, v4  }
0x93: {  	v60 =	vmul.f32 v4, v5  }
0x94: {  	s3 =	sshra.s32 s3, $0x2  }
0x95: {  	s3 =	sadd.s32 $0x0, s3;
	[tilespmem:$0x1FFD0] =	vst v14;
	v7 =	vmul.f32 v4, v60  }
0x96: {  	v15 =	vld [tilespmem:s3+$0x6680]  }
0x97: {  	v7 =	vsub.f32 $1.500000000e+00, v7;
	_ =	sdelay $0x1  }
0x98: {  	v4 =	vmul.f32 v4, v7  }
0x99: {  	s21 =	sshra.s32 s21, $0x2  }
0x9a: {  	s5 =	sshra.s32 s5, $0x2;
	s16 =	sadd.s32 $0x0, s21;
	[tilespmem:$0x1FFF0] =	vst v15;
	v7 =	vmul.f32 v4, v5  }
0x9b: {  	s4 =	sshra.s32 s4, $0x2;
	s18 =	sshra.s32 s18, $0x2;
	s25 =	sshra.s32 s25, $0x2;
	v18 =	vld [tilespmem:s16+$0x6580]  }
0x9c: {  	s5 =	sadd.s32 $0x0, s5;
	s20 =	sshra.s32 s20, $0x2;
	s26 =	sshll.u32 s28, $0x2;
	v7 =	vmul.f32 v7, v4  }
0x9d: {  	s4 =	sadd.s32 $0x0, s4;
	s13 =	sadd.s32 $0x0, s18;
	s26 =	sand.u32 $0xFFFFFE00, s26;
	v26 =	vld [tilespmem:s5+$0x6400]  }
0x9e: {  	s28 =	sshll.u32 s30, $0x2;
	s17 =	sor.u32 s17, s26;
	s31 =	sand.u32 $0x7F, s29;
	v33 =	vld [tilespmem:s4+$0x6480];
	v7 =	vsub.f32 $1.500000000e+00, v7  }
0x9f: {  	s26 =	sand.u32 $0x7F, s30;
	s30 =	sshll.u32 s31, $0x2;
	s31 =	sadd.s32 $0x0, s20;
	v35 =	vld [tilespmem:s13+$0x6500]  }
0xa0: {  	s14 =	sadd.s32 $0x0, s25;
	v7 =	vmul.f32 v7, v4;
	v4 =	vld [tilespmem:s31+$0x6700];
	[tilespmem:$0x1FFA0] =	vst v18  }
0xa1: {  	s1 =	sadd.s32 $0x30, s1;
	s0 =	sadd.s32 $0x30, s0;
	v17 =	vld [tilespmem:s14+$0x6600]  }
0xa2: {  	s22 =	sshra.s32 s22, $0x2;
	s6 =	sadd.s32 $0x30, s6;
	s25 =	sand.u32 $0x7F, s1  }
0xa3: {  	s24 =	sshra.s32 s24, $0x2;
	s7 =	sadd.s32 $0x30, s7;
	s18 =	sadd.s32 $0x0, s22  }
0xa4: {  	s22 =	sand.u32 $0x7F, s0;
	s8 =	sadd.s32 $0x30, s8;
	s2 =	sshra.s32 s2, $0x2  }
0xa5: {  	s9 =	sshra.s32 s9, $0x2;
	s2 =	sadd.s32 $0x0, s2;
	s28 =	sand.u32 $0xFFFFFE00, s28  }
0xa6: {  	s10 =	sshra.s32 s10, $0x2;
	s29 =	sshll.u32 s29, $0x2;
	s15 =	sshra.s32 s15, $0x2;
	[tilespmem:$0x1FFC0] =	vst v17  }
0xa7: {  	s26 =	sshll.u32 s26, $0x2;
	s29 =	sand.u32 $0xFFFFFE00, s29;
	s20 =	sadd.s32 $0x0, s24;
	v5 =	vmul.f32 v7, v5;
	v16 =	vld [tilespmem:s18+$0x6680]  }
0xa8: {  	s24 =	sshll.u32 s0, $0x2;
	s0 =	sand.u32 $0x7F, s19;
	s17 =	sshra.s32 s17, $0x2  }
0xa9: {  	s21 =	sor.u32 s26, s28;
	s23 =	sor.u32 s30, s29;
	s26 =	sshll.u32 s1, $0x2;
	v5 =	vmul.f32 v5, v7  }
0xaa: {  	s28 =	sand.u32 $0x7F, s6;
	s6 =	sshll.u32 s6, $0x2;
	s29 =	sand.u32 $0x7F, s7  }
0xab: {  	s30 =	sshll.u32 s7, $0x2;
	s1 =	sshll.u32 s19, $0x2;
	s19 =	sshra.s32 s23, $0x2;
	v5 =	vsub.f32 $1.500000000e+00, v5  }
0xac: {  	s23 =	sshll.u32 s22, $0x2;
	s12 =	sand.u32 $0xFFFFFE00, s26;
	s6 =	sand.u32 $0xFFFFFE00, s6;
	[tilespmem:$0x1FFE0] =	vst v16  }
0xad: {  	s26 =	sadd.s32 $0x0, s9;
	s29 =	sshll.u32 s29, $0x2;
	s3 =	sshra.s32 s21, $0x2;
	v7 =	vmul.f32 v5, v7;
	v5 =	vld [tilespmem:s20+$0x6700]  }
0xae: {  	s21 =	sand.u32 $0xFFFFFE00, s24;
	s24 =	sshll.u32 s25, $0x2;
	s3 =	sadd.s32 $0x0, s3;
	v30 =	vld [tilespmem:s2+$0x6400]  }
0xaf: {  	v61 =	vmul.f32 v29, v29;
	s12 =	sor.u32 s24, s12;
	s5 =	sshll.u32 s28, $0x2;
	s28 =	sadd.s32 $0x0, s10;
	v31 =	vld [tilespmem:s26+$0x6480]  }
0xb0: {  	v9 =	vmul.f32 v36, v36;
	v11 =	vmul.f32 v11, v11;
	s13 =	sand.u32 $0x7F, s11;
	s4 =	sand.u32 $0xFFFFFE00, s30;
	s30 =	sadd.s32 $0x0, s15;
	v42 =	vld [tilespmem:s28+$0x6500];
	[tilespmem:$0x1FEB0] =	vst v4  }
0xb1: {  	v12 =	vmul.f32 v13, v13;
	v62 =	vmul.f32 v14, v14;
	s31 =	sand.u32 $0x7F, s8;
	s8 =	sshll.u32 s8, $0x2;
	s14 =	sadd.s32 $0x0, s17;
	v40 =	vld [tilespmem:s30+$0x6580]  }
0xb2: {  	v63 =	vmul.f32 v15, v15;
	s15 =	sshll.u32 s13, $0x2;
	v47 =	vmul.f32 v26, v26;
	s8 =	sand.u32 $0xFFFFFE00, s8;
	s17 =	sor.u32 s23, s21;
	v39 =	vld [tilespmem:s14+$0x6600]  }
0xb3: {  	v20 =	vmul.f32 v33, v33;
	v21 =	vmul.f32 v35, v35;
	s7 =	sshll.u32 s31, $0x2;
	s13 =	sshra.s32 s17, $0x2;
	s18 =	sadd.s32 $0x0, s19;
	v48 =	vld [tilespmem:s3+$0x6680]  }
0xb4: {  	s21 =	sshra.s32 s12, $0x2;
	s22 =	sadd.s32 $0x0, s13;
	v15 =	vmul.f32 v4, v4;
	v10 =	vmul.f32 v7, v59;
	s20 =	sor.u32 s5, s6;
	v4 =	vld [tilespmem:s18+$0x6700]  }
0xb5: {  	v22 =	vmul.f32 v18, v18;
	v8 =	vadd.f32 v61, v47;
	v9 =	vadd.f32 v9, v20;
	s23 =	sadd.s32 $0x0, s21;
	s2 =	sor.u32 s29, s4;
	s3 =	sshra.s32 s20, $0x2;
	v47 =	vld [tilespmem:s22+$0x6400];
	[tilespmem:$0x1FEC0] =	vst v5  }
0xb6: {  	v11 =	vadd.f32 v11, v21;
	s24 =	sor.u32 s7, s8;
	v20 =	vmul.f32 v17, v17;
	v10 =	vmax.f32 v10, $9.999999960e-13;
	s2 =	sshra.s32 s2, $0x2;
	s3 =	sadd.s32 $0x0, s3;
	v34 =	vld [tilespmem:s23+$0x6480]  }
0xb7: {  	s11 =	sshll.u32 s11, $0x2;
	v12 =	vadd.f32 v12, v22;
	s25 =	sshra.s32 s24, $0x2;
	v21 =	vmul.f32 v16, v16;
	(erf) = vrcp.f32 v10;
	s2 =	sadd.s32 $0x0, s2;
	v44 =	vld [tilespmem:s3+$0x6500]  }
0xb8: {  	s31 =	sand.u32 $0xFFFFFE00, s11;
	v13 =	vadd.f32 v62, v20;
	s4 =	sadd.s32 $0x0, s25;
	v20 =	vmul.f32 v5, v5;
	v22 =	vmul.f32 v30, v30;
	v43 =	vld [tilespmem:s2+$0x6580]  }
0xb9: {  	s26 =	sor.u32 s15, s31;
	s29 =	simm.s32 $0x1650C;
	v14 =	vadd.f32 v63, v21;
	v21 =	vmul.f32 v31, v31;
	v38 =	vmul.f32 v42, v42;
	v41 =	vld [tilespmem:s4+$0x6600];
	[tilespmem:$0x1FED0] =	vst v48  }
0xba: {  	s0 =	sshll.u32 s0, $0x2;
	s1 =	sand.u32 $0xFFFFFE00, s1;
	s28 =	sshra.s32 s26, $0x2;
	v49 =	vmul.f32 v40, v40;
	v50 =	vmul.f32 v39, v39;
	v15 =	vadd.f32 v15, v20;
	v52 =	vld [tilespmem:s29+$0x3]  }
0xbb: {  	s1 =	sor.u32 s0, s1;
	s2 =	sadd.s32 $0x0, s28;
	v51 =	vmul.f32 v48, v48;
	v20 =	vadd.f32 v22, v8;
	v21 =	vadd.f32 v21, v9;
	[tilespmem:$0x1FEE0] =	vst v4  }
0xbc: {  	s1 =	sshra.s32 s1, $0x2;
	v11 =	vadd.f32 v38, v11;
	v22 =	vmul.f32 v47, v47;
	v12 =	vadd.f32 v49, v12;
	v5 =	vld [tilespmem:s2+$0x6680]  }
0xbd: {  	s1 =	sadd.s32 $0x0, s1;
	v45 =	vmul.f32 v4, v4;
	v13 =	vadd.f32 v50, v13;
	v14 =	vadd.f32 v51, v14  }
0xbe: {  	v4 =	vld [tilespmem:s1+$0x6700];
	v20 =	vadd.f32 v22, v20;
	v46 =	vmul.f32 v34, v34;
	v22 =	vmul.f32 v44, v44  }
0xbf: {  	v15 =	vadd.f32 v45, v15;
	v53 =	vmul.f32 v43, v43;
	(v2sf) =	vpush v52, $0x0  }
0xc0: {  	v54 =	vperm.xlane v20, v0;
	v21 =	vadd.f32 v46, v21;
	v11 =	vadd.f32 v22, v11  }
0xc1: {  	v22 =	vmul.f32 v41, v41;
	v12 =	vadd.f32 v53, v12;
	v55 =	vmul.f32 v5, v5  }
0xc2: {  	[tilespmem:$0x1FEF0] =	vst v5;
	v20 =	vadd.f32 v20, v54;
	v48 =	vperm.xlane v21, v0;
	v56 =	vperm.xlane v11, v0  }
0xc3: {  	[tilespmem:$0x1FF00] =	vst v4;
	v13 =	vadd.f32 v22, v13;
	v22 =	vmul.f32 v4, v4;
	v57 =	vperm.xlane v12, v0  }
0xc4: {  	v7 =	vld [tilespmem:s29+$0xFFFFFFFC];
	v14 =	vadd.f32 v55, v14;
	v59 =	vperm.xlane v20, v1;
	v21 =	vadd.f32 v21, v48  }
0xc5: {  	v58 =	vperm.xlane v13, v0;
	v15 =	vadd.f32 v22, v15;
	v11 =	vadd.f32 v11, v56  }
0xc6: {  	v12 =	vadd.f32 v12, v57;
	v22 =	vperm.xlane v14, v0;
	v20 =	vadd.f32 v20, v59  }
0xc7: {  	v56 =	vld [tilespmem:s29+$0xFFFFFFFD];
	v13 =	vadd.f32 v13, v58;
	v60 =	vperm.xlane v15, v0;
	v61 =	vperm.xlane v21, v1  }
0xc8: {  	v59 =	vld [tilespmem:s29+$0xFFFFFFFE];
	v62 =	vperm.xlane v11, v1;
	v14 =	vadd.f32 v14, v22;
	v22 =	vperm.xlane v12, v1  }
0xc9: {  	v51 =	vld [tilespmem:s29+$0xFFFFFFFF];
	v45 =	vperm.xlane v20, v2;
	(v2sf) =	vpush v7, $0x0;
	v15 =	vadd.f32 v15, v60  }
0xca: {  	v49 =	vperm.xlane v13, v1;
	v21 =	vadd.f32 v21, v61;
	v11 =	vadd.f32 v11, v62  }
0xcb: {  	v63 =	vperm.xlane v14, v1;
	v12 =	vadd.f32 v12, v22;
	v20 =	vadd.f32 v20, v45  }
0xcc: {  	v61 =	vld [tilespmem:s29+$0x0];
	(v2sf) =	vpush v56, $0x0;
	v22 =	vperm.xlane v15, v1;
	v13 =	vadd.f32 v13, v49  }
0xcd: {  	v14 =	vadd.f32 v14, v63;
	v6 =	vperm.xlane v21, v2;
	(v2sf) =	vpush v59, $0x0  }
0xce: {  	v57 =	vperm.xlane v12, v2;
	v60 =	vperm.xlane v20, v3;
	(v2sf) =	vpush v51, $0x0  }
0xcf: {  	v15 =	vadd.f32 v15, v22;
	v22 =	vperm.xlane v11, v2;
	v21 =	vadd.f32 v21, v6  }
0xd0: {  	v58 =	vperm.xlane v13, v2;
	v12 =	vadd.f32 v12, v57;
	v20 =	vadd.f32 v20, v60;
	s30 =	spop (v2sf)  }
0xd1: {  	v50 =	vperm.xlane v14, v2;
	(v2sf) =	vpush v61, $0x0;
	v11 =	vadd.f32 v11, v22;
	s31 =	sand.u32 $0x7F, s30;
	s4 =	sadd.s32 $0x20, s30;
	s6 =	sadd.s32 $0x30, s30  }
0xd2: {  	v22 =	vperm.xlane v15, v2;
	v13 =	vadd.f32 v13, v58;
	v62 =	vperm.xlane v21, v3;
	s8 =	sshll.u32 s30, $0x2;
	s1 =	sadd.s32 $0x10, s30;
	s9 =	sand.u32 $0x7F, s6  }
0xd3: {  	v14 =	vadd.f32 v14, v50;
	v6 =	vperm.xlane v12, v3;
	v52 =	vperm.xlane v11, v3;
	s10 =	sand.u32 $0xFFFFFE00, s8;
	s11 =	sand.u32 $0x7F, s4;
	s3 =	sshll.u32 s4, $0x2  }
0xd4: {  	v15 =	vadd.f32 v15, v22;
	v21 =	vadd.f32 v21, v62;
	v7 =	vperm.xlane v13, v3;
	s2 =	sshll.u32 s31, $0x2;
	s12 =	sand.u32 $0x7F, s1;
	s1 =	sshll.u32 s1, $0x2  }
0xd5: {  	v22 =	vld [tilespmem:s29+$0x1];
	v8 =	vperm.xlane v14, v3;
	v12 =	vadd.f32 v12, v6;
	s0 =	sor.u32 s2, s10;
	s1 =	sand.u32 $0xFFFFFE00, s1;
	s13 =	sshll.u32 s12, $0x2;
	v11 =	vadd.f32 v11, v52  }
0xd6: {  	s14 =	sand.u32 $0xFFFFFE00, s3;
	v9 =	vperm.xlane v15, v3;
	v13 =	vadd.f32 v13, v7;
	s0 =	sshra.s32 s0, $0x2;
	s1 =	sor.u32 s13, s1;
	v38 =	vmax.f32 v21, $1.000000000e-30  }
0xd7: {  	v63 =	vld [tilespmem:s29+$0x2];
	s15 =	sshll.u32 s11, $0x2;
	v14 =	vadd.f32 v14, v8;
	v18 =	vmax.f32 v12, $1.000000000e-30;
	s0 =	sadd.s32 $0x400, s0;
	s1 =	sshra.s32 s1, $0x2;
	v55 =	vshrl.u32 v38, $0x1  }
0xd8: {  	s18 =	sshll.u32 s6, $0x2;
	s17 =	sor.u32 s15, s14;
	v45 =	vmul.f32 $5.000000000e-01, v38;
	v57 =	vshrl.u32 v18, $0x1;
	v46 =	vmul.f32 $5.000000000e-01, v18;
	v4 =	vld [tilespmem:s0+$0x6780];
	s16 =	sadd.s32 $0x400, s1  }
0xd9: {  	s20 =	sand.u32 $0xFFFFFE00, s18;
	s21 =	sshll.u32 s9, $0x2;
	s19 =	sshra.s32 s17, $0x2;
	v10 =	vadd.f32 v15, v9;
	v21 =	vmax.f32 v11, $1.000000000e-30;
	v19 =	vmax.f32 v14, $1.000000000e-30;
	v5 =	vld [tilespmem:s16+$0x6780]  }
0xda: {  	s0 =	sadd.s32 $0x400, s19;
	s1 =	sor.u32 s21, s20;
	v55 =	vsub.s32 $0x5F3759DF, v55;
	v57 =	vsub.s32 $0x5F3759DF, v57;
	(v2sf) =	vpush v22, $0x0  }
0xdb: {  	v22 =	vmax.f32 v20, $1.000000000e-30;
	v20 =	vmax.f32 v13, $1.000000000e-30;
	v13 =	vld [tilespmem:s0+$0x6780];
	s22 =	sshra.s32 s1, $0x2;
	v56 =	vshrl.u32 v21, $0x1  }
0xdc: {  	v51 =	vmul.f32 $5.000000000e-01, v21;
	v60 =	vshrl.u32 v19, $0x1;
	v52 =	vmul.f32 $5.000000000e-01, v19;
	s0 =	sadd.s32 $0x400, s22  }
0xdd: {  	s6 =	spop (v2sf);
	v15 =	vmul.f32 v57, v46;
	(v2sf) =	vpush v63, $0x0;
	v23 =	vmax.f32 v10, $1.000000000e-30;
	v50 =	vld [tilespmem:s0+$0x6780]  }
0xde: {  	v53 =	vshrl.u32 v22, $0x1;
	s23 =	sadd.s32 $0x10, s6;
	s22 =	sand.u32 $0x7F, s6;
	s14 =	sshll.u32 s6, $0x2;
	v54 =	vmul.f32 v4, v4;
	v59 =	vmul.f32 v5, v5  }
0xdf: {  	v49 =	vmul.f32 $5.000000000e-01, v22;
	v48 =	vmul.f32 $5.000000000e-01, v20;
	v58 =	vshrl.u32 v20, $0x1;
	s25 =	sand.u32 $0x7F, s23;
	s29 =	sshll.u32 s23, $0x2;
	s14 =	sand.u32 $0xFFFFFE00, s14  }
0xe0: {  	v56 =	vsub.s32 $0x5F3759DF, v56;
	s22 =	sshll.u32 s22, $0x2;
	s0 =	spop (v2sf);
	s9 =	sand.u32 $0xFFFFFE00, s29;
	v62 =	vmul.f32 v13, v13;
	v59 =	vadd.f32 v59, v54  }
0xe1: {  	v63 =	vmul.f32 v55, v45;
	v60 =	vsub.s32 $0x5F3759DF, v60;
	v53 =	vsub.s32 $0x5F3759DF, v53;
	s4 =	sshll.u32 s25, $0x2;
	s24 =	sadd.s32 $0x10, s0;
	s1 =	spop (v2sf)  }
0xe2: {  	v16 =	vmul.f32 v56, v51;
	s29 =	sshll.u32 s0, $0x2;
	s25 =	sor.u32 s4, s9;
	s28 =	sadd.s32 $0x10, s1;
	v14 =	vmul.f32 v50, v50;
	v59 =	vadd.f32 v62, v59  }
0xe3: {  	v58 =	vsub.s32 $0x5F3759DF, v58;
	v9 =	vmul.f32 v60, v52;
	v61 =	vmul.f32 v53, v49;
	s7 =	spop (v2sf);
	s31 =	sand.u32 $0x7F, s24;
	s20 =	sshll.u32 s24, $0x2  }
0xe4: {  	v15 =	vmul.f32 v57, v15;
	v7 =	vmul.f32 v58, v48;
	s4 =	sand.u32 $0x7F, s1;
	s30 =	sadd.s32 $0x10, s7;
	s13 =	sand.u32 $0x7F, s28;
	v59 =	vadd.f32 v14, v59  }
0xe5: {  	v6 =	vshrl.u32 v23, $0x1;
	v63 =	vmul.f32 v55, v63;
	v61 =	vmul.f32 v53, v61;
	s5 =	sshll.u32 s28, $0x2;
	s10 =	sshll.u32 s31, $0x2;
	s31 =	sshll.u32 s1, $0x2  }
0xe6: {  	v16 =	vmul.f32 v56, v16;
	v15 =	vsub.f32 $1.500000000e+00, v15;
	s4 =	sshll.u32 s4, $0x2;
	s8 =	spop (v2sf);
	s15 =	sand.u32 $0x7F, s30;
	v8 =	vperm.xlane v59, v0  }
0xe7: {  	[tilespmem:$0x1FF30] =	vst v13;
	v63 =	vsub.f32 $1.500000000e+00, v63;
	v13 =	vmul.f32 v60, v9;
	v61 =	vsub.f32 $1.500000000e+00, v61;
	s16 =	sshll.u32 s30, $0x2;
	s30 =	sand.u32 $0xFFFFFE00, s20;
	s5 =	sand.u32 $0xFFFFFE00, s5  }
0xe8: {  	v15 =	vmul.f32 v57, v15;
	v54 =	vmul.f32 $5.000000000e-01, v23;
	s11 =	sshll.u32 s13, $0x2;
	s31 =	sand.u32 $0xFFFFFE00, s31;
	s19 =	sadd.s32 $0x10, s8;
	v59 =	vadd.f32 v59, v8  }
0xe9: {  	v55 =	vmul.f32 v55, v63;
	s20 =	sor.u32 s10, s30;
	s12 =	sand.u32 $0xFFFFFE00, s16;
	s13 =	sshll.u32 s15, $0x2;
	v53 =	vmul.f32 v53, v61;
	v62 =	vsub.s32 $0x5F3759DF, v6  }
0xea: {  	v16 =	vsub.f32 $1.500000000e+00, v16;
	s10 =	sor.u32 s11, s5;
	s5 =	sand.u32 $0x7F, s7;
	s16 =	sshll.u32 s7, $0x2;
	v10 =	vmul.f32 v62, v54;
	v11 =	vperm.xlane v59, v1  }
0xeb: {  	v13 =	vsub.f32 $1.500000000e+00, v13;
	s17 =	sand.u32 $0x7F, s19;
	s18 =	sshll.u32 s19, $0x2;
	s11 =	sor.u32 s13, s12;
	v14 =	vmul.f32 v58, v7;
	v63 =	vmul.f32 v53, v49  }
0xec: {  	v16 =	vmul.f32 v56, v16;
	s16 =	sand.u32 $0xFFFFFE00, s16;
	s5 =	sshll.u32 s5, $0x2;
	s20 =	sshra.s32 s20, $0x2;
	v61 =	vmul.f32 v62, v10;
	v56 =	vadd.f32 v59, v11  }
0xed: {  	v9 =	vmul.f32 v15, v46;
	s10 =	sshra.s32 s10, $0x2;
	s15 =	sand.u32 $0xFFFFFE00, s18;
	s17 =	sshll.u32 s17, $0x2;
	v14 =	vsub.f32 $1.500000000e+00, v14;
	v57 =	vmul.f32 v63, v53  }
0xee: {  	v17 =	vmul.f32 v60, v13;
	s11 =	sshra.s32 s11, $0x2;
	s12 =	sor.u32 s17, s15;
	s15 =	sor.u32 s22, s14;
	v61 =	vsub.f32 $1.500000000e+00, v61;
	v7 =	vperm.xlane v56, v2  }
0xef: {  	v6 =	vmul.f32 v55, v45;
	s17 =	sand.u32 $0x7F, s8;
	s22 =	sadd.s32 $0x20, s0;
	s15 =	sshra.s32 s15, $0x2;
	v14 =	vmul.f32 v58, v14;
	v57 =	vsub.f32 $1.500000000e+00, v57  }
0xf0: {  	s12 =	sshra.s32 s12, $0x2;
	s15 =	sadd.s32 $0x400, s15;
	s23 =	spop (v2sf);
	v8 =	vmul.f32 v16, v51;
	v58 =	vmul.f32 v62, v61;
	v56 =	vadd.f32 v56, v7  }
0xf1: {  	s26 =	sadd.s32 $0x10, s23;
	s24 =	spop (v2sf);
	s14 =	sand.u32 $0x7F, s23;
	v10 =	vmul.f32 v14, v48;
	v57 =	vmul.f32 v57, v53  }
0xf2: {  	s30 =	sshll.u32 s23, $0x2;
	s28 =	sadd.s32 $0x10, s24;
	s19 =	sand.u32 $0x7F, s26;
	v59 =	vmul.f32 v6, v55;
	v13 =	vperm.xlane v56, v3  }
0xf3: {  	s21 =	sshll.u32 s26, $0x2;
	s26 =	sand.u32 $0x7F, s0;
	v61 =	vmul.f32 v8, v16;
	v8 =	vmul.f32 v9, v15;
	s0 =	sadd.s32 $0x30, s0  }
0xf4: {  	s2 =	sand.u32 $0x7F, s28;
	s3 =	sshll.u32 s28, $0x2;
	s18 =	sand.u32 $0xFFFFFE00, s21;
	v11 =	vmul.f32 v17, v52;
	v59 =	vsub.f32 $1.500000000e+00, v59;
	v56 =	vadd.f32 v56, v13  }
0xf5: {  	s21 =	sshll.u32 s19, $0x2;
	s19 =	sshll.u32 s8, $0x2;
	s28 =	sand.u32 $0xFFFFFE00, s29;
	v9 =	vmul.f32 v10, v14;
	v10 =	vsub.f32 $1.500000000e+00, v61;
	v13 =	vsub.f32 $1.500000000e+00, v8  }
0xf6: {  	s29 =	sshll.u32 s26, $0x2;
	s26 =	sand.u32 $0x7F, s24;
	s13 =	sor.u32 s21, s18;
	v59 =	vmul.f32 v59, v55;
	v7 =	vmul.f32 v58, v54;
	v55 =	vmax.f32 v56, $1.000000000e-30  }
0xf7: {  	v6 =	vpop (erf);
	s18 =	sor.u32 s29, s28;
	s3 =	sand.u32 $0xFFFFFE00, s3;
	s2 =	sshll.u32 s2, $0x2;
	v13 =	vmul.f32 v13, v15;
	v15 =	vshrl.u32 v55, $0x1;
	v56 =	vmul.f32 $5.000000000e-01, v55  }
0xf8: {  	s28 =	sshll.u32 s24, $0x2;
	s19 =	sand.u32 $0xFFFFFE00, s19;
	s29 =	sshll.u32 s17, $0x2;
	v49 =	vmul.f32 v57, v49;
	v62 =	vmul.f32 $8.000000000e+00, v6;
	v15 =	vsub.s32 $0x5F3759DF, v15  }
0xf9: {  	s21 =	sand.u32 $0xFFFFFE00, s30;
	s30 =	sshll.u32 s14, $0x2;
	s17 =	sor.u32 s5, s16;
	v53 =	vmul.f32 v7, v58;
	v8 =	vmul.f32 v15, v56  }
0xfa: {  	s9 =	sor.u32 s2, s3;
	s2 =	sor.u32 s4, s31;
	s31 =	sadd.s32 $0x20, s6;
	v11 =	vmul.f32 v11, v17;
	v6 =	vsub.f32 $1.500000000e+00, v9;
	v16 =	vmul.f32 v10, v16  }
0xfb: {  	s4 =	sand.u32 $0xFFFFFE00, s28;
	s3 =	sshll.u32 s26, $0x2;
	s14 =	sor.u32 s29, s19;
	v49 =	vmul.f32 v49, v57;
	v53 =	vsub.f32 $1.500000000e+00, v53;
	v9 =	vmul.f32 v15, v8  }
0xfc: {  	s16 =	sor.u32 s30, s21;
	s30 =	sand.u32 $0x7F, s22;
	s19 =	sshll.u32 s22, $0x2;
	v14 =	vmul.f32 v6, v14;
	v51 =	vmul.f32 v16, v51  }
0xfd: {  	s13 =	sshra.s32 s13, $0x2;
	s17 =	sshra.s32 s17, $0x2;
	s6 =	sadd.s32 $0x30, s6;
	v49 =	vsub.f32 $1.500000000e+00, v49;
	v53 =	vmul.f32 v53, v58;
	v58 =	vsub.f32 $1.500000000e+00, v9  }
0xfe: {  	s28 =	sand.u32 $0x7F, s31;
	s3 =	sor.u32 s3, s4;
	s29 =	sshll.u32 s31, $0x2;
	v7 =	vsub.f32 $1.500000000e+00, v11;
	v45 =	vmul.f32 v59, v45;
	v48 =	vmul.f32 v14, v48  }
0xff: {  	s19 =	sand.u32 $0xFFFFFE00, s19;
	s5 =	sshll.u32 s30, $0x2;
	s31 =	sadd.s32 $0x20, s1;
	v51 =	vmul.f32 v51, v16;
	v15 =	vmul.f32 v15, v58  }
0x100: {  	s16 =	sshra.s32 s16, $0x2;
	s4 =	sand.u32 $0xFFFFFE00, s29;
	s21 =	sshll.u32 s28, $0x2;
	v49 =	vmul.f32 v49, v57;
	v17 =	vmul.f32 v7, v17  }
0x101: {  	s19 =	sor.u32 s5, s19;
	s29 =	sor.u32 s21, s4;
	s21 =	sadd.s32 $0x20, s7;
	v45 =	vmul.f32 v45, v59;
	v58 =	vmul.f32 v15, v56  }
0x102: {  	s22 =	sand.u32 $0x7F, s31;
	s4 =	sshll.u32 s31, $0x2;
	s26 =	sand.u32 $0x7F, s21;
	v48 =	vmul.f32 v48, v14;
	v52 =	vmul.f32 v17, v52  }
0x103: {  	s5 =	sshll.u32 s21, $0x2;
	s4 =	sand.u32 $0xFFFFFE00, s4;
	s21 =	sshll.u32 s22, $0x2;
	v51 =	vsub.f32 $1.500000000e+00, v51;
	v46 =	vmul.f32 v13, v46;
	v58 =	vmul.f32 v58, v15  }
0x104: {  	s28 =	sor.u32 s21, s4;
	s30 =	sand.u32 $0xFFFFFE00, s5;
	s31 =	sshll.u32 s26, $0x2;
	v45 =	vsub.f32 $1.500000000e+00, v45;
	v54 =	vmul.f32 v53, v54;
	v52 =	vmul.f32 v52, v17  }
0x105: {  	s5 =	sadd.s32 $0x20, s8;
	s21 =	sadd.s32 $0x20, s23;
	s26 =	sor.u32 s31, s30;
	v22 =	vmul.f32 v49, v22;
	v46 =	vmul.f32 v46, v13;
	v10 =	vsub.f32 $1.500000000e+00, v58  }
0x106: {  	s22 =	sand.u32 $0x7F, s5;
	s4 =	sshll.u32 s5, $0x2;
	s30 =	sand.u32 $0x7F, s21;
	v45 =	vmul.f32 v45, v59;
	v54 =	vmul.f32 v54, v53;
	v52 =	vsub.f32 $1.500000000e+00, v52  }
0x107: {  	s5 =	sshll.u32 s21, $0x2;
	s4 =	sand.u32 $0xFFFFFE00, s4;
	s21 =	sshll.u32 s22, $0x2;
	v16 =	vmul.f32 v51, v16;
	v46 =	vsub.f32 $1.500000000e+00, v46;
	v11 =	vmul.f32 v10, v15  }
0x108: {  	s22 =	sshll.u32 s30, $0x2;
	s31 =	sor.u32 s21, s4;
	s21 =	sand.u32 $0xFFFFFE00, s5;
	v38 =	vmul.f32 v45, v38;
	v17 =	vmul.f32 v52, v17;
	v15 =	vsub.f32 $1.500000000e+00, v54  }
0x109: {  	s5 =	sshra.s32 s25, $0x2;
	s25 =	sadd.s32 $0x20, s24;
	s4 =	sshra.s32 s2, $0x2;
	v48 =	vsub.f32 $1.500000000e+00, v48;
	v13 =	vmul.f32 v46, v13;
	v57 =	vmul.f32 v11, v56  }
0x10a: {  	s2 =	sshra.s32 s14, $0x2;
	s14 =	sshra.s32 s3, $0x2;
	s3 =	sadd.s32 $0x30, s7;
	v58 =	vmul.f32 v15, v53;
	v15 =	vmul.f32 v16, v21;
	v16 =	vmax.f32 v22, $9.999999960e-13  }
0x10b: {  	[tilespmem:$0x1FF10] =	vst v4;
	s7 =	sadd.s32 $0x400, s10;
	s10 =	sadd.s32 $0x400, s11;
	s11 =	sadd.s32 $0x400, s12;
	(erf) = vrcp.f32 v16;
	v16 =	vmul.f32 v57, v11  }
0x10c: {  	[tilespmem:$0x1FF20] =	vst v5;
	s30 =	sor.u32 s22, s21;
	s21 =	sand.u32 $0x7F, s25;
	s22 =	sshll.u32 s25, $0x2;
	v14 =	vmul.f32 v48, v14;
	v17 =	vmul.f32 v17, v19  }
0x10d: {  	s25 =	sshra.s32 s9, $0x2;
	s9 =	sshra.s32 s18, $0x2;
	s18 =	sadd.s32 $0x400, s5;
	v61 =	vld [tilespmem:s11+$0x6600];
	v13 =	vmul.f32 v13, v18;
	v21 =	vmax.f32 v38, $9.999999960e-13;
	v16 =	vsub.f32 $1.500000000e+00, v16  }
0x10e: {  	s13 =	sadd.s32 $0x400, s13;
	s12 =	simm.s32 $0x0;
	s5 =	sadd.s32 $0x400, s20;
	v59 =	vld [tilespmem:s18+$0x6400];
	v18 =	vmul.f32 v14, v20;
	v15 =	vmax.f32 v15, $9.999999960e-13;
	(erf) = vrcp.f32 v21  }
0x10f: {  	s20 =	sadd.s32 $0x30, s1;
	s4 =	sadd.s32 $0x400, s4;
	s11 =	sshra.s32 s19, $0x2;
	v5 =	vld [tilespmem:s5+$0x6480];
	v13 =	vmax.f32 v13, $9.999999960e-13;
	(erf) = vrcp.f32 v15;
	v16 =	vmul.f32 v16, v11  }
0x110: {  	v4 =	vld [tilespmem:s7+$0x6500];
	s22 =	sand.u32 $0xFFFFFE00, s22;
	s21 =	sshll.u32 s21, $0x2;
	s5 =	sadd.s32 $0x30, s8;
	v18 =	vmax.f32 v18, $9.999999960e-13;
	v19 =	vmul.f32 v58, v23;
	(erf) = vrcp.f32 v13  }
0x111: {  	v60 =	vld [tilespmem:s10+$0x6580];
	s9 =	sadd.s32 $0x400, s9;
	s18 =	sadd.s32 $0x400, s25;
	s1 =	sor.u32 s21, s22;
	v17 =	vmax.f32 v17, $9.999999960e-13;
	(erf) = vrcp.f32 v18;
	v16 =	vmul.f32 v16, v55  }
0x112: {  	s22 =	sand.u32 $0x7F, s6;
	s6 =	sshll.u32 s6, $0x2;
	s25 =	sadd.s32 $0x400, s17;
	v38 =	vld [tilespmem:s13+$0x6680];
	v18 =	vmax.f32 v19, $9.999999960e-13;
	(erf) = vrcp.f32 v17  }
0x113: {  	s21 =	sadd.s32 $0x400, s16;
	s8 =	sand.u32 $0x7F, s5;
	s5 =	sshll.u32 s5, $0x2;
	(erf) = vrcp.f32 v18;
	v18 =	vmax.f32 v16, $9.999999960e-13;
	v16 =	vld [tilespmem:s18+$0x6700];
	[tilespmem:$0x1FF40] =	vst v59  }
0x114: {  	s6 =	sand.u32 $0xFFFFFE00, s6;
	s10 =	sshll.u32 s22, $0x2;
	s22 =	sand.u32 $0x7F, s3;
	v6 =	vld [tilespmem:s15+$0x6400];
	[tilespmem:$0x1FF50] =	vst v5  }
0x115: {  	s3 =	sshll.u32 s3, $0x2;
	s13 =	sand.u32 $0x7F, s0;
	s0 =	sshll.u32 s0, $0x2;
	v10 =	vld [tilespmem:s9+$0x6480];
	[tilespmem:$0x1FF60] =	vst v4  }
0x116: {  	v37 =	vmul.f32 v62, v37;
	s7 =	sor.u32 s10, s6;
	s0 =	sand.u32 $0xFFFFFE00, s0;
	s17 =	sshll.u32 s13, $0x2;
	[tilespmem:$0x1FF70] =	vst v61  }
0x117: {  	v56 =	vmul.f32 v4, v4;
	v23 =	vmul.f32 v62, v32;
	v63 =	vpop (erf);
	s18 =	sand.u32 $0x7F, s20;
	s20 =	sshll.u32 s20, $0x2;
	s15 =	sadd.s32 $0x400, s2;
	v4 =	vld [tilespmem:s25+$0x6580]  }
0x118: {  	s3 =	sand.u32 $0xFFFFFE00, s3;
	v32 =	vmul.f32 v62, v24;
	v54 =	vmul.f32 $8.000000000e+00, v63;
	s2 =	sor.u32 s17, s0;
	s6 =	sand.u32 $0xFFFFFE00, s20;
	v46 =	vld [tilespmem:s15+$0x6600]  }
0x119: {  	v48 =	vmul.f32 v62, v25;
	v49 =	vmul.f32 v59, v59;
	s0 =	sshll.u32 s18, $0x2;
	s9 =	sshra.s32 s29, $0x2;
	s25 =	sadd.s32 $0x400, s14;
	v45 =	vld [tilespmem:s21+$0x6680];
	[tilespmem:s12+$0xE7B0] =	vst v23  }
0x11a: {  	(erf) = vrcp.f32 v18;
	s6 =	sor.u32 s0, s6;
	s0 =	sshll.u32 s22, $0x2;
	v18 =	vpop (erf);
	v27 =	vmul.f32 v54, v26;
	[tilespmem:s12+$0xE780] =	vst v32;
	s13 =	sadd.s32 $0x400, s9;
	v26 =	vld [tilespmem:s25+$0x6700]  }
0x11b: {  	s5 =	sand.u32 $0xFFFFFE00, s5;
	v55 =	vmul.f32 v5, v5;
	s3 =	sor.u32 s0, s3;
	s0 =	sshll.u32 s8, $0x2;
	[tilespmem:s12+$0xE790] =	vst v48;
	v5 =	vpop (erf);
	v23 =	vld [tilespmem:s13+$0x6400];
	v24 =	vmul.f32 v6, v6  }
0x11c: {  	[tilespmem:s12+$0xE7A0] =	vst v37;
	s10 =	sor.u32 s0, s5;
	s0 =	sadd.s32 $0x400, s11;
	v59 =	vmul.f32 $8.000000000e+00, v5;
	v5 =	vld [tilespmem:s4+$0x6500]  }
0x11d: {  	v29 =	vmul.f32 v54, v29;
	v9 =	vadd.f32 v49, v24;
	v24 =	vld [tilespmem:s0+$0x6480];
	[tilespmem:$0x1FF80] =	vst v4  }
0x11e: {  	v28 =	vmul.f32 v54, v30;
	[tilespmem:s12+$0xE400] =	vst v27  }
0x11f: {  	v7 =	vmul.f32 v54, v47;
	v11 =	vmul.f32 $8.000000000e+00, v18;
	[tilespmem:s12+$0xE410] =	vst v29  }
0x120: {  	[tilespmem:s12+$0xE420] =	vst v28  }
0x121: {  	v18 =	vpop (erf);
	v33 =	vmul.f32 v11, v33;
	[tilespmem:s12+$0xE430] =	vst v7  }
0x122: {  	v13 =	vpop (erf);
	v19 =	vmov v10;
	v25 =	vmul.f32 v10, v10;
	v10 =	vmul.f32 v4, v4;
	v4 =	vld [tilespmem:$0x1FF90]  }
0x123: {  	v36 =	vmul.f32 v11, v36;
	v52 =	vpop (erf)  }
0x124: {  	v51 =	vpop (erf);
	v27 =	vmul.f32 v11, v31;
	[tilespmem:s12+$0xE480] =	vst v33  }
0x125: {  	v12 =	vmul.f32 v61, v61;
	v31 =	vmul.f32 v46, v46;
	v30 =	vpop (erf);
	[tilespmem:s12+$0xE490] =	vst v36  }
0x126: {  	v30 =	vmul.f32 $8.000000000e+00, v30;
	[tilespmem:s12+$0xE4A0] =	vst v27  }
0x127: {  	v57 =	vadd.f32 v12, v31;
	v12 =	vmul.f32 v59, v35;
	v35 =	vmul.f32 v59, v4;
	v4 =	vld [tilespmem:$0x1FFA0];
	_ =	sdelay $0x1  }
0x128: {  	v50 =	vmul.f32 v30, v50  }
0x129: {  	s22 =	simm.s32 $0x400;
	v62 =	vmul.f32 $8.000000000e+00, v18;
	v8 =	vmul.f32 v5, v5  }
0x12a: {  	[tilespmem:s22+$0xE7B0] =	vst v50  }
0x12b: {  	v11 =	vmul.f32 v11, v34;
	v54 =	vadd.f32 v56, v8;
	v8 =	vmul.f32 v62, v4;
	v4 =	vld [tilespmem:$0x1FFB0];
	_ =	sdelay $0x1  }
0x12c: {  	v58 =	vmul.f32 v60, v60;
	[tilespmem:s12+$0xE4B0] =	vst v11  }
0x12d: {  	v61 =	vmul.f32 v38, v38;
	v29 =	vmul.f32 v45, v45;
	[tilespmem:s12+$0xE500] =	vst v12  }
0x12e: {  	[tilespmem:s12+$0xE510] =	vst v35  }
0x12f: {  	v56 =	vadd.f32 v58, v10;
	v58 =	vadd.f32 v61, v29;
	v61 =	vmul.f32 v62, v4;
	v4 =	vld [tilespmem:$0x1FFC0]  }
0x130: {  	s17 =	sshra.s32 s26, $0x2  }
0x131: {  	s15 =	sshra.s32 s28, $0x2;
	s9 =	sadd.s32 $0x400, s17;
	v33 =	vmul.f32 v59, v42  }
0x132: {  	s8 =	sadd.s32 $0x400, s15;
	v53 =	vmul.f32 $8.000000000e+00, v13;
	v44 =	vmul.f32 v59, v44;
	v47 =	vld [tilespmem:s9+$0x6580]  }
0x133: {  	s19 =	sshra.s32 s30, $0x2;
	s1 =	sshra.s32 s1, $0x2;
	v48 =	vld [tilespmem:s8+$0x6500];
	[tilespmem:s12+$0xE520] =	vst v33  }
0x134: {  	s18 =	sshra.s32 s31, $0x2;
	s20 =	sadd.s32 $0x400, s19;
	s26 =	sadd.s32 $0x30, s24;
	v35 =	vmul.f32 v53, v4;
	v4 =	vld [tilespmem:$0x1FFD0];
	[tilespmem:s12+$0xE530] =	vst v44  }
0x135: {  	s1 =	sadd.s32 $0x400, s1;
	s29 =	sand.u32 $0x7F, s26;
	v14 =	vmul.f32 v16, v16;
	v40 =	vmul.f32 v62, v40;
	s8 =	sadd.s32 $0x400, s18;
	v34 =	vld [tilespmem:s20+$0x6680];
	[tilespmem:s12+$0xE580] =	vst v8  }
0x136: {  	s14 =	sadd.s32 $0x30, s23;
	s21 =	sshra.s32 s7, $0x2;
	s23 =	sshra.s32 s2, $0x2;
	v32 =	vmul.f32 v62, v43;
	v28 =	vmul.f32 v26, v26;
	v49 =	vld [tilespmem:s8+$0x6600];
	[tilespmem:s12+$0xE590] =	vst v61  }
0x137: {  	v21 =	vmovc v60;
	s16 =	sand.u32 $0x7F, s14;
	s4 =	sshra.s32 s10, $0x2;
	v20 =	vmov v6;
	v6 =	vmul.f32 v53, v39;
	v31 =	vld [tilespmem:s1+$0x6700];
	s1 =	sadd.s32 $0x400, s23;
	v10 =	vmul.f32 v47, v47;
	[tilespmem:s12+$0xE5A0] =	vst v40  }
0x138: {  	s5 =	sshll.u32 s14, $0x2;
	s25 =	sadd.s32 $0x400, s21;
	s30 =	sadd.s32 $0x400, s4;
	v25 =	vadd.f32 v55, v25;
	v13 =	vmul.f32 v23, v23;
	v60 =	vadd.f32 v14, v28;
	v28 =	vld [tilespmem:s1+$0x6480];
	[tilespmem:s12+$0xE5B0] =	vst v32  }
0x139: {  	s3 =	sshra.s32 s3, $0x2;
	s5 =	sand.u32 $0xFFFFFE00, s5;
	s0 =	sshll.u32 s16, $0x2;
	v14 =	vmul.f32 v24, v24;
	v50 =	vld [tilespmem:s30+$0x6600];
	v12 =	vadd.f32 v10, v56;
	[tilespmem:s12+$0xE620] =	vst v6;
	v56 =	vmul.f32 v53, v4  }
0x13a: {  	s2 =	sshll.u32 s26, $0x2;
	s3 =	sadd.s32 $0x400, s3;
	s0 =	sor.u32 s0, s5;
	v29 =	vld [tilespmem:s25+$0x6400];
	[tilespmem:s12+$0xE600] =	vst v35  }
0x13b: {  	s2 =	sand.u32 $0xFFFFFE00, s2;
	s0 =	sshra.s32 s0, $0x2;
	v37 =	vadd.f32 v13, v9;
	s1 =	sshll.u32 s29, $0x2;
	v9 =	vmul.f32 v48, v48;
	v63 =	vadd.f32 v14, v25;
	v25 =	vld [tilespmem:s3+$0x6580];
	[tilespmem:s12+$0xE610] =	vst v56  }
0x13c: {  	s28 =	sshra.s32 s6, $0x2;
	s0 =	sadd.s32 $0x400, s0;
	s1 =	sor.u32 s1, s2;
	v11 =	vmul.f32 v49, v49;
	v4 =	vld [tilespmem:$0x1FFE0]  }
0x13d: {  	s5 =	sadd.s32 $0x400, s28;
	v36 =	vld [tilespmem:s0+$0x6680];
	v13 =	vmul.f32 v34, v34;
	s1 =	sshra.s32 s1, $0x2;
	v42 =	vadd.f32 v9, v54;
	v14 =	vmul.f32 v31, v31  }
0x13e: {  	v27 =	vld [tilespmem:s5+$0x6500];
	s1 =	sadd.s32 $0x400, s1;
	v7 =	vmul.f32 v28, v28;
	v54 =	vadd.f32 v11, v57;
	v11 =	vmul.f32 v50, v50  }
0x13f: {  	v58 =	vadd.f32 v13, v58;
	v33 =	vld [tilespmem:s1+$0x6700];
	v35 =	vmul.f32 $8.000000000e+00, v52;
	v53 =	vmul.f32 v53, v41  }
0x140: {  	v55 =	vadd.f32 v14, v60;
	v10 =	vadd.f32 v7, v63;
	v62 =	vmul.f32 v29, v29  }
0x141: {  	v9 =	vmul.f32 v25, v25;
	v54 =	vadd.f32 v11, v54;
	[tilespmem:s12+$0xE630] =	vst v53;
	v52 =	vmul.f32 v35, v4  }
0x142: {  	v14 =	vmul.f32 v36, v36;
	v13 =	vperm.xlane v10, v0;
	v37 =	vadd.f32 v62, v37;
	v4 =	vld [tilespmem:$0x1FFF0]  }
0x143: {  	v43 =	vadd.f32 v9, v12;
	v63 =	vperm.xlane v54, v0;
	v8 =	vmul.f32 v27, v27;
	[tilespmem:s12+$0xE680] =	vst v52  }
0x144: {  	v12 =	vperm.xlane v37, v0;
	v59 =	vmul.f32 v33, v33;
	s31 =	sld [smem:$0x7F6]  }
0x145: {  	v40 =	vadd.f32 v14, v58;
	v61 =	vperm.xlane v43, v0;
	v42 =	vadd.f32 v8, v42  }
0x146: {  	v32 =	vmul.f32 $8.000000000e+00, v51;
	v51 =	vadd.f32 v54, v63;
	v44 =	vadd.f32 v59, v55  }
0x147: {  	v39 =	vadd.f32 v37, v12;
	v60 =	vperm.xlane v42, v0;
	v62 =	vmul.f32 v35, v4;
	s0 =	sshll.u32 s31, $0x1  }
0x148: {  	v22 =	vmovc v5;
	v43 =	vadd.f32 v43, v61;
	v37 =	vperm.xlane v40, v0;
	v54 =	vperm.xlane v44, v0;
	[smem:$0x7F7] =	sst s0  }
0x149: {  	s2 =	simm.s32 $0x16514;
	s1 =	simm.s32 $0x1000;
	v41 =	vadd.f32 v10, v13;
	v42 =	vadd.f32 v42, v60;
	v53 =	vperm.xlane v39, v1;
	s0 =	simm.s32 $0x8;
	[tilespmem:s12+$0xE690] =	vst v62  }
.LBB2_3:
0x14a: {  	v52 =	vld [tilespmem:s2+$0x3];
	_ =	sdelay $0x4  }
0x14b: {  	(v2sf) =	vpush v52, $0x0  }
0x14c: {  	v53 =	vadd.f32 v39, v53;
	_ =	sdelay $0x1  }
0x14d: {  	v60 =	vperm.xlane v53, v2;
	_ =	sdelay $0x1  }
0x14e: {  	v14 =	vadd.f32 v53, v60;
	v60 =	vld [tilespmem:s2+$0xFFFFFFFC];
	_ =	sdelay $0x1  }
0x14f: {  	v57 =	vadd.f32 v40, v37;
	v37 =	vmov v38;
	v38 =	vld [tilespmem:s2+$0xFFFFFFFD];
	_ =	sdelay $0x1  }
0x150: {  	v40 =	vmov v46;
	v46 =	vld [tilespmem:s2+$0xFFFFFFFE]  }
0x151: {  	(v2sf) =	vpush v60, $0x0  }
0x152: {  	v39 =	vmov v45;
	v45 =	vld [tilespmem:s2+$0xFFFFFFFF]  }
0x153: {  	[dreg:$0x9] =	wrdreg s12;
	(v2sf) =	vpush v38, $0x0  }
0x154: {  	[dreg:$0x7] =	wrdreg s2;
	v55 =	vperm.xlane v41, v1;
	s0 =	sadd.s32 $0x8, s0  }
0x155: {  	s1 =	sadd.s32 $0x1000, s1;
	v56 =	vperm.xlane v42, v1;
	v58 =	vperm.xlane v43, v1;
	[dreg:$0x3] =	wrdreg s0;
	(v2sf) =	vpush v46, $0x0  }
0x156: {  	v59 =	vperm.xlane v51, v1;
	v54 =	vadd.f32 v44, v54;
	p1 =	slt.u32 s0, $0x78;
	[dreg:$0x5] =	wrdreg s1;
	v55 =	vadd.f32 v41, v55;
	s8 =	spop (v2sf)  }
0x157: {  	v44 =	vmovc v48;
	v48 =	vld [tilespmem:s2+$0x0];
	s30 =	sshra.s32 s1, $0x2;
	v5 =	vperm.xlane v57, v1;
	v58 =	vadd.f32 v43, v58;
	(v2sf) =	vpush v45, $0x0;
	s9 =	sand.u32 $0x7F, s8;
	s10 =	sadd.s32 $0x20, s8  }
0x158: {  	v56 =	vadd.f32 v42, v56;
	v4 =	vperm.xlane v54, v1;
	v51 =	vadd.f32 v51, v59;
	s3 =	sadd.s32 $0x30, s8;
	s4 =	sshll.u32 s8, $0x2;
	s0 =	sadd.s32 $0x10, s8  }
0x159: {  	v59 =	vld [tilespmem:s2+$0x1];
	v13 =	vperm.xlane v55, v2;
	v57 =	vadd.f32 v57, v5;
	v7 =	vperm.xlane v58, v2;
	s5 =	sand.u32 $0x7F, s3;
	s4 =	sand.u32 $0xFFFFFE00, s4;
	s6 =	sand.u32 $0x7F, s10  }
0x15a: {  	v42 =	vmovc v49;
	v49 =	vld [tilespmem:s2+$0x2];
	v52 =	vadd.f32 v54, v4;
	v6 =	vperm.xlane v56, v2;
	v8 =	vperm.xlane v51, v2;
	s2 =	sshll.u32 s10, $0x2;
	s1 =	sshll.u32 s9, $0x2;
	s7 =	sand.u32 $0x7F, s0  }
0x15b: {  	v43 =	vmovc v47;
	v47 =	vadd.f32 v55, v13;
	v61 =	vperm.xlane v57, v2;
	v54 =	vadd.f32 v58, v7;
	s0 =	sshll.u32 s0, $0x2;
	s14 =	sshll.u32 s3, $0x2;
	s1 =	sor.u32 s1, s4  }
0x15c: {  	v10 =	vperm.xlane v14, v3;
	v51 =	vadd.f32 v51, v8;
	(v2sf) =	vpush v48, $0x0;
	s0 =	sand.u32 $0xFFFFFE00, s0;
	s11 =	sshll.u32 s7, $0x2;
	s2 =	sand.u32 $0xFFFFFE00, s2  }
0x15d: {  	v53 =	vadd.f32 v56, v6;
	v12 =	vperm.xlane v47, v3;
	v11 =	vadd.f32 v57, v61;
	s12 =	sshll.u32 s6, $0x2;
	s16 =	sand.u32 $0xFFFFFE00, s14;
	s17 =	sshll.u32 s5, $0x2  }
0x15e: {  	v41 =	vmovc v50;
	v50 =	vadd.f32 v14, v10;
	v14 =	vperm.xlane v54, v3;
	v6 =	vperm.xlane v51, v3;
	s1 =	sshra.s32 s1, $0x2;
	s0 =	sor.u32 s11, s0;
	s13 =	sor.u32 s12, s2  }
0x15f: {  	v47 =	vadd.f32 v47, v12;
	v7 =	vperm.xlane v11, v3;
	(v2sf) =	vpush v59, $0x0;
	s1 =	sadd.s32 s30, s1;
	s0 =	sshra.s32 s0, $0x2;
	s15 =	sshra.s32 s13, $0x2  }
0x160: {  	v56 =	vadd.f32 v54, v14;
	s18 =	spop (v2sf);
	v45 =	vld [tilespmem:s1+$0x6780];
	s0 =	sadd.s32 s30, s0;
	s1 =	sor.u32 s17, s16  }
0x161: {  	v8 =	vadd.f32 v51, v6;
	v54 =	vmax.f32 v47, $1.000000000e-30;
	v55 =	vadd.f32 v11, v7;
	s29 =	sadd.s32 $0x10, s18;
	s2 =	sand.u32 $0x7F, s18;
	v38 =	vld [tilespmem:s0+$0x6780];
	s0 =	sadd.s32 s30, s15  }
0x162: {  	v51 =	vmax.f32 v56, $1.000000000e-30;
	v11 =	vshrl.u32 v54, $0x1;
	v56 =	vmul.f32 $5.000000000e-01, v54;
	s1 =	sshra.s32 s1, $0x2;
	s15 =	spop (v2sf);
	s7 =	sand.u32 $0x7F, s29  }
0x163: {  	v6 =	vsub.s32 $0x5F3759DF, v11;
	[smem:$0x7DD] =	sst s2;
	s31 =	sadd.s32 $0x10, s15;
	s6 =	sadd.s32 s30, s1  }
0x164: {  	(v2sf) =	vpush v49, $0x0;
	v49 =	vmul.f32 v6, v56;
	s17 =	spop (v2sf);
	[smem:$0x7DA] =	sst s7;
	s7 =	sshll.u32 s29, $0x2  }
0x165: {  	s1 =	smov.u32 s18;
	s16 =	sand.u32 $0x7F, s15;
	s11 =	sshll.u32 s15, $0x2  }
0x166: {  	v49 =	vmul.f32 v6, v49;
	s9 =	sadd.s32 $0x10, s17;
	s8 =	spop (v2sf);
	[dreg:$0x13] =	wrdreg s1  }
0x167: {  	s28 =	sand.u32 $0x7F, s31;
	s31 =	sshll.u32 s31, $0x2;
	[dreg:$0x15] =	wrdreg s17  }
0x168: {  	v15 =	vsub.f32 $1.500000000e+00, v49;
	v49 =	vld [tilespmem:s6+$0x6780];
	s6 =	sshll.u32 s1, $0x2;
	s7 =	sand.u32 $0xFFFFFE00, s7;
	[smem:$0x7DB] =	sst s28  }
0x169: {  	s18 =	sand.u32 $0x7F, s17;
	s16 =	sshll.u32 s16, $0x2;
	[smem:$0x7E0] =	sst s7  }
0x16a: {  	s10 =	sadd.s32 $0x10, s8;
	s3 =	sand.u32 $0x7F, s9;
	s7 =	sld [smem:$0x7DA]  }
0x16b: {  	s19 =	spop (v2sf);
	s2 =	smov.u32 s8;
	[smem:$0x7DC] =	sst s3  }
0x16c: {  	s9 =	sshll.u32 s9, $0x2;
	s31 =	sand.u32 $0xFFFFFE00, s31;
	[dreg:$0x17] =	wrdreg s2  }
0x16d: {  	v9 =	vperm.xlane v52, v2;
	s18 =	sshll.u32 s18, $0x2;
	s29 =	sadd.s32 $0x10, s19;
	[dreg:$0xb] =	wrdreg s19  }
0x16e: {  	v13 =	vperm.xlane v53, v3;
	s25 =	spop (v2sf);
	s21 =	sand.u32 $0x7F, s10;
	[smem:$0x7E2] =	sst s31  }
0x16f: {  	v52 =	vadd.f32 v52, v9;
	s23 =	sshll.u32 s10, $0x2;
	s3 =	smov.u32 s15;
	s31 =	sld [smem:$0x7DB]  }
0x170: {  	v53 =	vadd.f32 v53, v13;
	s10 =	sshll.u32 s17, $0x2;
	s5 =	sand.u32 $0x7F, s19;
	[dreg:$0x11] =	wrdreg s3  }
0x171: {  	v62 =	vperm.xlane v52, v3;
	v50 =	vmax.f32 v50, $1.000000000e-30;
	s15 =	sand.u32 $0x7F, s8;
	s9 =	sand.u32 $0xFFFFFE00, s9;
	[smem:$0x7DE] =	sst s5  }
0x172: {  	v10 =	vshrl.u32 v50, $0x1;
	v53 =	vmax.f32 v53, $1.000000000e-30;
	s8 =	sshll.u32 s8, $0x2;
	[smem:$0x7E4] =	sst s9;
	s9 =	sand.u32 $0xFFFFFE00, s23  }
0x173: {  	v9 =	vadd.f32 v52, v62;
	v52 =	vmax.f32 v8, $1.000000000e-30;
	v5 =	vsub.s32 $0x5F3759DF, v10;
	s13 =	sadd.s32 $0x10, s25;
	s23 =	sshll.u32 s21, $0x2;
	[smem:$0x7E6] =	sst s9  }
0x174: {  	v12 =	vshrl.u32 v53, $0x1;
	v57 =	vmul.f32 $5.000000000e-01, v53;
	v13 =	vshrl.u32 v51, $0x1;
	s24 =	sshll.u32 s29, $0x2;
	s12 =	sand.u32 $0x7F, s13;
	[smem:$0x7E7] =	sst s23  }
0x175: {  	v58 =	vmul.f32 $5.000000000e-01, v51;
	v14 =	vshrl.u32 v52, $0x1;
	v47 =	vmax.f32 v55, $1.000000000e-30;
	s26 =	sshll.u32 s13, $0x2;
	s13 =	smov.u32 s25;
	s9 =	sld [smem:$0x7DD]  }
0x176: {  	v46 =	vmax.f32 v9, $1.000000000e-30;
	v55 =	vmul.f32 $5.000000000e-01, v50;
	v59 =	vmul.f32 $5.000000000e-01, v52;
	s4 =	sshll.u32 s19, $0x2;
	s24 =	sand.u32 $0xFFFFFE00, s24;
	[dreg:$0xd] =	wrdreg s13  }
0x177: {  	v7 =	vsub.s32 $0x5F3759DF, v12;
	v8 =	vsub.s32 $0x5F3759DF, v13;
	v62 =	vsub.s32 $0x5F3759DF, v14;
	s20 =	sand.u32 $0x7F, s29;
	s25 =	sand.u32 $0x7F, s25;
	[smem:$0x7E8] =	sst s24  }
0x178: {  	v63 =	vshrl.u32 v47, $0x1;
	v60 =	vmul.f32 $5.000000000e-01, v47;
	v48 =	vmul.f32 v5, v55;
	s24 =	sand.u32 $0xFFFFFE00, s26;
	s26 =	sshll.u32 s12, $0x2;
	s12 =	sand.u32 $0xFFFFFE00, s11  }
0x179: {  	v4 =	vshrl.u32 v46, $0x1;
	v61 =	vmul.f32 $5.000000000e-01, v46;
	v9 =	vmul.f32 v7, v57;
	s11 =	sand.u32 $0xFFFFFE00, s4;
	s4 =	sadd.s32 $0x20, s1;
	s1 =	sadd.s32 $0x20, s17  }
0x17a: {  	v10 =	vmul.f32 v8, v58;
	v63 =	vsub.s32 $0x5F3759DF, v63;
	v13 =	vmul.f32 v5, v48;
	v48 =	vld [tilespmem:s0+$0x6780];
	s17 =	sld [smem:$0x7E0];
	s0 =	spop (v2sf);
	s26 =	sor.u32 s26, s24  }
0x17b: {  	v4 =	vsub.s32 $0x5F3759DF, v4;
	v11 =	vmul.f32 v62, v59;
	v12 =	vmul.f32 v63, v60;
	s14 =	sadd.s32 $0x10, s0;
	s5 =	sand.u32 $0x7F, s0;
	[smem:$0x7EC] =	sst s26  }
0x17c: {  	v14 =	vmul.f32 v4, v61;
	v9 =	vmul.f32 v7, v9;
	v13 =	vsub.f32 $1.500000000e+00, v13;
	s26 =	sor.u32 s16, s12;
	[smem:$0x7DF] =	sst s5;
	s5 =	sshll.u32 s7, $0x2  }
0x17d: {  	v10 =	vmul.f32 v8, v10;
	v11 =	vmul.f32 v62, v11;
	s12 =	sand.u32 $0x7F, s4;
	s7 =	sshll.u32 s0, $0x2;
	[smem:$0x7E1] =	sst s5  }
0x17e: {  	v12 =	vmul.f32 v63, v12;
	v9 =	vsub.f32 $1.500000000e+00, v9;
	v5 =	vmul.f32 v5, v13;
	s5 =	smov.u32 s0;
	s0 =	sshll.u32 s31, $0x2;
	s31 =	sld [smem:$0x7DC]  }
0x17f: {  	v10 =	vsub.f32 $1.500000000e+00, v10;
	v13 =	vmul.f32 v45, v45;
	v17 =	vmul.f32 v38, v38;
	s23 =	sshll.u32 s20, $0x2;
	s28 =	sand.u32 $0x7F, s14;
	[smem:$0x7ED] =	sst s12  }
0x180: {  	v14 =	vmul.f32 v4, v14;
	v11 =	vsub.f32 $1.500000000e+00, v11;
	v12 =	vsub.f32 $1.500000000e+00, v12;
	s29 =	sshll.u32 s14, $0x2;
	s14 =	sshll.u32 s13, $0x2;
	[dreg:$0xf] =	wrdreg s5  }
0x181: {  	v6 =	vmul.f32 v6, v15;
	v15 =	vmul.f32 v48, v48;
	v13 =	vadd.f32 v17, v13;
	[smem:$0x7E3] =	sst s0;
	s0 =	sshll.u32 s31, $0x2;
	s31 =	sand.u32 $0xFFFFFE00, s29  }
0x182: {  	v14 =	vsub.f32 $1.500000000e+00, v14;
	v7 =	vmul.f32 v7, v9;
	v8 =	vmul.f32 v8, v10;
	s29 =	sand.u32 $0xFFFFFE00, s8;
	s8 =	sand.u32 $0xFFFFFE00, s14;
	s14 =	sld [smem:$0x7DF]  }
0x183: {  	v9 =	vmul.f32 v62, v11;
	s20 =	sand.u32 $0xFFFFFE00, s6;
	v62 =	vmul.f32 v49, v49;
	v10 =	vadd.f32 v15, v13;
	[smem:$0x7E5] =	sst s0;
	s0 =	sadd.s32 $0x20, s3  }
0x184: {  	v12 =	vmul.f32 v63, v12;
	s3 =	sadd.s32 $0x20, s2;
	s2 =	sadd.s32 $0x20, s19;
	s19 =	sld [smem:$0x7E1]  }
0x185: {  	v4 =	vmul.f32 v4, v14;
	v14 =	vmul.f32 v7, v57;
	s25 =	sshll.u32 s25, $0x2;
	v10 =	vadd.f32 v62, v10;
	s21 =	sshll.u32 s28, $0x2;
	[smem:$0x7E9] =	sst s31  }
0x186: {  	v63 =	vmul.f32 v12, v60;
	v11 =	vmul.f32 v6, v56;
	s31 =	sand.u32 $0xFFFFFE00, s10;
	s10 =	sld [smem:$0x7DE];
	s6 =	sshll.u32 s14, $0x2  }
0x187: {  	v18 =	vmul.f32 v4, v61;
	v62 =	vperm.xlane v10, v0;
	s14 =	sadd.s32 $0x20, s13;
	s13 =	sor.u32 s19, s17;
	s17 =	sld [smem:$0x7E2]  }
0x188: {  	v11 =	vmul.f32 v11, v6;
	v13 =	vmul.f32 v5, v55;
	s28 =	sshll.u32 s9, $0x2;
	s9 =	sshll.u32 s15, $0x2;
	s19 =	sld [smem:$0x7E3]  }
0x189: {  	v14 =	vmul.f32 v14, v7;
	v63 =	vmul.f32 v63, v12;
	v10 =	vadd.f32 v10, v62;
	s29 =	sor.u32 s9, s29;
	s24 =	sor.u32 s18, s31;
	s18 =	sor.u32 s25, s8  }
0x18a: {  	v11 =	vsub.f32 $1.500000000e+00, v11;
	v17 =	vmul.f32 v9, v59;
	v13 =	vmul.f32 v13, v5;
	s15 =	sshll.u32 s10, $0x2;
	s10 =	sadd.s32 $0x20, s5;
	s5 =	sld [smem:$0x7E4]  }
0x18b: {  	v18 =	vmul.f32 v18, v4;
	v63 =	vsub.f32 $1.500000000e+00, v63;
	v62 =	vperm.xlane v10, v1;
	s9 =	sor.u32 s15, s11;
	s19 =	sor.u32 s19, s17;
	s17 =	sld [smem:$0x7E5]  }
0x18c: {  	v6 =	vmul.f32 v11, v6;
	v17 =	vmul.f32 v17, v9;
	v13 =	vsub.f32 $1.500000000e+00, v13;
	s31 =	sand.u32 $0x7F, s3;
	s8 =	rddreg [dreg:$0x9];
	s9 =	sshra.s32 s9, $0x2  }
0x18d: {  	v11 =	vmul.f32 v63, v12;
	v15 =	vmul.f32 v8, v58;
	s12 =	sshll.u32 s3, $0x2;
	s3 =	sand.u32 $0x7F, s14;
	v10 =	vadd.f32 v10, v62;
	[smem:$0x7F2] =	sst s9  }
0x18e: {  	v63 =	vmul.f32 v6, v56;
	v5 =	vmul.f32 v13, v5;
	v62 =	vsub.f32 $1.500000000e+00, v17;
	s11 =	sshll.u32 s4, $0x2;
	s5 =	sor.u32 s17, s5;
	s17 =	sld [smem:$0x7E7]  }
0x18f: {  	v15 =	vmul.f32 v15, v8;
	v17 =	vsub.f32 $1.500000000e+00, v18;
	s15 =	sand.u32 $0x7F, s0;
	s4 =	sshll.u32 s0, $0x2;
	v18 =	vperm.xlane v10, v2;
	[smem:$0x7EA] =	sst s5  }
0x190: {  	s0 =	sshll.u32 s14, $0x2;
	v9 =	vmul.f32 v62, v9;
	v62 =	vmul.f32 v5, v55;
	s14 =	sshra.s32 s19, $0x2;
	s5 =	sld [smem:$0x7E6]  }
0x191: {  	v14 =	vsub.f32 $1.500000000e+00, v14;
	v60 =	vmul.f32 v11, v60;
	v13 =	vmul.f32 v63, v6;
	[smem:$0x7EE] =	sst s14  }
0x192: {  	v15 =	vsub.f32 $1.500000000e+00, v15;
	v10 =	vadd.f32 v10, v18;
	v12 =	vmul.f32 v62, v5;
	s19 =	sld [smem:$0x7EA]  }
0x193: {  	v7 =	vmul.f32 v14, v7;
	v14 =	vmul.f32 v60, v11;
	v13 =	vsub.f32 $1.500000000e+00, v13;
	s5 =	sor.u32 s17, s5;
	s17 =	sld [smem:$0x7E8]  }
0x194: {  	s7 =	sand.u32 $0xFFFFFE00, s7;
	v8 =	vmul.f32 v15, v8;
	v56 =	vperm.xlane v10, v3;
	v12 =	vsub.f32 $1.500000000e+00, v12;
	[smem:$0x7EB] =	sst s5  }
0x195: {  	v15 =	vmul.f32 v7, v57;
	v6 =	vmul.f32 v13, v6;
	s5 =	sor.u32 s6, s7;
	s6 =	sand.u32 $0x7F, s1;
	s1 =	sshll.u32 s1, $0x2  }
0x196: {  	v4 =	vmul.f32 v17, v4;
	v10 =	vadd.f32 v10, v56;
	v5 =	vmul.f32 v12, v5;
	s14 =	sshra.s32 s19, $0x2;
	s19 =	sld [smem:$0x7EC];
	s5 =	sshra.s32 s5, $0x2  }
0x197: {  	v17 =	vmul.f32 v8, v58;
	v6 =	vmul.f32 v6, v54;
	s17 =	sor.u32 s23, s17;
	s23 =	sor.u32 s28, s20;
	s28 =	sld [smem:$0x7E9]  }
0x198: {  	v63 =	vld [tilespmem:$0x1FED0];
	v62 =	vmul.f32 v15, v7;
	v55 =	vmax.f32 v10, $1.000000000e-30;
	v5 =	vmul.f32 v5, v50;
	s1 =	sand.u32 $0xFFFFFE00, s1;
	[dreg:$0x1a] =	wrdreg s5  }
0x199: {  	v15 =	vmul.f32 v17, v8;
	v17 =	vshrl.u32 v55, $0x1;
	v57 =	vmul.f32 $5.000000000e-01, v55;
	s6 =	sshll.u32 s6, $0x2;
	[dreg:$0x1f] =	wrdreg s1  }
0x19a: {  	v18 =	vmul.f32 v9, v59;
	s7 =	sshra.s32 s13, $0x2;
	s13 =	sshll.u32 s10, $0x2;
	v17 =	vsub.s32 $0x5F3759DF, v17;
	v5 =	vmax.f32 v5, $9.999999960e-13;
	[smem:$0x7F3] =	sst s6  }
0x19b: {  	s5 =	sshll.u32 s15, $0x2;
	s15 =	sand.u32 $0xFFFFFE00, s13;
	s13 =	rddreg [dreg:$0x15];
	v58 =	vmul.f32 v17, v57;
	(erf) = vrcp.f32 v5;
	v5 =	vld [tilespmem:$0x1FEF0]  }
0x19c: {  	v60 =	vmovc v34;
	v14 =	vsub.f32 $1.500000000e+00, v14;
	v61 =	vmul.f32 v4, v61;
	v18 =	vmul.f32 v18, v9;
	s1 =	rddreg [dreg:$0x17];
	s25 =	sshra.s32 s23, $0x2  }
0x19d: {  	[tilespmem:$0x1FED0] =	vst v60;
	v59 =	vmul.f32 v35, v63;
	v15 =	vsub.f32 $1.500000000e+00, v15;
	s23 =	sshra.s32 s24, $0x2;
	s24 =	sshra.s32 s29, $0x2;
	s29 =	sld [smem:$0x7ED];
	v60 =	vmul.f32 v17, v58  }
0x19e: {  	v63 =	vmul.f32 v14, v11;
	v56 =	vmul.f32 v61, v4;
	v18 =	vsub.f32 $1.500000000e+00, v18;
	[dreg:$0x1e] =	wrdreg s5  }
0x19f: {  	s16 =	sand.u32 $0x7F, s10;
	v8 =	vmul.f32 v15, v8;
	v10 =	vsub.f32 $1.500000000e+00, v62;
	[smem:$0x7EF] =	sst s25;
	v62 =	vsub.f32 $1.500000000e+00, v60  }
0x1a0: {  	v61 =	vsub.f32 $1.500000000e+00, v56;
	v9 =	vmul.f32 v18, v9;
	s19 =	sshra.s32 s19, $0x2;
	s5 =	sshll.u32 s31, $0x2;
	[smem:$0x7F0] =	sst s23;
	v5 =	vmul.f32 v35, v5  }
0x1a1: {  	v7 =	vmul.f32 v10, v7;
	s13 =	sadd.s32 $0x30, s13;
	s25 =	sshra.s32 s26, $0x2;
	[smem:$0x7F1] =	sst s24;
	v34 =	vmul.f32 v17, v62  }
0x1a2: {  	v8 =	vmul.f32 v8, v51;
	v4 =	vmul.f32 v61, v4;
	s26 =	sshra.s32 s18, $0x2;
	s18 =	sand.u32 $0xFFFFFE00, s11;
	s11 =	rddreg [dreg:$0x13];
	[tilespmem:s8+$0xE6B0] =	vst v5;
	v5 =	vld [tilespmem:$0x1FEC0]  }
0x1a3: {  	v6 =	vmax.f32 v6, $9.999999960e-13;
	s6 =	sadd.s32 $0x30, s1;
	v7 =	vmul.f32 v7, v53;
	s23 =	sand.u32 $0xFFFFFE00, s12;
	s12 =	rddreg [dreg:$0x11];
	v50 =	vmul.f32 v34, v57  }
0x1a4: {  	v14 =	vld [tilespmem:$0x1FF00];
	v9 =	vmul.f32 v9, v52;
	v10 =	vmul.f32 v63, v47;
	v8 =	vmax.f32 v8, $9.999999960e-13;
	s20 =	sor.u32 s21, s28;
	s28 =	sand.u32 $0x7F, s2;
	s21 =	sld [smem:$0x7EB]  }
0x1a5: {  	v54 =	vmovc v36;
	v47 =	vld [tilespmem:$0x1FF20];
	(erf) = vrcp.f32 v6;
	s2 =	sshll.u32 s2, $0x2;
	[dreg:$0x19] =	wrdreg s26;
	s26 =	sand.u32 $0xFFFFFE00, s4;
	v7 =	vmax.f32 v7, $9.999999960e-13;
	v12 =	vmul.f32 v50, v34  }
0x1a6: {  	[tilespmem:$0x1FEF0] =	vst v54;
	v54 =	vld [tilespmem:$0x1FF30];
	v4 =	vmul.f32 v4, v46;
	v9 =	vmax.f32 v9, $9.999999960e-13;
	s31 =	sadd.s32 $0x30, s11;
	s4 =	rddreg [dreg:$0xf];
	s11 =	sadd.s32 s30, s7;
	(erf) = vrcp.f32 v7  }
0x1a7: {  	s7 =	sadd.s32 s30, s14;
	s23 =	sor.u32 s5, s23;
	s24 =	sshll.u32 s29, $0x2;
	v36 =	vld [tilespmem:s11+$0x6400];
	(erf) = vrcp.f32 v8;
	v12 =	vsub.f32 $1.500000000e+00, v12;
	v5 =	vmul.f32 v32, v5  }
0x1a8: {  	v10 =	vmax.f32 v10, $9.999999960e-13;
	s9 =	sand.u32 $0xFFFFFE00, s2;
	s10 =	sshra.s32 s21, $0x2;
	s21 =	sshra.s32 s17, $0x2;
	(erf) = vrcp.f32 v9;
	v62 =	vld [tilespmem:$0x1FF10]  }
0x1a9: {  	v4 =	vmax.f32 v4, $9.999999960e-13;
	s17 =	sshll.u32 s16, $0x2;
	s16 =	sadd.s32 $0x30, s12;
	s12 =	sld [smem:$0x7EE];
	(erf) = vrcp.f32 v10;
	v11 =	vmul.f32 v12, v34;
	[tilespmem:s8+$0xE700] =	vst v5;
	v5 =	vld [tilespmem:$0x1FEB0]  }
0x1aa: {  	s29 =	sshll.u32 s28, $0x2;
	s2 =	rddreg [dreg:$0xb];
	s10 =	sadd.s32 s30, s10;
	(erf) = vrcp.f32 v4;
	v4 =	vld [tilespmem:$0x1FEE0]  }
0x1ab: {  	[tilespmem:s8+$0xE6A0] =	vst v59;
	v46 =	vmov v33;
	s28 =	sand.u32 $0xFFFFFE00, s0;
	s11 =	sld [smem:$0x7F0];
	v7 =	vmul.f32 v32, v14;
	s14 =	sadd.s32 s30, s21;
	v51 =	vld [tilespmem:s10+$0x6580];
	v58 =	vmul.f32 v11, v57  }
0x1ac: {  	[tilespmem:$0x1FF00] =	vst v46;
	s0 =	sadd.s32 $0x30, s4;
	[smem:$0x7F4] =	sst s9;
	v52 =	vld [tilespmem:s14+$0x6600];
	s4 =	sadd.s32 s30, s12  }
0x1ad: {  	v56 =	vmov v26;
	s20 =	sshra.s32 s20, $0x2;
	s21 =	sadd.s32 s30, s19;
	s19 =	sld [smem:$0x7EF];
	[tilespmem:s8+$0xE730] =	vst v7;
	v34 =	vld [tilespmem:s4+$0x6480];
	v6 =	vmul.f32 v58, v11  }
0x1ae: {  	s23 =	sshra.s32 s23, $0x2;
	s9 =	sshll.u32 s3, $0x2;
	s3 =	rddreg [dreg:$0xd];
	v60 =	vmovc v16;
	v9 =	vmul.f32 v30, v54;
	[tilespmem:$0x1FEC0] =	vst v56;
	v59 =	vmul.f32 v32, v5;
	v5 =	vmov v31  }
0x1af: {  	s2 =	sadd.s32 $0x30, s2;
	s11 =	sadd.s32 s30, s11;
	v7 =	vmul.f32 v36, v36;
	v15 =	vmul.f32 v32, v4;
	v4 =	vmovc v48;
	[tilespmem:$0x1FEB0] =	vst v60;
	s4 =	sld [smem:$0x7F2];
	v31 =	vld [tilespmem:s7+$0x6500];
	v61 =	vsub.f32 $1.500000000e+00, v6  }
0x1b0: {  	s20 =	sadd.s32 s30, s20;
	s18 =	sor.u32 s24, s18;
	v17 =	vld [tilespmem:s11+$0x6500];
	s19 =	sadd.s32 s30, s19;
	v50 =	vmul.f32 v30, v47;
	v63 =	vmul.f32 v30, v62;
	[tilespmem:$0x1FF30] =	vst v4  }
0x1b1: {  	s24 =	rddreg [dreg:$0x1e];
	s23 =	sadd.s32 s30, s23;
	s1 =	sadd.s32 $0x30, s3;
	v18 =	vmul.f32 v52, v52;
	v60 =	vld [tilespmem:s19+$0x6400];
	[tilespmem:$0x1FEE0] =	vst v5;
	v4 =	vmul.f32 v61, v11;
	v5 =	vpop (erf)  }
0x1b2: {  	s9 =	sor.u32 s9, s28;
	s18 =	sshra.s32 s18, $0x2;
	v56 =	vmov v38;
	v38 =	vld [tilespmem:s21+$0x6680];
	[tilespmem:s22+$0xE780] =	vst v63;
	v63 =	vmul.f32 v51, v51;
	s3 =	sadd.s32 s30, s4;
	v58 =	vmul.f32 v34, v34;
	v57 =	vpop (erf)  }
0x1b3: {  	s15 =	sor.u32 s17, s15;
	s17 =	sand.u32 $0x7F, s31;
	s31 =	sshll.u32 s31, $0x2;
	v46 =	vld [tilespmem:s3+$0x6600];
	[tilespmem:s8+$0xE710] =	vst v59;
	v5 =	vmul.f32 $8.000000000e+00, v5;
	v30 =	vmul.f32 v4, v55;
	v59 =	vpop (erf)  }
0x1b4: {  	s5 =	sand.u32 $0x7F, s16;
	s12 =	sadd.s32 s30, s25;
	s7 =	rddreg [dreg:$0x19];
	v61 =	vmul.f32 v31, v31;
	v62 =	vpop (erf);
	v8 =	vmul.f32 $8.000000000e+00, v59;
	v59 =	vld [tilespmem:$0x1FF40]  }
0x1b5: {  	v35 =	vmov v45;
	s16 =	sshll.u32 s16, $0x2;
	s25 =	sld [smem:$0x7F1];
	v13 =	vld [tilespmem:s12+$0x6480];
	[tilespmem:s8+$0xE720] =	vst v15;
	s4 =	sadd.s32 s30, s7;
	v6 =	vmul.f32 $8.000000000e+00, v57;
	v57 =	vmul.f32 v17, v17;
	v15 =	vpop (erf)  }
0x1b6: {  	[tilespmem:$0x1FF10] =	vst v35;
	s18 =	sadd.s32 s30, s18;
	s10 =	rddreg [dreg:$0x1a];
	s11 =	sand.u32 $0x7F, s1;
	v45 =	vld [tilespmem:s4+$0x6680];
	v53 =	vmul.f32 $8.000000000e+00, v15;
	v15 =	vmul.f32 v60, v60  }
0x1b7: {  	s1 =	sshll.u32 s1, $0x2;
	s28 =	sshra.s32 s15, $0x2;
	s16 =	sand.u32 $0xFFFFFE00, s16;
	[tilespmem:$0x1FF20] =	vst v56;
	v16 =	vld [tilespmem:s20+$0x6700];
	v26 =	vmax.f32 v30, $9.999999960e-13;
	v30 =	vmul.f32 v38, v38;
	v33 =	vmul.f32 $8.000000000e+00, v62  }
0x1b8: {  	v54 =	vld [tilespmem:$0x1FF60];
	s5 =	sshll.u32 s5, $0x2;
	[tilespmem:s22+$0xE7A0] =	vst v9;
	s1 =	sand.u32 $0xFFFFFE00, s1;
	s25 =	sadd.s32 s30, s25;
	(erf) = vrcp.f32 v26;
	v7 =	vadd.f32 v7, v15;
	v15 =	vmul.f32 v5, v20  }
0x1b9: {  	s11 =	sshll.u32 s11, $0x2;
	s12 =	sand.u32 $0x7F, s6;
	[tilespmem:s22+$0xE790] =	vst v50;
	v50 =	vld [tilespmem:s25+$0x6580];
	s7 =	sadd.s32 s30, s10;
	v9 =	vadd.f32 v61, v57;
	v61 =	vmul.f32 v46, v46;
	v4 =	vpop (erf);
	v11 =	vmul.f32 v5, v59  }
0x1ba: {  	s6 =	sshll.u32 s6, $0x2;
	s10 =	sor.u32 s24, s26;
	s26 =	sld [smem:$0x7F3];
	v26 =	vld [tilespmem:s7+$0x6700];
	v35 =	vmul.f32 $8.000000000e+00, v4;
	[tilespmem:s22+$0xE400] =	vst v15;
	v15 =	vmul.f32 v5, v23  }
0x1bb: {  	s1 =	sor.u32 s11, s1;
	s6 =	sand.u32 $0xFFFFFE00, s6;
	s12 =	sshll.u32 s12, $0x2;
	v4 =	vmul.f32 v13, v13;
	v5 =	vmul.f32 v5, v29;
	[tilespmem:s22+$0xE410] =	vst v11  }
0x1bc: {  	s1 =	sshra.s32 s1, $0x2;
	s6 =	sor.u32 s12, s6;
	s24 =	rddreg [dreg:$0x1f];
	v62 =	vmul.f32 v45, v45;
	v56 =	vmul.f32 v16, v16;
	v23 =	vld [tilespmem:s18+$0x6400];
	[tilespmem:s22+$0xE420] =	vst v15  }
0x1bd: {  	s10 =	sshra.s32 s10, $0x2;
	s24 =	sor.u32 s26, s24;
	s26 =	sld [smem:$0x7F4];
	v20 =	vmovc v60;
	v60 =	vmov v36;
	v4 =	vadd.f32 v58, v4;
	v15 =	vmul.f32 v6, v19;
	[tilespmem:s22+$0xE430] =	vst v5;
	v5 =	vld [tilespmem:$0x1FF50]  }
0x1be: {  	v47 =	vld [tilespmem:s23+$0x6580];
	s1 =	sadd.s32 s30, s1;
	s10 =	sadd.s32 s30, s10;
	s24 =	sshra.s32 s24, $0x2;
	v58 =	vmul.f32 v50, v50;
	[tilespmem:$0x1FF40] =	vst v60;
	v19 =	vmov v13;
	v13 =	vmul.f32 v8, v54  }
0x1bf: {  	s12 =	smov.u32 s22;
	s20 =	sand.u32 $0x7F, s2;
	s21 =	sadd.s32 s30, s24;
	v48 =	vpop (erf);
	v29 =	vld [tilespmem:s10+$0x6480];
	v36 =	vmul.f32 v26, v26;
	[tilespmem:s22+$0xE480] =	vst v15;
	v15 =	vmul.f32 v6, v24  }
0x1c0: {  	s2 =	sshll.u32 s2, $0x2;
	s29 =	sor.u32 s29, s26;
	s26 =	sshra.s32 s9, $0x2;
	v32 =	vmul.f32 $8.000000000e+00, v48;
	v48 =	vld [tilespmem:s21+$0x6500];
	v60 =	vmul.f32 v35, v37;
	v10 =	vadd.f32 v63, v58;
	[tilespmem:s22+$0xE510] =	vst v13  }
0x1c1: {  	s2 =	sand.u32 $0xFFFFFE00, s2;
	s20 =	sshll.u32 s20, $0x2;
	s4 =	sadd.s32 s30, s26;
	v63 =	vadd.f32 v18, v61;
	v12 =	vadd.f32 v56, v36;
	v36 =	vld [tilespmem:s1+$0x6680];
	v18 =	vpop (erf);
	[tilespmem:s22+$0xE4A0] =	vst v15  }
0x1c2: {  	s5 =	sor.u32 s5, s16;
	s19 =	sand.u32 $0x7F, s13;
	s2 =	sor.u32 s20, s2;
	v14 =	vadd.f32 v30, v62;
	v30 =	vmul.f32 $8.000000000e+00, v18;
	v18 =	vmovc v34;
	v34 =	vld [tilespmem:s4+$0x6680];
	[tilespmem:s12+$0xE690] =	vst v60;
	v5 =	vmul.f32 v6, v5  }
0x1c3: {  	s13 =	sshll.u32 s13, $0x2;
	v55 =	vld [tilespmem:$0x1FF80];
	s2 =	sshra.s32 s2, $0x2;
	s25 =	sshra.s32 s29, $0x2;
	[tilespmem:$0x1FF50] =	vst v18;
	v6 =	vmul.f32 v6, v28  }
0x1c4: {  	s29 =	sand.u32 $0xFFFFFE00, s31;
	s31 =	sshll.u32 s17, $0x2;
	s3 =	sadd.s32 s30, s25;
	v57 =	vmul.f32 v53, v40;
	v58 =	vld [tilespmem:$0x1FF70];
	v15 =	vmul.f32 v8, v44;
	[tilespmem:s22+$0xE490] =	vst v5  }
0x1c5: {  	s19 =	sshll.u32 s19, $0x2;
	s2 =	sadd.s32 s30, s2;
	s24 =	sor.u32 s31, s29;
	v18 =	vmul.f32 v30, v49;
	v49 =	vld [tilespmem:s3+$0x6600];
	v5 =	vmul.f32 v8, v22;
	[tilespmem:s22+$0xE4B0] =	vst v6  }
0x1c6: {  	s9 =	sadd.s32 s30, s28;
	s17 =	sand.u32 $0xFFFFFE00, s13;
	s10 =	sshra.s32 s24, $0x2;
	v22 =	vmovc v17;
	v17 =	vmov v31;
	v8 =	vmul.f32 v8, v27;
	v27 =	vmov v50;
	v50 =	vld [tilespmem:s2+$0x6600];
	[tilespmem:s12+$0xE600] =	vst v57  }
0x1c7: {  	s5 =	sshra.s32 s5, $0x2;
	s7 =	sor.u32 s19, s17;
	v59 =	vmul.f32 v53, v41;
	s26 =	sadd.s32 s30, s10;
	v31 =	vld [tilespmem:s9+$0x6700];
	[tilespmem:$0x1FF60] =	vst v17;
	v17 =	vmul.f32 v23, v23  }
0x1c8: {  	s6 =	sshra.s32 s6, $0x2;
	s28 =	sadd.s32 s30, s5;
	s25 =	sshra.s32 s7, $0x2;
	v56 =	vmul.f32 v33, v43;
	v24 =	vmov v29;
	[tilespmem:s30+$0xE7B0] =	vst v18;
	v18 =	vmul.f32 v29, v29;
	v29 =	vld [tilespmem:s26+$0x6400]  }
0x1c9: {  	s8 =	sand.u32 $0x7F, s0;
	s0 =	sshll.u32 s0, $0x2;
	s3 =	sadd.s32 s30, s25;
	v6 =	vmul.f32 v33, v55;
	v28 =	vld [tilespmem:s28+$0x6480];
	[tilespmem:s22+$0xE500] =	vst v5;
	v7 =	vadd.f32 v17, v7;
	v17 =	vmul.f32 v48, v48  }
0x1ca: {  	s0 =	sand.u32 $0xFFFFFE00, s0;
	s8 =	sshll.u32 s8, $0x2;
	s29 =	sadd.s32 s30, s6;
	[tilespmem:$0x1FF80] =	vst v27;
	v5 =	vmul.f32 v33, v21;
	v4 =	vadd.f32 v18, v4;
	v18 =	vmul.f32 v47, v47;
	v27 =	vld [tilespmem:s3+$0x6500]  }
0x1cb: {  	s0 =	sor.u32 s8, s0;
	[tilespmem:s22+$0xE520] =	vst v15;
	v15 =	vmul.f32 v33, v25;
	v25 =	vld [tilespmem:s29+$0x6580];
	v9 =	vadd.f32 v17, v9;
	v17 =	vmul.f32 v49, v49  }
0x1cc: {  	s0 =	sshra.s32 s0, $0x2;
	[tilespmem:s12+$0xE580] =	vst v6;
	v6 =	vmul.f32 v53, v58;
	v10 =	vadd.f32 v18, v10;
	v18 =	vmul.f32 v34, v34  }
0x1cd: {  	s0 =	sadd.s32 s30, s0;
	[tilespmem:s12+$0xE630] =	vst v59;
	v21 =	vmul.f32 v29, v29;
	v11 =	vadd.f32 v17, v63;
	v17 =	vmul.f32 v31, v31  }
0x1ce: {  	v33 =	vld [tilespmem:s0+$0x6700];
	[tilespmem:s12+$0xE590] =	vst v5;
	v5 =	vmul.f32 v53, v42;
	v14 =	vadd.f32 v18, v14;
	v18 =	vmul.f32 v28, v28  }
0x1cf: {  	[tilespmem:s12+$0xE5A0] =	vst v56;
	v7 =	vadd.f32 v21, v7;
	v12 =	vadd.f32 v17, v12;
	v17 =	vmul.f32 v27, v27  }
0x1d0: {  	[tilespmem:s12+$0xE5B0] =	vst v15;
	v15 =	vmul.f32 v35, v39;
	v4 =	vadd.f32 v18, v4;
	v18 =	vmul.f32 v25, v25  }
0x1d1: {  	[tilespmem:s12+$0xE530] =	vst v8;
	v21 =	vperm.xlane v7, v0;
	v9 =	vadd.f32 v17, v9;
	v17 =	vmul.f32 v50, v50  }
0x1d2: {  	[tilespmem:s12+$0xE610] =	vst v6;
	v61 =	vperm.xlane v4, v0;
	v10 =	vadd.f32 v18, v10;
	v18 =	vmul.f32 v36, v36  }
.Ltmp0:
0x1d3: {  	[tilespmem:s12+$0xE620] =	vst v5;
	v39 =	vadd.f32 v7, v21;
	v11 =	vadd.f32 v17, v11;
	v17 =	vmul.f32 v33, v33;
	(pc) =	sbr.rel @p1 .LBB2_3-.Ltmp0, $4  }
0x1d4: {  	[tilespmem:s12+$0xE680] =	vst v15;
	v5 =	vperm.xlane v9, v0;
	v62 =	vperm.xlane v10, v0;
	v40 =	vadd.f32 v18, v14  }
0x1d5: {  	s31 =	rddreg [dreg:$0x7];
	v41 =	vadd.f32 v4, v61;
	v4 =	vmovc v52;
	v63 =	vperm.xlane v11, v0;
	v44 =	vadd.f32 v17, v12  }
0x1d6: {  	s1 =	rddreg [dreg:$0x5];
	v21 =	vmovc v51;
	v53 =	vperm.xlane v39, v1;
	v42 =	vadd.f32 v9, v5;
	v43 =	vadd.f32 v10, v62  }
0x1d7: {  	s2 =	sadd.s32 $0x8, s31;
	s22 =	smov.u32 s30;
	s0 =	rddreg [dreg:$0x3];
	[tilespmem:$0x1FF70] =	vst v4;
	v37 =	vperm.xlane v40, v0;
	v51 =	vadd.f32 v11, v63;
	v54 =	vperm.xlane v44, v0  }
0x1d8: {  	v4 =	vperm.xlane v41, v1;
	v5 =	vperm.xlane v42, v1;
	v10 =	vadd.f32 v39, v53  }
0x1d9: {  	v7 =	vperm.xlane v43, v1;
	v6 =	vadd.f32 v40, v37;
	v9 =	vadd.f32 v44, v54  }
0x1da: {  	v8 =	vperm.xlane v51, v1;
	v4 =	vadd.f32 v41, v4;
	v5 =	vadd.f32 v42, v5  }
0x1db: {  	v7 =	vadd.f32 v43, v7;
	v13 =	vperm.xlane v10, v2;
	v11 =	vperm.xlane v6, v1  }
0x1dc: {  	v12 =	vperm.xlane v9, v1;
	v8 =	vadd.f32 v51, v8;
	v14 =	vperm.xlane v4, v2  }
0x1dd: {  	v39 =	vperm.xlane v5, v2;
	v10 =	vadd.f32 v10, v13;
	v40 =	vperm.xlane v7, v2  }
0x1de: {  	v6 =	vadd.f32 v6, v11;
	v9 =	vadd.f32 v9, v12;
	v41 =	vperm.xlane v8, v2  }
0x1df: {  	v4 =	vadd.f32 v4, v14;
	v5 =	vadd.f32 v5, v39;
	v44 =	vperm.xlane v10, v3  }
0x1e0: {  	v7 =	vadd.f32 v7, v40;
	v42 =	vperm.xlane v6, v2;
	v43 =	vperm.xlane v9, v2  }
0x1e1: {  	v8 =	vadd.f32 v8, v41;
	v51 =	vperm.xlane v4, v3;
	v52 =	vperm.xlane v5, v3  }
0x1e2: {  	v10 =	vadd.f32 v10, v44;
	v53 =	vperm.xlane v7, v3;
	v6 =	vadd.f32 v6, v42  }
0x1e3: {  	v9 =	vadd.f32 v9, v43;
	v54 =	vperm.xlane v8, v3;
	v4 =	vadd.f32 v4, v51  }
0x1e4: {  	v5 =	vadd.f32 v5, v52;
	v10 =	vmax.f32 v10, $1.000000000e-30;
	v7 =	vadd.f32 v7, v53  }
0x1e5: {  	v55 =	vperm.xlane v6, v3;
	v15 =	vperm.xlane v9, v3;
	v8 =	vadd.f32 v8, v54  }
0x1e6: {  	v56 =	vshrl.u32 v10, $0x1;
	v4 =	vmax.f32 v4, $1.000000000e-30;
	v5 =	vmax.f32 v5, $1.000000000e-30  }
0x1e7: {  	v7 =	vmax.f32 v7, $1.000000000e-30;
	v6 =	vadd.f32 v6, v55;
	v9 =	vadd.f32 v9, v15  }
0x1e8: {  	v40 =	vmax.f32 v8, $1.000000000e-30;
	v8 =	vmul.f32 $5.000000000e-01, v10;
	v57 =	vshrl.u32 v4, $0x1  }
0x1e9: {  	v11 =	vmul.f32 $5.000000000e-01, v4;
	v58 =	vshrl.u32 v5, $0x1;
	v13 =	vmul.f32 $5.000000000e-01, v5  }
0x1ea: {  	v59 =	vshrl.u32 v7, $0x1;
	v17 =	vmul.f32 $5.000000000e-01, v7;
	v18 =	vshrl.u32 v40, $0x1  }
0x1eb: {  	v42 =	vmul.f32 $5.000000000e-01, v40;
	v12 =	vsub.s32 $0x5F3759DF, v58;
	v14 =	vsub.s32 $0x5F3759DF, v59  }
0x1ec: {  	v39 =	vmax.f32 v6, $1.000000000e-30;
	v37 =	vmax.f32 v9, $1.000000000e-30;
	v6 =	vsub.s32 $0x5F3759DF, v56  }
0x1ed: {  	v9 =	vsub.s32 $0x5F3759DF, v57;
	v63 =	vmul.f32 v12, v13;
	v57 =	vmul.f32 v14, v17  }
0x1ee: {  	v18 =	vsub.s32 $0x5F3759DF, v18;
	v60 =	vmul.f32 v6, v8;
	v61 =	vmul.f32 v9, v11  }
0x1ef: {  	v52 =	vmul.f32 $5.000000000e-01, v37;
	v56 =	vshrl.u32 v37, $0x1;
	v58 =	vmul.f32 v18, v42  }
0x1f0: {  	v44 =	vmul.f32 v12, v63;
	v53 =	vsub.s32 $0x5F3759DF, v56;
	v15 =	vmul.f32 v6, v60  }
0x1f1: {  	v41 =	vmul.f32 v9, v61;
	v60 =	vmul.f32 v53, v52  }
0x1f2: {  	v43 =	vmul.f32 v18, v58;
	v44 =	vsub.f32 $1.500000000e+00, v44;
	v15 =	vsub.f32 $1.500000000e+00, v15  }
0x1f3: {  	v51 =	vmul.f32 $5.000000000e-01, v39;
	v41 =	vsub.f32 $1.500000000e+00, v41;
	v61 =	vmul.f32 v53, v60  }
0x1f4: {  	v43 =	vsub.f32 $1.500000000e+00, v43;
	v12 =	vmul.f32 v12, v44;
	v6 =	vmul.f32 v6, v15  }
0x1f5: {  	v62 =	vshrl.u32 v39, $0x1;
	v9 =	vmul.f32 v9, v41;
	v15 =	vmul.f32 v14, v57  }
0x1f6: {  	v41 =	vsub.s32 $0x5F3759DF, v62;
	v18 =	vmul.f32 v18, v43;
	v55 =	vmul.f32 v6, v8  }
0x1f7: {  	v59 =	vmul.f32 v41, v51;
	v56 =	vmul.f32 v12, v13;
	v15 =	vsub.f32 $1.500000000e+00, v15  }
0x1f8: {  	v63 =	vmul.f32 v9, v11;
	v62 =	vmul.f32 v55, v6  }
0x1f9: {  	v44 =	vmul.f32 v41, v59;
	v14 =	vmul.f32 v14, v15;
	v15 =	vsub.f32 $1.500000000e+00, v61  }
0x1fa: {  	v60 =	vmul.f32 v63, v9;
	v61 =	vmul.f32 v56, v12;
	v54 =	vsub.f32 $1.500000000e+00, v62  }
0x1fb: {  	v63 =	vmul.f32 v18, v42;
	v44 =	vsub.f32 $1.500000000e+00, v44;
	v62 =	vmul.f32 v14, v17  }
0x1fc: {  	v15 =	vmul.f32 v53, v15;
	v43 =	vsub.f32 $1.500000000e+00, v60;
	v6 =	vmul.f32 v54, v6  }
0x1fd: {  	v59 =	vmul.f32 v63, v18;
	v41 =	vmul.f32 v41, v44;
	v44 =	vsub.f32 $1.500000000e+00, v61  }
0x1fe: {  	v9 =	vmul.f32 v43, v9;
	v8 =	vmul.f32 v6, v8  }
0x1ff: {  	v58 =	vmul.f32 v62, v14;
	v12 =	vmul.f32 v44, v12  }
0x200: {  	v11 =	vmul.f32 v9, v11;
	v8 =	vmul.f32 v8, v6  }
0x201: {  	v61 =	vsub.f32 $1.500000000e+00, v59;
	v62 =	vmul.f32 v41, v51;
	v13 =	vmul.f32 v12, v13  }
0x202: {  	v63 =	vmul.f32 v15, v52;
	v11 =	vmul.f32 v11, v9;
	v8 =	vsub.f32 $1.500000000e+00, v8  }
0x203: {  	v60 =	vsub.f32 $1.500000000e+00, v58;
	v44 =	vmul.f32 v62, v41;
	v62 =	vld [tilespmem:$0x1FED0];
	v13 =	vmul.f32 v13, v12  }
0x204: {  	v18 =	vmul.f32 v61, v18;
	v55 =	vsub.f32 $1.500000000e+00, v11;
	v6 =	vmul.f32 v8, v6  }
0x205: {  	v53 =	vmul.f32 v63, v15;
	v63 =	vld [tilespmem:$0x1FEF0];
	v14 =	vmul.f32 v60, v14;
	v56 =	vsub.f32 $1.500000000e+00, v13  }
0x206: {  	v9 =	vmul.f32 v55, v9;
	v6 =	vmul.f32 v6, v10  }
0x207: {  	v59 =	vmul.f32 v18, v42;
	v58 =	vmul.f32 v56, v12  }
0x208: {  	v12 =	vmul.f32 v35, v62;
	v4 =	vmul.f32 v9, v4;
	v6 =	vmax.f32 v6, $9.999999960e-13  }
0x209: {  	v54 =	vsub.f32 $1.500000000e+00, v44;
	(erf) = vrcp.f32 v6;
	v6 =	vmul.f32 v59, v18  }
0x20a: {  	v17 =	vmul.f32 v14, v17;
	v13 =	vmul.f32 v35, v63;
	v4 =	vmax.f32 v4, $9.999999960e-13  }
0x20b: {  	v41 =	vmul.f32 v54, v41;
	[tilespmem:s12+$0xE6A0] =	vst v12;
	(erf) = vrcp.f32 v4;
	v4 =	vsub.f32 $1.500000000e+00, v6  }
0x20c: {  	v57 =	vmul.f32 v17, v14;
	v17 =	vld [tilespmem:$0x1FEC0];
	[tilespmem:s12+$0xE6B0] =	vst v13  }
0x20d: {  	v61 =	vmul.f32 v41, v51;
	v4 =	vmul.f32 v4, v18;
	v18 =	vld [tilespmem:$0x1FEB0];
	_ =	sdelay $0x1  }
0x20e: {  	v8 =	vsub.f32 $1.500000000e+00, v53;
	v9 =	vmul.f32 v61, v41;
	_ =	sdelay $0x1  }
0x20f: {  	v8 =	vmul.f32 v8, v15;
	v15 =	vsub.f32 $1.500000000e+00, v9;
	v9 =	vmul.f32 v32, v17  }
0x210: {  	v5 =	vmul.f32 v58, v5;
	v10 =	vmul.f32 v32, v18  }
0x211: {  	[tilespmem:s12+$0xE700] =	vst v9  }
0x212: {  	v5 =	vmax.f32 v5, $9.999999960e-13;
	v9 =	vld [tilespmem:$0x1FEE0];
	[tilespmem:s12+$0xE710] =	vst v10  }
0x213: {  	(erf) = vrcp.f32 v5;
	v5 =	vld [tilespmem:$0x1FF00];
	_ =	sdelay $0x3  }
0x214: {  	v9 =	vmul.f32 v32, v9  }
0x215: {  	v5 =	vmul.f32 v32, v5  }
0x216: {  	v10 =	vld [tilespmem:$0x1FF10];
	[tilespmem:s12+$0xE720] =	vst v9  }
0x217: {  	[tilespmem:s12+$0xE730] =	vst v5  }
0x218: {  	v5 =	vld [tilespmem:$0x1FF20]  }
0x219: {  	v4 =	vmul.f32 v4, v40;
	v40 =	vld [tilespmem:$0x1FF30]  }
0x21a: {  	v60 =	vsub.f32 $1.500000000e+00, v57;
	_ =	sdelay $0x1  }
0x21b: {  	v11 =	vmul.f32 v60, v14;
	v10 =	vmul.f32 v30, v10  }
0x21c: {  	v5 =	vmul.f32 v30, v5  }
0x21d: {  	v7 =	vmul.f32 v11, v7;
	[tilespmem:s22+$0xE780] =	vst v10;
	v11 =	vmul.f32 v30, v40  }
0x21e: {  	[tilespmem:s22+$0xE790] =	vst v5  }
0x21f: {  	[tilespmem:s22+$0xE7A0] =	vst v11  }
0x220: {  	v35 =	vpop (erf);
	v11 =	vld [tilespmem:$0x1FF40]  }
0x221: {  	v9 =	vmul.f32 $8.000000000e+00, v35;
	_ =	sdelay $0x1  }
0x222: {  	v43 =	vmul.f32 v9, v23  }
0x223: {  	v5 =	vmul.f32 v9, v20  }
0x224: {  	[tilespmem:s22+$0xE420] =	vst v43;
	v11 =	vmul.f32 v9, v11  }
0x225: {  	[tilespmem:s22+$0xE400] =	vst v5;
	v9 =	vmul.f32 v9, v29  }
0x226: {  	[tilespmem:s22+$0xE410] =	vst v11  }
0x227: {  	[tilespmem:s22+$0xE430] =	vst v9  }
0x228: {  	v42 =	vpop (erf);
	v10 =	vld [tilespmem:$0x1FF50]  }
0x229: {  	v7 =	vmax.f32 v7, $9.999999960e-13;
	v5 =	vmul.f32 $8.000000000e+00, v42  }
0x22a: {  	v4 =	vmax.f32 v4, $9.999999960e-13;
	(erf) = vrcp.f32 v7  }
0x22b: {  	(erf) = vrcp.f32 v4;
	v4 =	vmul.f32 v5, v19  }
0x22c: {  	v51 =	vmul.f32 v5, v24  }
0x22d: {  	[tilespmem:s22+$0xE480] =	vst v4;
	v10 =	vmul.f32 v5, v10  }
0x22e: {  	[tilespmem:s22+$0xE4A0] =	vst v51;
	v5 =	vmul.f32 v5, v28  }
0x22f: {  	[tilespmem:s22+$0xE490] =	vst v10  }
0x230: {  	v6 =	vmul.f32 v15, v41;
	v41 =	vmul.f32 v8, v52;
	[tilespmem:s22+$0xE4B0] =	vst v5  }
0x231: {  	v44 =	vpop (erf);
	v53 =	vld [tilespmem:$0x1FF60]  }
0x232: {  	v7 =	vmul.f32 v41, v8;
	v4 =	vmul.f32 $8.000000000e+00, v44;
	_ =	sdelay $0x1  }
0x233: {  	v7 =	vsub.f32 $1.500000000e+00, v7;
	v52 =	vmul.f32 v4, v22  }
0x234: {  	v6 =	vmul.f32 v6, v39;
	v54 =	vmul.f32 v4, v48  }
0x235: {  	v7 =	vmul.f32 v7, v8;
	[tilespmem:s22+$0xE500] =	vst v52;
	v8 =	vmul.f32 v4, v53  }
0x236: {  	[tilespmem:s22+$0xE520] =	vst v54  }
0x237: {  	v6 =	vmax.f32 v6, $9.999999960e-13;
	[tilespmem:s22+$0xE510] =	vst v8  }
0x238: {  	(erf) = vrcp.f32 v6;
	v5 =	vpop (erf);
	v6 =	vld [tilespmem:$0x1FF80]  }
0x239: {  	v5 =	vmul.f32 $8.000000000e+00, v5  }
0x23a: {  	v4 =	vmul.f32 v4, v27  }
0x23b: {  	v55 =	vmul.f32 v5, v21  }
0x23c: {  	v56 =	vmul.f32 v5, v47;
	[tilespmem:s22+$0xE530] =	vst v4  }
0x23d: {  	[tilespmem:s22+$0xE590] =	vst v55;
	v6 =	vmul.f32 v5, v6  }
0x23e: {  	v7 =	vmul.f32 v7, v37;
	[tilespmem:s22+$0xE5A0] =	vst v56;
	v5 =	vmul.f32 v5, v25  }
0x23f: {  	[tilespmem:s22+$0xE580] =	vst v6  }
0x240: {  	v7 =	vmax.f32 v7, $9.999999960e-13;
	[tilespmem:s22+$0xE5B0] =	vst v5  }
0x241: {  	(erf) = vrcp.f32 v7;
	v4 =	vpop (erf);
	v7 =	vld [tilespmem:$0x1FF70]  }
0x242: {  	v4 =	vmul.f32 $8.000000000e+00, v4;
	_ =	sdelay $0x1  }
0x243: {  	v57 =	vmul.f32 v4, v46;
	v5 =	vpop (erf)  }
0x244: {  	v58 =	vmul.f32 v4, v49;
	v5 =	vmul.f32 $8.000000000e+00, v5  }
0x245: {  	v7 =	vmul.f32 v4, v7;
	v4 =	vmul.f32 v4, v50  }
0x246: {  	[tilespmem:s22+$0xE600] =	vst v57;
	v59 =	vmul.f32 v5, v45  }
0x247: {  	[tilespmem:s22+$0xE620] =	vst v58  }
0x248: {  	v60 =	vmul.f32 v5, v38;
	[tilespmem:s22+$0xE680] =	vst v59  }
0x249: {  	v61 =	vmul.f32 v5, v34;
	[tilespmem:s22+$0xE630] =	vst v4;
	v4 =	vpop (erf)  }
0x24a: {  	v5 =	vmul.f32 v5, v36;
	[tilespmem:s22+$0xE690] =	vst v60;
	v4 =	vmul.f32 $8.000000000e+00, v4  }
0x24b: {  	[tilespmem:s22+$0xE6A0] =	vst v61  }
0x24c: {  	[tilespmem:s22+$0xE6B0] =	vst v5;
	v62 =	vmul.f32 v4, v26  }
0x24d: {  	[tilespmem:s22+$0xE610] =	vst v7;
	v5 =	vmul.f32 v4, v16  }
0x24e: {  	[tilespmem:s22+$0xE700] =	vst v62  }
0x24f: {  	v63 =	vmul.f32 v4, v31;
	[tilespmem:s22+$0xE710] =	vst v5  }
0x250: {  	v4 =	vmul.f32 v4, v33;
	s0 =	sld [smem:$0x7FB]  }
0x251: {  	s1 =	sld [smem:$0x7F7];
	[tilespmem:s22+$0xE720] =	vst v63  }
0x252: {  	[tilespmem:s22+$0xE730] =	vst v4  }
0x253: {  	s30 =	sld [smem:$0x7FA]  }
0x254: {  	s0 =	sadd.s32 s0, s1  }
0x255: {  	s0 =	sshll.u32 s0, $0xB  }
0x256: {  	s31 =	simm.s32 $0x0;
	s2 =	simm.s32 $0xE400;
	s0 =	sadd.s32 s30, s0  }
0x257: {  	[hbm4b:s0+s31] =	stream.linear.scatter [tilespmem:s2], [sflag:$0x3], $0x4000, $0x38;
	[tilespmem:$0x16700] =	vst v63  }
0x258: {  	s0 =	sld [smem:$0x7F6];
	_ =	sdelay $0x2  }
0x259: {  	p1 =	sne.s32 s0, $0x63  }
.Ltmp1:
0x25a: {  	_ = 	snop;
	(pc) =	sbr.rel @p1 .LBB2_6-.Ltmp1, $1  }
0x25b: {  	_ =	sdelay $0x3  }
.Ltmp2:
0x25c: {  	(pc) =	sbr.rel .LBB2_7-.Ltmp2, $4  }
0x25d: {  	s0 =	simm.s32 $0x2  }
0x25e: {  	_ =	swait.ge [sflag:s0], $0x4000  }
0x25f: {  	[sflag:s0] =	ssyncset.done $0x0  }
0x260: {  	[sflag:s0] =	ssyncadd.s32 $0xFFFFC000  }
.LBB2_6:
0x261: {  	s0 =	sshll.u32 s0, $0x8  }
0x262: {  	s0 =	sand.u32 $0x3FFFFF00, s0  }
0x263: {  	v4 =	vld [tilespmem:s0+$0x100];
	_ =	sdelay $0x4  }
0x264: {  	v5 =	vshrl.u32 v4, $0x1;
	v4 =	vshll.u32 v4, $0x6  }
0x265: {  	[tilespmem:$0x16400] =	vst v5;
	v4 =	vand.u32 $0x40, v4  }
0x266: {  	[tilespmem:$0x16500] =	vst v4  }
0x267: {  	v4 =	vld [tilespmem:s0+$0x110];
	_ =	sdelay $0x4  }
0x268: {  	v5 =	vshrl.u32 v4, $0x1;
	v4 =	vshll.u32 v4, $0x6  }
0x269: {  	[tilespmem:$0x16410] =	vst v5;
	v4 =	vand.u32 $0x40, v4  }
0x26a: {  	[tilespmem:$0x16510] =	vst v4  }
0x26b: {  	v4 =	vld [tilespmem:s0+$0x120];
	_ =	sdelay $0x4  }
0x26c: {  	v5 =	vshrl.u32 v4, $0x1;
	v4 =	vshll.u32 v4, $0x6  }
0x26d: {  	[tilespmem:$0x16420] =	vst v5;
	v4 =	vand.u32 $0x40, v4  }
0x26e: {  	[tilespmem:$0x16520] =	vst v4  }
0x26f: {  	v4 =	vld [tilespmem:s0+$0x130];
	_ =	sdelay $0x4  }
0x270: {  	v5 =	vshrl.u32 v4, $0x1;
	v4 =	vshll.u32 v4, $0x6  }
0x271: {  	[tilespmem:$0x16430] =	vst v5;
	v4 =	vand.u32 $0x40, v4  }
0x272: {  	[tilespmem:$0x16530] =	vst v4  }
0x273: {  	v4 =	vld [tilespmem:s0+$0x140];
	_ =	sdelay $0x4  }
0x274: {  	v5 =	vshrl.u32 v4, $0x1;
	v4 =	vshll.u32 v4, $0x6  }
0x275: {  	[tilespmem:$0x16440] =	vst v5;
	v4 =	vand.u32 $0x40, v4  }
0x276: {  	[tilespmem:$0x16540] =	vst v4  }
0x277: {  	v4 =	vld [tilespmem:s0+$0x150];
	_ =	sdelay $0x4  }
0x278: {  	v5 =	vshrl.u32 v4, $0x1;
	v4 =	vshll.u32 v4, $0x6  }
0x279: {  	[tilespmem:$0x16450] =	vst v5;
	v4 =	vand.u32 $0x40, v4  }
0x27a: {  	[tilespmem:$0x16550] =	vst v4  }
0x27b: {  	v4 =	vld [tilespmem:s0+$0x160];
	_ =	sdelay $0x4  }
0x27c: {  	v5 =	vshrl.u32 v4, $0x1;
	v4 =	vshll.u32 v4, $0x6  }
0x27d: {  	[tilespmem:$0x16460] =	vst v5;
	v4 =	vand.u32 $0x40, v4  }
0x27e: {  	[tilespmem:$0x16560] =	vst v4  }
0x27f: {  	v4 =	vld [tilespmem:s0+$0x170];
	_ =	sdelay $0x4  }
0x280: {  	s30 =	sld [smem:$0x7F9];
	v5 =	vshrl.u32 v4, $0x1;
	v4 =	vshll.u32 v4, $0x6  }
0x281: {  	s1 =	simm.s32 $0x80;
	s2 =	simm.s32 $0x16400;
	[tilespmem:$0x16470] =	vst v5;
	v4 =	vand.u32 $0x40, v4  }
.Ltmp3:
0x282: {  	s3 =	simm.s32 $0x6400;
	s31 =	simm.s32 $0x2;
	[tilespmem:$0x16570] =	vst v4;
	(pc) =	sbr.rel @p0 .LBB2_8-.Ltmp3, $4  }
0x283: {  	[tilespmem:s3], [sflag:$0x1] =	stream.indirect.gather [hbm4b:s30+s1], $0x80, s2, s1, $0xb8;
	[tilespmem:$0x16700] =	vst v63  }
0x284: {  	_ =	swait.ge [sflag:s31], $0x4000  }
0x285: {  	[sflag:s31] =	ssyncset.done $0x0  }
0x286: {  	[sflag:s31] =	ssyncadd.s32 $0xFFFFC000  }
.LBB2_7:
0x287: {  	s0 =	simm.s32 $0x4  }
0x288: {  	_ =	swait.ge [sflag:s0], $0x4000  }
0x289: {  	[sflag:s0] =	ssyncset.done $0x0  }
0x28a: {  	[sflag:s0] =	ssyncadd.s32 $0xFFFFC000  }
.LBB2_8:
0x28b: {  	s0 =	simm.s32 $0x16604  }
0x28c: {  	v4 =	vld [tilespmem:s0+$0x3];
	_ =	sdelay $0x4  }
0x28d: {  	(v2sf) =	vpush v4, $0x0;
	_ =	sdelay $0x5  }
0x28e: {  	v4 =	vld [tilespmem:s0+$0xFFFFFFFC]  }
0x28f: {  	v5 =	vld [tilespmem:s0+$0xFFFFFFFD];
	_ =	sdelay $0x1  }
0x290: {  	v6 =	vld [tilespmem:s0+$0xFFFFFFFE];
	_ =	sdelay $0x1  }
0x291: {  	v7 =	vld [tilespmem:s0+$0xFFFFFFFF];
	(v2sf) =	vpush v4, $0x0  }
0x292: {  	(v2sf) =	vpush v5, $0x0;
	_ =	sdelay $0x1  }
0x293: {  	v8 =	vld [tilespmem:s0+$0x0];
	(v2sf) =	vpush v6, $0x0  }
0x294: {  	s20 =	spop (v2sf)  }
0x295: {  	(v2sf) =	vpush v7, $0x0;
	s1 =	sand.u32 $0x7F, s20  }
0x296: {  	v4 =	vld [tilespmem:s0+$0x1];
	s2 =	sadd.s32 $0x20, s20;
	s3 =	sadd.s32 $0x30, s20;
	s4 =	sshll.u32 s20, $0x2  }
0x297: {  	v5 =	vld [tilespmem:s0+$0x2];
	s0 =	sadd.s32 $0x10, s20;
	s5 =	sand.u32 $0x7F, s3;
	s4 =	sand.u32 $0xFFFFFE00, s4  }
0x298: {  	(v2sf) =	vpush v8, $0x0;
	s6 =	sand.u32 $0x7F, s2;
	s2 =	sshll.u32 s2, $0x2;
	s1 =	sshll.u32 s1, $0x2  }
0x299: {  	s7 =	sand.u32 $0x7F, s0;
	s0 =	sshll.u32 s0, $0x2;
	s25 =	sshll.u32 s3, $0x2  }
0x29a: {  	s1 =	sor.u32 s1, s4;
	s0 =	sand.u32 $0xFFFFFE00, s0;
	s21 =	sshll.u32 s7, $0x2  }
0x29b: {  	s2 =	sand.u32 $0xFFFFFE00, s2;
	s22 =	sshll.u32 s6, $0x2;
	s3 =	sand.u32 $0xFFFFFE00, s25  }
0x29c: {  	s26 =	sshll.u32 s5, $0x2;
	s1 =	sshra.s32 s1, $0x2;
	s0 =	sor.u32 s21, s0  }
0x29d: {  	s23 =	sor.u32 s22, s2;
	s3 =	sor.u32 s26, s3;
	s9 =	sadd.s32 $0x0, s1  }
0x29e: {  	s0 =	sshra.s32 s0, $0x2;
	s1 =	sshra.s32 s23, $0x2;
	s3 =	sshra.s32 s3, $0x2  }
0x29f: {  	s24 =	sadd.s32 $0x0, s0;
	s0 =	spop (v2sf);
	s28 =	sadd.s32 $0x0, s1  }
0x2a0: {  	s3 =	sadd.s32 $0x0, s3;
	s1 =	spop (v2sf);
	s29 =	sadd.s32 $0x10, s0  }
0x2a1: {  	s22 =	sand.u32 $0x7F, s0;
	s5 =	sshll.u32 s0, $0x2;
	s10 =	sadd.s32 $0x10, s1  }
0x2a2: {  	s6 =	spop (v2sf);
	s11 =	sand.u32 $0x7F, s29;
	s4 =	sshll.u32 s29, $0x2  }
0x2a3: {  	(v2sf) =	vpush v4, $0x0;
	s25 =	sand.u32 $0x7F, s1;
	s26 =	sshll.u32 s1, $0x2;
	s5 =	sand.u32 $0xFFFFFE00, s5  }
0x2a4: {  	(v2sf) =	vpush v5, $0x0;
	s12 =	sadd.s32 $0x10, s6;
	s7 =	spop (v2sf);
	s14 =	sand.u32 $0x7F, s10  }
0x2a5: {  	s10 =	sshll.u32 s10, $0x2;
	s4 =	sand.u32 $0xFFFFFE00, s4;
	s11 =	sshll.u32 s11, $0x2  }
0x2a6: {  	v37 =	vld [tilespmem:s28+$0xA780];
	s28 =	sand.u32 $0x7F, s6;
	s29 =	sshll.u32 s6, $0x2;
	s25 =	sshll.u32 s25, $0x2  }
0x2a7: {  	s13 =	sadd.s32 $0x10, s7;
	s8 =	spop (v2sf);
	s17 =	sand.u32 $0x7F, s12  }
0x2a8: {  	v24 =	vld [tilespmem:s9+$0xA780];
	s9 =	sshll.u32 s12, $0x2;
	s11 =	sor.u32 s11, s4;
	s10 =	sand.u32 $0xFFFFFE00, s10  }
0x2a9: {  	s15 =	sadd.s32 $0x10, s8;
	s18 =	sand.u32 $0x7F, s13;
	s31 =	sshll.u32 s13, $0x2  }
0x2aa: {  	v25 =	vld [tilespmem:s24+$0xA780];
	s13 =	sshll.u32 s14, $0x2;
	s14 =	sand.u32 $0xFFFFFE00, s9;
	s11 =	sshra.s32 s11, $0x2  }
0x2ab: {  	s20 =	sand.u32 $0x7F, s15;
	s15 =	sshll.u32 s15, $0x2;
	s13 =	sor.u32 s13, s10  }
0x2ac: {  	s10 =	sand.u32 $0x7F, s7;
	s2 =	sand.u32 $0xFFFFFE00, s31;
	s31 =	sshll.u32 s18, $0x2  }
0x2ad: {  	v32 =	vld [tilespmem:s3+$0xA780];
	s18 =	sshll.u32 s7, $0x2;
	s11 =	sadd.s32 $0x0, s11;
	s3 =	sor.u32 s31, s2  }
0x2ae: {  	s2 =	sand.u32 $0x7F, s8;
	s9 =	sand.u32 $0xFFFFFE00, s15;
	s15 =	sshll.u32 s20, $0x2  }
0x2af: {  	v4 =	vmul.f32 v24, v24;
	v5 =	vmul.f32 v25, v25;
	s18 =	sand.u32 $0xFFFFFE00, s18;
	s10 =	sshll.u32 s10, $0x2;
	s13 =	sshra.s32 s13, $0x2  }
0x2b0: {  	s15 =	sor.u32 s15, s9;
	s9 =	sshll.u32 s8, $0x2;
	s2 =	sshll.u32 s2, $0x2  }
0x2b1: {  	v4 =	vadd.f32 v5, v4;
	v5 =	vmul.f32 v37, v37;
	s18 =	sor.u32 s10, s18;
	s3 =	sshra.s32 s3, $0x2;
	s13 =	sadd.s32 $0x0, s13  }
0x2b2: {  	s19 =	spop (v2sf);
	s9 =	sand.u32 $0xFFFFFE00, s9;
	s15 =	sshra.s32 s15, $0x2  }
0x2b3: {  	s3 =	sadd.s32 $0x0, s3;
	s16 =	sadd.s32 $0x10, s19;
	s23 =	spop (v2sf);
	v4 =	vadd.f32 v5, v4;
	v5 =	vmul.f32 v32, v32  }
0x2b4: {  	s30 =	sadd.s32 $0x10, s23;
	s21 =	sand.u32 $0x7F, s16;
	s16 =	sshll.u32 s16, $0x2  }
0x2b5: {  	v29 =	vld [tilespmem:s11+$0xA400];
	s31 =	sshll.u32 s23, $0x2;
	s11 =	sadd.s32 $0x30, s23;
	s24 =	sand.u32 $0x7F, s30;
	v4 =	vadd.f32 v5, v4  }
0x2b6: {  	s12 =	sshll.u32 s30, $0x2;
	s30 =	sshll.u32 s17, $0x2;
	s17 =	sand.u32 $0xFFFFFE00, s16  }
0x2b7: {  	s20 =	sshll.u32 s21, $0x2;
	s21 =	sshll.u32 s22, $0x2;
	s22 =	sand.u32 $0xFFFFFE00, s26;
	v5 =	vperm.xlane v4, v0  }
0x2b8: {  	s14 =	sor.u32 s30, s14;
	s4 =	sor.u32 s20, s17;
	s20 =	sand.u32 $0x7F, s19  }
0x2b9: {  	s5 =	sor.u32 s21, s5;
	s21 =	sshll.u32 s19, $0x2;
	s14 =	sshra.s32 s14, $0x2;
	v4 =	vadd.f32 v4, v5  }
0x2ba: {  	s12 =	sand.u32 $0xFFFFFE00, s12;
	s26 =	sshll.u32 s24, $0x2;
	s14 =	sadd.s32 $0x0, s14  }
0x2bb: {  	s16 =	sor.u32 s25, s22;
	s30 =	sand.u32 $0x7F, s23;
	s25 =	sand.u32 $0xFFFFFE00, s29;
	v11 =	vld [tilespmem:s14+$0xA500];
	v5 =	vperm.xlane v4, v1  }
0x2bc: {  	s29 =	sadd.s32 $0x20, s1;
	s17 =	sor.u32 s26, s12;
	s26 =	sshll.u32 s28, $0x2  }
0x2bd: {  	s21 =	sand.u32 $0xFFFFFE00, s21;
	s20 =	sshll.u32 s20, $0x2;
	s28 =	sadd.s32 $0x20, s0;
	v4 =	vadd.f32 v4, v5  }
0x2be: {  	s12 =	sand.u32 $0xFFFFFE00, s31;
	s24 =	sshll.u32 s30, $0x2;
	s30 =	sadd.s32 $0x20, s6  }
0x2bf: {  	s10 =	sshll.u32 s29, $0x2;
	s22 =	sor.u32 s26, s25;
	s26 =	sor.u32 s2, s9;
	v5 =	vperm.xlane v4, v2  }
0x2c0: {  	v36 =	vld [tilespmem:s13+$0xA480];
	s20 =	sor.u32 s20, s21;
	s31 =	sand.u32 $0x7F, s28;
	s21 =	sor.u32 s24, s12;
	[tilespmem:$0x1FE40] =	vst v11  }
0x2c1: {  	s25 =	sshll.u32 s28, $0x2;
	s28 =	sand.u32 $0x7F, s29;
	s10 =	sand.u32 $0xFFFFFE00, s10;
	v13 =	vld [tilespmem:s3+$0xA580];
	v4 =	vadd.f32 v4, v5  }
0x2c2: {  	s29 =	sand.u32 $0x7F, s30;
	s30 =	sshll.u32 s30, $0x2;
	s12 =	sand.u32 $0xFFFFFE00, s25  }
0x2c3: {  	s2 =	sshll.u32 s31, $0x2;
	s24 =	sshll.u32 s28, $0x2;
	s28 =	sand.u32 $0xFFFFFE00, s30;
	v5 =	vperm.xlane v4, v3  }
0x2c4: {  	s30 =	sadd.s32 $0x20, s8;
	s2 =	sor.u32 s2, s12;
	s12 =	sshll.u32 s29, $0x2  }
0x2c5: {  	s9 =	sor.u32 s24, s10;
	s25 =	sshll.u32 s30, $0x2;
	s10 =	sor.u32 s12, s28;
	v4 =	vadd.f32 v4, v5  }
0x2c6: {  	s28 =	sand.u32 $0x7F, s30;
	s30 =	sadd.s32 $0x20, s23;
	s23 =	sadd.s32 $0x0, s15;
	[tilespmem:$0x1FE60] =	vst v13  }
0x2c7: {  	v14 =	vld [tilespmem:s23+$0xA600];
	v59 =	vmax.f32 v4, $1.000000000e-30  }
0x2c8: {  	v4 =	vshrl.u32 v59, $0x1;
	v5 =	vmul.f32 $5.000000000e-01, v59  }
0x2c9: {  	v4 =	vsub.s32 $0x5F3759DF, v4  }
0x2ca: {  	v60 =	vmul.f32 v4, v5  }
0x2cb: {  	s4 =	sshra.s32 s4, $0x2  }
0x2cc: {  	s4 =	sadd.s32 $0x0, s4;
	[tilespmem:$0x1FE80] =	vst v14;
	v7 =	vmul.f32 v4, v60  }
0x2cd: {  	v15 =	vld [tilespmem:s4+$0xA680]  }
0x2ce: {  	v7 =	vsub.f32 $1.500000000e+00, v7;
	_ =	sdelay $0x1  }
0x2cf: {  	s18 =	sshra.s32 s18, $0x2;
	s1 =	sadd.s32 $0x30, s1;
	v4 =	vmul.f32 v4, v7  }
0x2d0: {  	s5 =	sshra.s32 s5, $0x2;
	s16 =	sshra.s32 s16, $0x2;
	s0 =	sadd.s32 $0x30, s0  }
0x2d1: {  	s6 =	sadd.s32 $0x30, s6;
	s14 =	sadd.s32 $0x0, s16;
	s16 =	sadd.s32 $0x0, s18;
	[tilespmem:$0x1FEA0] =	vst v15;
	v7 =	vmul.f32 v4, v5  }
0x2d2: {  	s17 =	sshra.s32 s17, $0x2;
	s5 =	sadd.s32 $0x0, s5;
	s31 =	sadd.s32 $0x20, s7;
	v18 =	vld [tilespmem:s16+$0xA580]  }
0x2d3: {  	s22 =	sshra.s32 s22, $0x2;
	s26 =	sshra.s32 s26, $0x2;
	s20 =	sshra.s32 s20, $0x2;
	v7 =	vmul.f32 v7, v4  }
0x2d4: {  	s21 =	sshra.s32 s21, $0x2;
	s7 =	sadd.s32 $0x30, s7;
	s8 =	sadd.s32 $0x30, s8;
	v26 =	vld [tilespmem:s5+$0xA400]  }
0x2d5: {  	s29 =	sand.u32 $0x7F, s31;
	s24 =	sshll.u32 s31, $0x2;
	s3 =	sadd.s32 $0x0, s22;
	v33 =	vld [tilespmem:s14+$0xA480];
	v7 =	vsub.f32 $1.500000000e+00, v7  }
0x2d6: {  	s31 =	sadd.s32 $0x20, s19;
	s19 =	sadd.s32 $0x30, s19;
	s15 =	sadd.s32 $0x0, s17;
	v35 =	vld [tilespmem:s3+$0xA500]  }
0x2d7: {  	s13 =	sadd.s32 $0x0, s20;
	s18 =	sadd.s32 $0x0, s21;
	s17 =	sadd.s32 $0x0, s26;
	v7 =	vmul.f32 v7, v4;
	v4 =	vld [tilespmem:s15+$0xA700];
	[tilespmem:$0x1FE50] =	vst v18  }
0x2d8: {  	s24 =	sand.u32 $0xFFFFFE00, s24;
	s12 =	sshll.u32 s29, $0x2;
	s29 =	sand.u32 $0x7F, s31;
	v17 =	vld [tilespmem:s17+$0xA600]  }
0x2d9: {  	s25 =	sand.u32 $0xFFFFFE00, s25;
	s26 =	sshll.u32 s1, $0x2;
	s2 =	sshra.s32 s2, $0x2  }
0x2da: {  	s9 =	sshra.s32 s9, $0x2;
	s12 =	sor.u32 s12, s24;
	s24 =	sshll.u32 s31, $0x2  }
0x2db: {  	s31 =	sand.u32 $0x7F, s30;
	s30 =	sshll.u32 s30, $0x2;
	s28 =	sshll.u32 s28, $0x2  }
0x2dc: {  	s29 =	sshll.u32 s29, $0x2;
	s10 =	sshra.s32 s10, $0x2;
	s2 =	sadd.s32 $0x0, s2  }
0x2dd: {  	s24 =	sand.u32 $0xFFFFFE00, s24;
	s30 =	sand.u32 $0xFFFFFE00, s30;
	s31 =	sshll.u32 s31, $0x2;
	[tilespmem:$0x1FE70] =	vst v17  }
0x2de: {  	s20 =	sor.u32 s28, s25;
	s25 =	sand.u32 $0x7F, s1;
	s28 =	sand.u32 $0x7F, s6;
	v5 =	vmul.f32 v7, v5;
	v16 =	vld [tilespmem:s13+$0xA680]  }
0x2df: {  	s6 =	sshll.u32 s6, $0x2;
	s21 =	sor.u32 s29, s24;
	s24 =	sshll.u32 s0, $0x2  }
0x2e0: {  	s29 =	sand.u32 $0x7F, s7;
	s7 =	sshll.u32 s7, $0x2;
	s6 =	sand.u32 $0xFFFFFE00, s6;
	v5 =	vmul.f32 v5, v7  }
0x2e1: {  	s22 =	sand.u32 $0x7F, s0;
	s7 =	sand.u32 $0xFFFFFE00, s7;
	s23 =	sor.u32 s31, s30  }
0x2e2: {  	s30 =	sand.u32 $0x7F, s8;
	s8 =	sshll.u32 s8, $0x2;
	s31 =	sand.u32 $0x7F, s19;
	v5 =	vsub.f32 $1.500000000e+00, v5  }
0x2e3: {  	s19 =	sshll.u32 s19, $0x2;
	s8 =	sand.u32 $0xFFFFFE00, s8;
	s4 =	sshra.s32 s21, $0x2;
	[tilespmem:$0x1FE90] =	vst v16  }
0x2e4: {  	s21 =	sshll.u32 s22, $0x2;
	s22 =	sshll.u32 s25, $0x2;
	s4 =	sadd.s32 $0x0, s4;
	v7 =	vmul.f32 v5, v7;
	v5 =	vld [tilespmem:s18+$0xA700]  }
0x2e5: {  	s16 =	sshra.s32 s12, $0x2;
	s13 =	sshra.s32 s23, $0x2;
	s23 =	sadd.s32 $0x0, s9;
	v30 =	vld [tilespmem:s2+$0xA400]  }
0x2e6: {  	v61 =	vmul.f32 v29, v29;
	s17 =	sshra.s32 s20, $0x2;
	s20 =	sand.u32 $0xFFFFFE00, s24;
	s24 =	sadd.s32 $0x0, s10;
	v31 =	vld [tilespmem:s23+$0xA480]  }
0x2e7: {  	v9 =	vmul.f32 v36, v36;
	v11 =	vmul.f32 v11, v11;
	s5 =	sshll.u32 s28, $0x2;
	s3 =	sshll.u32 s31, $0x2;
	s28 =	sadd.s32 $0x0, s16;
	v42 =	vld [tilespmem:s24+$0xA500];
	[tilespmem:$0x1FD60] =	vst v4  }
0x2e8: {  	v12 =	vmul.f32 v13, v13;
	v62 =	vmul.f32 v14, v14;
	s15 =	sand.u32 $0xFFFFFE00, s26;
	s26 =	sshll.u32 s29, $0x2;
	s12 =	sadd.s32 $0x0, s17;
	v40 =	vld [tilespmem:s28+$0xA580]  }
0x2e9: {  	v63 =	vmul.f32 v15, v15;
	v47 =	vmul.f32 v26, v26;
	s29 =	sshll.u32 s30, $0x2;
	s30 =	sand.u32 $0xFFFFFE00, s19;
	s31 =	sor.u32 s21, s20;
	v39 =	vld [tilespmem:s12+$0xA600]  }
0x2ea: {  	v20 =	vmul.f32 v33, v33;
	v21 =	vmul.f32 v35, v35;
	s16 =	sor.u32 s22, s15;
	s10 =	sshra.s32 s31, $0x2;
	s14 =	sadd.s32 $0x0, s13;
	v48 =	vld [tilespmem:s4+$0xA680]  }
0x2eb: {  	s17 =	sor.u32 s5, s6;
	s19 =	sadd.s32 $0x0, s10;
	v15 =	vmul.f32 v4, v4;
	v10 =	vmul.f32 v7, v59;
	s18 =	sshra.s32 s16, $0x2;
	v4 =	vld [tilespmem:s14+$0xA700]  }
0x2ec: {  	v22 =	vmul.f32 v18, v18;
	v8 =	vadd.f32 v61, v47;
	v9 =	vadd.f32 v9, v20;
	s2 =	sor.u32 s26, s7;
	s4 =	sshra.s32 s17, $0x2;
	v47 =	vld [tilespmem:s19+$0xA400];
	s5 =	sadd.s32 $0x0, s18;
	[tilespmem:$0x1FD70] =	vst v5  }
0x2ed: {  	v11 =	vadd.f32 v11, v21;
	s20 =	sor.u32 s29, s8;
	v20 =	vmul.f32 v17, v17;
	v10 =	vmax.f32 v10, $9.999999960e-13;
	s2 =	sshra.s32 s2, $0x2;
	s4 =	sadd.s32 $0x0, s4;
	v34 =	vld [tilespmem:s5+$0xA480]  }
0x2ee: {  	v12 =	vadd.f32 v12, v22;
	s21 =	sshra.s32 s20, $0x2;
	v21 =	vmul.f32 v16, v16;
	(erf) = vrcp.f32 v10;
	s2 =	sadd.s32 $0x0, s2;
	v44 =	vld [tilespmem:s4+$0xA500]  }
0x2ef: {  	s1 =	sshll.u32 s11, $0x2;
	s22 =	sadd.s32 $0x0, s21;
	v13 =	vadd.f32 v62, v20;
	v20 =	vmul.f32 v5, v5;
	v22 =	vmul.f32 v30, v30;
	v43 =	vld [tilespmem:s2+$0xA580]  }
0x2f0: {  	s0 =	sand.u32 $0x7F, s11;
	s3 =	sor.u32 s3, s30;
	s24 =	simm.s32 $0x1660C;
	v14 =	vadd.f32 v63, v21;
	v21 =	vmul.f32 v31, v31;
	v38 =	vmul.f32 v42, v42;
	v41 =	vld [tilespmem:s22+$0xA600];
	[tilespmem:$0x1FD80] =	vst v48  }
0x2f1: {  	s1 =	sand.u32 $0xFFFFFE00, s1;
	s0 =	sshll.u32 s0, $0x2;
	s23 =	sshra.s32 s3, $0x2;
	v49 =	vmul.f32 v40, v40;
	v50 =	vmul.f32 v39, v39;
	v15 =	vadd.f32 v15, v20;
	v52 =	vld [tilespmem:s24+$0x3]  }
0x2f2: {  	s1 =	sor.u32 s0, s1;
	s2 =	sadd.s32 $0x0, s23;
	v51 =	vmul.f32 v48, v48;
	v20 =	vadd.f32 v22, v8;
	v21 =	vadd.f32 v21, v9;
	[tilespmem:$0x1FD90] =	vst v4  }
0x2f3: {  	s1 =	sshra.s32 s1, $0x2;
	v11 =	vadd.f32 v38, v11;
	v22 =	vmul.f32 v47, v47;
	v12 =	vadd.f32 v49, v12;
	v5 =	vld [tilespmem:s2+$0xA680]  }
0x2f4: {  	s1 =	sadd.s32 $0x0, s1;
	v45 =	vmul.f32 v4, v4;
	v13 =	vadd.f32 v50, v13;
	v14 =	vadd.f32 v51, v14  }
0x2f5: {  	v4 =	vld [tilespmem:s1+$0xA700];
	v20 =	vadd.f32 v22, v20;
	v46 =	vmul.f32 v34, v34;
	v22 =	vmul.f32 v44, v44  }
0x2f6: {  	v15 =	vadd.f32 v45, v15;
	v53 =	vmul.f32 v43, v43;
	(v2sf) =	vpush v52, $0x0  }
0x2f7: {  	v54 =	vperm.xlane v20, v0;
	v21 =	vadd.f32 v46, v21;
	v11 =	vadd.f32 v22, v11  }
0x2f8: {  	v22 =	vmul.f32 v41, v41;
	v12 =	vadd.f32 v53, v12;
	v55 =	vmul.f32 v5, v5  }
0x2f9: {  	[tilespmem:$0x1FDA0] =	vst v5;
	v20 =	vadd.f32 v20, v54;
	v48 =	vperm.xlane v21, v0;
	v56 =	vperm.xlane v11, v0  }
0x2fa: {  	[tilespmem:$0x1FDB0] =	vst v4;
	v13 =	vadd.f32 v22, v13;
	v22 =	vmul.f32 v4, v4;
	v57 =	vperm.xlane v12, v0  }
0x2fb: {  	v7 =	vld [tilespmem:s24+$0xFFFFFFFC];
	v14 =	vadd.f32 v55, v14;
	v59 =	vperm.xlane v20, v1;
	v21 =	vadd.f32 v21, v48  }
0x2fc: {  	v58 =	vperm.xlane v13, v0;
	v15 =	vadd.f32 v22, v15;
	v11 =	vadd.f32 v11, v56  }
0x2fd: {  	v12 =	vadd.f32 v12, v57;
	v22 =	vperm.xlane v14, v0;
	v20 =	vadd.f32 v20, v59  }
0x2fe: {  	v56 =	vld [tilespmem:s24+$0xFFFFFFFD];
	v13 =	vadd.f32 v13, v58;
	v60 =	vperm.xlane v15, v0;
	v61 =	vperm.xlane v21, v1  }
0x2ff: {  	v59 =	vld [tilespmem:s24+$0xFFFFFFFE];
	v62 =	vperm.xlane v11, v1;
	v14 =	vadd.f32 v14, v22;
	v22 =	vperm.xlane v12, v1  }
0x300: {  	v51 =	vld [tilespmem:s24+$0xFFFFFFFF];
	v45 =	vperm.xlane v20, v2;
	(v2sf) =	vpush v7, $0x0;
	v15 =	vadd.f32 v15, v60  }
0x301: {  	v49 =	vperm.xlane v13, v1;
	v21 =	vadd.f32 v21, v61;
	v11 =	vadd.f32 v11, v62  }
0x302: {  	v63 =	vperm.xlane v14, v1;
	v12 =	vadd.f32 v12, v22;
	v20 =	vadd.f32 v20, v45  }
0x303: {  	v61 =	vld [tilespmem:s24+$0x0];
	(v2sf) =	vpush v56, $0x0;
	v22 =	vperm.xlane v15, v1;
	v13 =	vadd.f32 v13, v49  }
0x304: {  	v14 =	vadd.f32 v14, v63;
	v6 =	vperm.xlane v21, v2;
	(v2sf) =	vpush v59, $0x0  }
0x305: {  	v57 =	vperm.xlane v12, v2;
	v60 =	vperm.xlane v20, v3;
	(v2sf) =	vpush v51, $0x0  }
0x306: {  	v15 =	vadd.f32 v15, v22;
	v22 =	vperm.xlane v11, v2;
	v21 =	vadd.f32 v21, v6  }
0x307: {  	v58 =	vperm.xlane v13, v2;
	v12 =	vadd.f32 v12, v57;
	v20 =	vadd.f32 v20, v60;
	s25 =	spop (v2sf)  }
0x308: {  	v50 =	vperm.xlane v14, v2;
	(v2sf) =	vpush v61, $0x0;
	v11 =	vadd.f32 v11, v22;
	s26 =	sand.u32 $0x7F, s25;
	s28 =	sadd.s32 $0x20, s25;
	s29 =	sadd.s32 $0x30, s25  }
0x309: {  	v22 =	vperm.xlane v15, v2;
	v13 =	vadd.f32 v13, v58;
	v62 =	vperm.xlane v21, v3;
	s30 =	sshll.u32 s25, $0x2;
	s1 =	sadd.s32 $0x10, s25;
	s31 =	sand.u32 $0x7F, s29  }
0x30a: {  	v14 =	vadd.f32 v14, v50;
	v6 =	vperm.xlane v12, v3;
	v52 =	vperm.xlane v11, v3;
	s8 =	sand.u32 $0xFFFFFE00, s30;
	s9 =	sand.u32 $0x7F, s28;
	s3 =	sshll.u32 s28, $0x2  }
0x30b: {  	v15 =	vadd.f32 v15, v22;
	v21 =	vadd.f32 v21, v62;
	v7 =	vperm.xlane v13, v3;
	s2 =	sshll.u32 s26, $0x2;
	s10 =	sand.u32 $0x7F, s1;
	s1 =	sshll.u32 s1, $0x2  }
0x30c: {  	v22 =	vld [tilespmem:s24+$0x1];
	v8 =	vperm.xlane v14, v3;
	v12 =	vadd.f32 v12, v6;
	s0 =	sor.u32 s2, s8;
	s1 =	sand.u32 $0xFFFFFE00, s1;
	s11 =	sshll.u32 s10, $0x2;
	v11 =	vadd.f32 v11, v52  }
0x30d: {  	s12 =	sand.u32 $0xFFFFFE00, s3;
	v9 =	vperm.xlane v15, v3;
	v13 =	vadd.f32 v13, v7;
	s0 =	sshra.s32 s0, $0x2;
	s1 =	sor.u32 s11, s1;
	v38 =	vmax.f32 v21, $1.000000000e-30  }
0x30e: {  	v63 =	vld [tilespmem:s24+$0x2];
	s13 =	sshll.u32 s9, $0x2;
	v14 =	vadd.f32 v14, v8;
	v18 =	vmax.f32 v12, $1.000000000e-30;
	s0 =	sadd.s32 $0x400, s0;
	s1 =	sshra.s32 s1, $0x2;
	v55 =	vshrl.u32 v38, $0x1  }
0x30f: {  	s16 =	sshll.u32 s29, $0x2;
	s15 =	sor.u32 s13, s12;
	v45 =	vmul.f32 $5.000000000e-01, v38;
	v57 =	vshrl.u32 v18, $0x1;
	v46 =	vmul.f32 $5.000000000e-01, v18;
	v4 =	vld [tilespmem:s0+$0xA780];
	s14 =	sadd.s32 $0x400, s1  }
0x310: {  	s18 =	sand.u32 $0xFFFFFE00, s16;
	s19 =	sshll.u32 s31, $0x2;
	s17 =	sshra.s32 s15, $0x2;
	v10 =	vadd.f32 v15, v9;
	v21 =	vmax.f32 v11, $1.000000000e-30;
	v19 =	vmax.f32 v14, $1.000000000e-30;
	v5 =	vld [tilespmem:s14+$0xA780]  }
0x311: {  	s0 =	sadd.s32 $0x400, s17;
	s1 =	sor.u32 s19, s18;
	v55 =	vsub.s32 $0x5F3759DF, v55;
	v57 =	vsub.s32 $0x5F3759DF, v57;
	(v2sf) =	vpush v22, $0x0  }
0x312: {  	v22 =	vmax.f32 v20, $1.000000000e-30;
	v20 =	vmax.f32 v13, $1.000000000e-30;
	v13 =	vld [tilespmem:s0+$0xA780];
	s20 =	sshra.s32 s1, $0x2;
	v56 =	vshrl.u32 v21, $0x1  }
0x313: {  	v51 =	vmul.f32 $5.000000000e-01, v21;
	v60 =	vshrl.u32 v19, $0x1;
	v52 =	vmul.f32 $5.000000000e-01, v19;
	s6 =	spop (v2sf);
	s0 =	sadd.s32 $0x400, s20  }
0x314: {  	v15 =	vmul.f32 v57, v46;
	(v2sf) =	vpush v63, $0x0;
	v23 =	vmax.f32 v10, $1.000000000e-30;
	s21 =	sadd.s32 $0x10, s6;
	v50 =	vld [tilespmem:s0+$0xA780]  }
0x315: {  	v53 =	vshrl.u32 v22, $0x1;
	s28 =	sshll.u32 s6, $0x2;
	s24 =	sand.u32 $0x7F, s21;
	v54 =	vmul.f32 v4, v4;
	v59 =	vmul.f32 v5, v5  }
0x316: {  	v49 =	vmul.f32 $5.000000000e-01, v22;
	v48 =	vmul.f32 $5.000000000e-01, v20;
	v58 =	vshrl.u32 v20, $0x1;
	s10 =	sshll.u32 s21, $0x2;
	s0 =	spop (v2sf);
	s5 =	sshll.u32 s24, $0x2  }
0x317: {  	v56 =	vsub.s32 $0x5F3759DF, v56;
	s22 =	sadd.s32 $0x10, s0;
	s1 =	spop (v2sf);
	s4 =	sand.u32 $0x7F, s0;
	v62 =	vmul.f32 v13, v13;
	v59 =	vadd.f32 v59, v54  }
0x318: {  	v63 =	vmul.f32 v55, v45;
	v60 =	vsub.s32 $0x5F3759DF, v60;
	v53 =	vsub.s32 $0x5F3759DF, v53;
	s9 =	sadd.s32 $0x10, s1;
	s7 =	spop (v2sf);
	s14 =	sand.u32 $0x7F, s22  }
0x319: {  	v16 =	vmul.f32 v56, v51;
	s20 =	sshll.u32 s22, $0x2;
	s22 =	sand.u32 $0x7F, s6;
	s2 =	sand.u32 $0x7F, s1;
	v14 =	vmul.f32 v50, v50;
	v59 =	vadd.f32 v62, v59  }
0x31a: {  	v58 =	vsub.s32 $0x5F3759DF, v58;
	v9 =	vmul.f32 v60, v52;
	v61 =	vmul.f32 v53, v49;
	s4 =	sshll.u32 s4, $0x2;
	s12 =	sadd.s32 $0x10, s7;
	s13 =	sand.u32 $0x7F, s9  }
0x31b: {  	v15 =	vmul.f32 v57, v15;
	v7 =	vmul.f32 v58, v48;
	s30 =	sshll.u32 s9, $0x2;
	s9 =	sand.u32 $0xFFFFFE00, s10;
	s20 =	sand.u32 $0xFFFFFE00, s20;
	v59 =	vadd.f32 v14, v59  }
0x31c: {  	v6 =	vshrl.u32 v23, $0x1;
	v63 =	vmul.f32 v55, v63;
	v61 =	vmul.f32 v53, v61;
	s10 =	sshll.u32 s14, $0x2;
	s14 =	sand.u32 $0x7F, s7;
	s22 =	sshll.u32 s22, $0x2  }
0x31d: {  	v16 =	vmul.f32 v56, v16;
	v15 =	vsub.f32 $1.500000000e+00, v15;
	s2 =	sshll.u32 s2, $0x2;
	s8 =	spop (v2sf);
	s15 =	sand.u32 $0x7F, s12;
	v8 =	vperm.xlane v59, v0  }
0x31e: {  	[tilespmem:$0x1FDE0] =	vst v13;
	v63 =	vsub.f32 $1.500000000e+00, v63;
	v13 =	vmul.f32 v60, v9;
	v61 =	vsub.f32 $1.500000000e+00, v61;
	s16 =	sshll.u32 s12, $0x2;
	s24 =	sor.u32 s5, s9;
	s5 =	sshll.u32 s1, $0x2  }
0x31f: {  	v15 =	vmul.f32 v57, v15;
	v54 =	vmul.f32 $5.000000000e-01, v23;
	s30 =	sand.u32 $0xFFFFFE00, s30;
	s10 =	sor.u32 s10, s20;
	s14 =	sshll.u32 s14, $0x2;
	v59 =	vadd.f32 v59, v8  }
0x320: {  	v55 =	vmul.f32 v55, v63;
	s19 =	sadd.s32 $0x10, s8;
	s11 =	sand.u32 $0xFFFFFE00, s16;
	s12 =	sshll.u32 s15, $0x2;
	v53 =	vmul.f32 v53, v61;
	v62 =	vsub.s32 $0x5F3759DF, v6  }
0x321: {  	v16 =	vsub.f32 $1.500000000e+00, v16;
	s16 =	sand.u32 $0x7F, s8;
	s5 =	sand.u32 $0xFFFFFE00, s5;
	s10 =	sshra.s32 s10, $0x2;
	v10 =	vmul.f32 v62, v54;
	v11 =	vperm.xlane v59, v1  }
0x322: {  	v13 =	vsub.f32 $1.500000000e+00, v13;
	s17 =	sand.u32 $0x7F, s19;
	s18 =	sshll.u32 s19, $0x2;
	s11 =	sor.u32 s12, s11;
	v14 =	vmul.f32 v58, v7;
	v63 =	vmul.f32 v53, v49  }
0x323: {  	v16 =	vmul.f32 v56, v16;
	s2 =	sor.u32 s2, s5;
	s15 =	sshll.u32 s17, $0x2;
	v61 =	vmul.f32 v62, v10;
	s23 =	spop (v2sf);
	v56 =	vadd.f32 v59, v11  }
0x324: {  	v9 =	vmul.f32 v15, v46;
	s11 =	sshra.s32 s11, $0x2;
	v14 =	vsub.f32 $1.500000000e+00, v14;
	v57 =	vmul.f32 v63, v53;
	s29 =	sadd.s32 $0x10, s23;
	s25 =	spop (v2sf)  }
0x325: {  	v17 =	vmul.f32 v60, v13;
	v61 =	vsub.f32 $1.500000000e+00, v61;
	s31 =	sadd.s32 $0x10, s25;
	s19 =	sand.u32 $0x7F, s29;
	s21 =	sshll.u32 s29, $0x2;
	v7 =	vperm.xlane v56, v2  }
0x326: {  	v6 =	vmul.f32 v55, v45;
	v14 =	vmul.f32 v58, v14;
	v57 =	vsub.f32 $1.500000000e+00, v57;
	s29 =	sshll.u32 s0, $0x2;
	s3 =	sand.u32 $0x7F, s31;
	s26 =	sshll.u32 s31, $0x2  }
0x327: {  	v8 =	vmul.f32 v16, v51;
	v58 =	vmul.f32 v62, v61;
	s31 =	sshll.u32 s13, $0x2;
	s13 =	sand.u32 $0xFFFFFE00, s18;
	s17 =	sand.u32 $0xFFFFFE00, s21;
	v56 =	vadd.f32 v56, v7  }
0x328: {  	v10 =	vmul.f32 v14, v48;
	v57 =	vmul.f32 v57, v53;
	s18 =	sshll.u32 s19, $0x2;
	s19 =	sshll.u32 s8, $0x2;
	s21 =	sand.u32 $0xFFFFFE00, s28  }
0x329: {  	s20 =	sor.u32 s31, s30;
	s30 =	sshll.u32 s7, $0x2;
	v59 =	vmul.f32 v6, v55;
	s13 =	sor.u32 s15, s13;
	v13 =	vperm.xlane v56, v3  }
0x32a: {  	v61 =	vmul.f32 v8, v16;
	v8 =	vmul.f32 v9, v15;
	s12 =	sor.u32 s18, s17;
	s17 =	sand.u32 $0x7F, s23;
	s15 =	sor.u32 s22, s21  }
0x32b: {  	v11 =	vmul.f32 v17, v52;
	s21 =	sshll.u32 s23, $0x2;
	s28 =	sand.u32 $0xFFFFFE00, s26;
	s3 =	sshll.u32 s3, $0x2;
	v59 =	vsub.f32 $1.500000000e+00, v59;
	v56 =	vadd.f32 v56, v13  }
0x32c: {  	v9 =	vmul.f32 v10, v14;
	v10 =	vsub.f32 $1.500000000e+00, v61;
	s31 =	sand.u32 $0xFFFFFE00, s29;
	s22 =	sand.u32 $0x7F, s25;
	s26 =	sshll.u32 s25, $0x2;
	v13 =	vsub.f32 $1.500000000e+00, v8  }
0x32d: {  	s19 =	sand.u32 $0xFFFFFE00, s19;
	s29 =	sshll.u32 s16, $0x2;
	s18 =	sor.u32 s4, s31;
	v59 =	vmul.f32 v59, v55;
	v7 =	vmul.f32 v58, v54;
	v55 =	vmax.f32 v56, $1.000000000e-30  }
0x32e: {  	v6 =	vpop (erf);
	s9 =	sor.u32 s3, s28;
	s28 =	sand.u32 $0xFFFFFE00, s30;
	s21 =	sand.u32 $0xFFFFFE00, s21;
	v13 =	vmul.f32 v13, v15;
	v15 =	vshrl.u32 v55, $0x1;
	v56 =	vmul.f32 $5.000000000e-01, v55  }
0x32f: {  	v49 =	vmul.f32 v57, v49;
	v62 =	vmul.f32 $8.000000000e+00, v6;
	s17 =	sshll.u32 s17, $0x2;
	s30 =	sadd.s32 $0x20, s6;
	s3 =	sand.u32 $0xFFFFFE00, s26;
	v15 =	vsub.s32 $0x5F3759DF, v15  }
0x330: {  	s4 =	sshll.u32 s22, $0x2;
	s31 =	sadd.s32 $0x20, s0;
	s26 =	sadd.s32 $0x20, s1;
	v53 =	vmul.f32 v7, v58;
	v8 =	vmul.f32 v15, v56  }
0x331: {  	s20 =	sshra.s32 s20, $0x2;
	s13 =	sshra.s32 s13, $0x2;
	s15 =	sshra.s32 s15, $0x2;
	v11 =	vmul.f32 v11, v17;
	v6 =	vsub.f32 $1.500000000e+00, v9;
	v16 =	vmul.f32 v10, v16  }
0x332: {  	s12 =	sshra.s32 s12, $0x2;
	s6 =	sadd.s32 $0x30, s6;
	s0 =	sadd.s32 $0x30, s0;
	v49 =	vmul.f32 v49, v57;
	v53 =	vsub.f32 $1.500000000e+00, v53;
	v9 =	vmul.f32 v15, v8  }
0x333: {  	s16 =	sor.u32 s14, s28;
	s14 =	sor.u32 s29, s19;
	s17 =	sor.u32 s17, s21;
	v14 =	vmul.f32 v6, v14;
	v51 =	vmul.f32 v16, v51  }
0x334: {  	s21 =	sand.u32 $0x7F, s30;
	s3 =	sor.u32 s4, s3;
	s28 =	sshll.u32 s30, $0x2;
	v49 =	vsub.f32 $1.500000000e+00, v49;
	v53 =	vmul.f32 v53, v58;
	v58 =	vsub.f32 $1.500000000e+00, v9  }
0x335: {  	s29 =	sand.u32 $0x7F, s31;
	s30 =	sshll.u32 s31, $0x2;
	s31 =	sadd.s32 $0x20, s7;
	v7 =	vsub.f32 $1.500000000e+00, v11;
	v45 =	vmul.f32 v59, v45;
	v48 =	vmul.f32 v14, v48  }
0x336: {  	s22 =	sand.u32 $0x7F, s26;
	s15 =	sadd.s32 $0x400, s15;
	s4 =	sand.u32 $0xFFFFFE00, s28;
	v51 =	vmul.f32 v51, v16;
	v15 =	vmul.f32 v15, v58  }
0x337: {  	s19 =	sshll.u32 s21, $0x2;
	s21 =	sand.u32 $0xFFFFFE00, s30;
	s5 =	sshll.u32 s29, $0x2;
	v49 =	vmul.f32 v49, v57;
	v17 =	vmul.f32 v7, v17  }
0x338: {  	s28 =	sshll.u32 s26, $0x2;
	s30 =	sand.u32 $0x7F, s31;
	s16 =	sshra.s32 s16, $0x2;
	v45 =	vmul.f32 v45, v59;
	v58 =	vmul.f32 v15, v56  }
0x339: {  	s17 =	sshra.s32 s17, $0x2;
	s29 =	sor.u32 s19, s4;
	s19 =	sor.u32 s5, s21;
	v48 =	vmul.f32 v48, v14;
	v52 =	vmul.f32 v17, v52  }
0x33a: {  	s4 =	sshll.u32 s31, $0x2;
	s21 =	sand.u32 $0xFFFFFE00, s28;
	s5 =	sshll.u32 s22, $0x2;
	v51 =	vsub.f32 $1.500000000e+00, v51;
	v46 =	vmul.f32 v13, v46;
	v58 =	vmul.f32 v58, v15  }
0x33b: {  	s31 =	sshll.u32 s30, $0x2;
	s28 =	sor.u32 s5, s21;
	s4 =	sand.u32 $0xFFFFFE00, s4;
	v45 =	vsub.f32 $1.500000000e+00, v45;
	v54 =	vmul.f32 v53, v54;
	v52 =	vmul.f32 v52, v17  }
0x33c: {  	s5 =	sadd.s32 $0x20, s8;
	s21 =	sadd.s32 $0x20, s23;
	s26 =	sor.u32 s31, s4;
	v22 =	vmul.f32 v49, v22;
	v46 =	vmul.f32 v46, v13;
	v10 =	vsub.f32 $1.500000000e+00, v58  }
0x33d: {  	s22 =	sand.u32 $0x7F, s5;
	s4 =	sshll.u32 s5, $0x2;
	s30 =	sand.u32 $0x7F, s21;
	v45 =	vmul.f32 v45, v59;
	v54 =	vmul.f32 v54, v53;
	v52 =	vsub.f32 $1.500000000e+00, v52  }
0x33e: {  	s5 =	sshll.u32 s21, $0x2;
	s4 =	sand.u32 $0xFFFFFE00, s4;
	s21 =	sshll.u32 s22, $0x2;
	v16 =	vmul.f32 v51, v16;
	v46 =	vsub.f32 $1.500000000e+00, v46;
	v11 =	vmul.f32 v10, v15  }
0x33f: {  	s22 =	sshll.u32 s30, $0x2;
	s31 =	sor.u32 s21, s4;
	s21 =	sand.u32 $0xFFFFFE00, s5;
	v38 =	vmul.f32 v45, v38;
	v17 =	vmul.f32 v52, v17;
	v15 =	vsub.f32 $1.500000000e+00, v54  }
0x340: {  	s5 =	sshra.s32 s24, $0x2;
	s24 =	sadd.s32 $0x20, s25;
	s4 =	sshra.s32 s2, $0x2;
	v48 =	vsub.f32 $1.500000000e+00, v48;
	v13 =	vmul.f32 v46, v13;
	v57 =	vmul.f32 v11, v56  }
0x341: {  	s2 =	sshra.s32 s14, $0x2;
	s14 =	sshra.s32 s3, $0x2;
	s3 =	sadd.s32 $0x30, s7;
	v58 =	vmul.f32 v15, v53;
	v15 =	vmul.f32 v16, v21;
	v16 =	vmax.f32 v22, $9.999999960e-13  }
0x342: {  	[tilespmem:$0x1FDC0] =	vst v4;
	s7 =	sadd.s32 $0x400, s20;
	s30 =	sor.u32 s22, s21;
	s21 =	sand.u32 $0x7F, s24;
	(erf) = vrcp.f32 v16;
	v16 =	vmul.f32 v57, v11  }
0x343: {  	[tilespmem:$0x1FDD0] =	vst v5;
	s22 =	sshll.u32 s24, $0x2;
	s24 =	sshra.s32 s9, $0x2;
	s9 =	sshra.s32 s18, $0x2;
	v14 =	vmul.f32 v48, v14;
	v17 =	vmul.f32 v17, v19  }
0x344: {  	s18 =	sadd.s32 $0x400, s5;
	s5 =	sadd.s32 $0x400, s10;
	s10 =	sadd.s32 $0x30, s1;
	v4 =	vld [tilespmem:s7+$0xA500];
	v13 =	vmul.f32 v13, v18;
	v21 =	vmax.f32 v38, $9.999999960e-13;
	v16 =	vsub.f32 $1.500000000e+00, v16  }
0x345: {  	s4 =	sadd.s32 $0x400, s4;
	s22 =	sand.u32 $0xFFFFFE00, s22;
	s21 =	sshll.u32 s21, $0x2;
	v59 =	vld [tilespmem:s18+$0xA400];
	v18 =	vmul.f32 v14, v20;
	v15 =	vmax.f32 v15, $9.999999960e-13;
	(erf) = vrcp.f32 v21  }
0x346: {  	v5 =	vld [tilespmem:s5+$0xA480];
	s5 =	sadd.s32 $0x30, s8;
	s8 =	sadd.s32 $0x400, s11;
	s11 =	sadd.s32 $0x400, s13;
	v13 =	vmax.f32 v13, $9.999999960e-13;
	(erf) = vrcp.f32 v15;
	v16 =	vmul.f32 v16, v11  }
0x347: {  	s13 =	sadd.s32 $0x400, s12;
	s9 =	sadd.s32 $0x400, s9;
	s20 =	sadd.s32 $0x400, s24;
	v60 =	vld [tilespmem:s8+$0xA580];
	v18 =	vmax.f32 v18, $9.999999960e-13;
	v19 =	vmul.f32 v58, v23;
	(erf) = vrcp.f32 v13  }
0x348: {  	s24 =	sadd.s32 $0x400, s16;
	s12 =	sand.u32 $0x7F, s0;
	s0 =	sshll.u32 s0, $0x2;
	v61 =	vld [tilespmem:s11+$0xA600];
	v17 =	vmax.f32 v17, $9.999999960e-13;
	(erf) = vrcp.f32 v18;
	v16 =	vmul.f32 v16, v55  }
0x349: {  	s16 =	sand.u32 $0x7F, s10;
	s1 =	sor.u32 s21, s22;
	s22 =	sand.u32 $0x7F, s6;
	v38 =	vld [tilespmem:s13+$0xA680];
	v18 =	vmax.f32 v19, $9.999999960e-13;
	(erf) = vrcp.f32 v17  }
0x34a: {  	s6 =	sshll.u32 s6, $0x2;
	s0 =	sand.u32 $0xFFFFFE00, s0;
	s21 =	sadd.s32 $0x400, s17;
	(erf) = vrcp.f32 v18;
	v18 =	vmax.f32 v16, $9.999999960e-13;
	v16 =	vld [tilespmem:s20+$0xA700];
	[tilespmem:$0x1FDF0] =	vst v59  }
0x34b: {  	s11 =	sshra.s32 s29, $0x2;
	s18 =	simm.s32 $0x0;
	s6 =	sand.u32 $0xFFFFFE00, s6;
	v6 =	vld [tilespmem:s15+$0xA400];
	[tilespmem:$0x1FE00] =	vst v5  }
0x34c: {  	s7 =	sshll.u32 s22, $0x2;
	s22 =	sand.u32 $0x7F, s3;
	s3 =	sshll.u32 s3, $0x2;
	v10 =	vld [tilespmem:s9+$0xA480];
	[tilespmem:$0x1FE10] =	vst v4  }
0x34d: {  	v37 =	vmul.f32 v62, v37;
	s7 =	sor.u32 s7, s6;
	s3 =	sand.u32 $0xFFFFFE00, s3;
	s13 =	sadd.s32 $0x400, s2;
	[tilespmem:$0x1FE20] =	vst v61  }
0x34e: {  	v56 =	vmul.f32 v4, v4;
	v23 =	vmul.f32 v62, v32;
	v63 =	vpop (erf);
	s20 =	sshll.u32 s10, $0x2;
	s10 =	sand.u32 $0x7F, s5;
	s5 =	sshll.u32 s5, $0x2;
	v4 =	vld [tilespmem:s24+$0xA580]  }
0x34f: {  	v32 =	vmul.f32 v62, v24;
	v54 =	vmul.f32 $8.000000000e+00, v63;
	s15 =	sshll.u32 s12, $0x2;
	s6 =	sand.u32 $0xFFFFFE00, s20;
	s5 =	sand.u32 $0xFFFFFE00, s5;
	v46 =	vld [tilespmem:s13+$0xA600]  }
0x350: {  	v48 =	vmul.f32 v62, v25;
	v49 =	vmul.f32 v59, v59;
	s2 =	sor.u32 s15, s0;
	s0 =	sshll.u32 s16, $0x2;
	s24 =	sadd.s32 $0x400, s14;
	v45 =	vld [tilespmem:s21+$0xA680];
	[tilespmem:s18+$0x127B0] =	vst v23  }
0x351: {  	(erf) = vrcp.f32 v18;
	v18 =	vpop (erf);
	s6 =	sor.u32 s0, s6;
	s0 =	sshll.u32 s22, $0x2;
	v27 =	vmul.f32 v54, v26;
	[tilespmem:s18+$0x12780] =	vst v32;
	s14 =	sadd.s32 $0x400, s11;
	v26 =	vld [tilespmem:s24+$0xA700]  }
0x352: {  	v55 =	vmul.f32 v5, v5;
	s13 =	sshra.s32 s19, $0x2;
	[tilespmem:s18+$0x12790] =	vst v48;
	v5 =	vpop (erf);
	s3 =	sor.u32 s0, s3;
	s0 =	sshll.u32 s10, $0x2;
	v23 =	vld [tilespmem:s14+$0xA400];
	v24 =	vmul.f32 v6, v6  }
0x353: {  	[tilespmem:s18+$0x127A0] =	vst v37;
	v59 =	vmul.f32 $8.000000000e+00, v5;
	v5 =	vld [tilespmem:s4+$0xA500];
	s12 =	sor.u32 s0, s5;
	s0 =	sadd.s32 $0x400, s13  }
0x354: {  	v29 =	vmul.f32 v54, v29;
	v9 =	vadd.f32 v49, v24;
	v24 =	vld [tilespmem:s0+$0xA480];
	[tilespmem:$0x1FE30] =	vst v4  }
0x355: {  	v28 =	vmul.f32 v54, v30;
	[tilespmem:s18+$0x12400] =	vst v27  }
0x356: {  	v7 =	vmul.f32 v54, v47;
	v11 =	vmul.f32 $8.000000000e+00, v18;
	[tilespmem:s18+$0x12410] =	vst v29  }
0x357: {  	[tilespmem:s18+$0x12420] =	vst v28  }
0x358: {  	v18 =	vpop (erf);
	v33 =	vmul.f32 v11, v33;
	[tilespmem:s18+$0x12430] =	vst v7  }
0x359: {  	v13 =	vpop (erf);
	v19 =	vmov v10;
	v25 =	vmul.f32 v10, v10;
	v10 =	vmul.f32 v4, v4;
	v4 =	vld [tilespmem:$0x1FE40]  }
0x35a: {  	v36 =	vmul.f32 v11, v36;
	v52 =	vpop (erf)  }
0x35b: {  	v51 =	vpop (erf);
	v27 =	vmul.f32 v11, v31;
	[tilespmem:s18+$0x12480] =	vst v33  }
0x35c: {  	v12 =	vmul.f32 v61, v61;
	v31 =	vmul.f32 v46, v46;
	v30 =	vpop (erf);
	[tilespmem:s18+$0x12490] =	vst v36  }
0x35d: {  	v30 =	vmul.f32 $8.000000000e+00, v30;
	[tilespmem:s18+$0x124A0] =	vst v27  }
0x35e: {  	v57 =	vadd.f32 v12, v31;
	v12 =	vmul.f32 v59, v35;
	v35 =	vmul.f32 v59, v4;
	v4 =	vld [tilespmem:$0x1FE50]  }
0x35f: {  	s21 =	sshra.s32 s30, $0x2  }
0x360: {  	s22 =	sadd.s32 $0x400, s21;
	v62 =	vmul.f32 $8.000000000e+00, v18;
	v50 =	vmul.f32 v30, v50  }
0x361: {  	v11 =	vmul.f32 v11, v34;
	v34 =	vld [tilespmem:s22+$0xA680];
	s22 =	simm.s32 $0x400;
	v8 =	vmul.f32 v5, v5  }
0x362: {  	[tilespmem:s22+$0x127B0] =	vst v50  }
0x363: {  	v54 =	vadd.f32 v56, v8;
	v8 =	vmul.f32 v62, v4;
	v4 =	vld [tilespmem:$0x1FE60];
	_ =	sdelay $0x1  }
0x364: {  	v58 =	vmul.f32 v60, v60;
	[tilespmem:s18+$0x124B0] =	vst v11  }
0x365: {  	v61 =	vmul.f32 v38, v38;
	v29 =	vmul.f32 v45, v45;
	[tilespmem:s18+$0x12500] =	vst v12  }
0x366: {  	[tilespmem:s18+$0x12510] =	vst v35  }
0x367: {  	v56 =	vadd.f32 v58, v10;
	v58 =	vadd.f32 v61, v29;
	v61 =	vmul.f32 v62, v4;
	v4 =	vld [tilespmem:$0x1FE70]  }
0x368: {  	s19 =	sshra.s32 s26, $0x2  }
0x369: {  	s16 =	sshra.s32 s28, $0x2;
	s9 =	sadd.s32 $0x400, s19;
	v33 =	vmul.f32 v59, v42  }
0x36a: {  	s1 =	sshra.s32 s1, $0x2;
	s8 =	sadd.s32 $0x400, s16;
	v53 =	vmul.f32 $8.000000000e+00, v13;
	v44 =	vmul.f32 v59, v44;
	v47 =	vld [tilespmem:s9+$0xA580]  }
0x36b: {  	s1 =	sadd.s32 $0x400, s1;
	s20 =	sshra.s32 s31, $0x2;
	s15 =	sadd.s32 $0x30, s23;
	v48 =	vld [tilespmem:s8+$0xA500];
	[tilespmem:s18+$0x12520] =	vst v33  }
0x36c: {  	s23 =	sshra.s32 s7, $0x2;
	s28 =	sadd.s32 $0x30, s25;
	s8 =	sadd.s32 $0x400, s20;
	v35 =	vmul.f32 v53, v4;
	v4 =	vld [tilespmem:$0x1FE80];
	[tilespmem:s18+$0x12530] =	vst v44  }
0x36d: {  	s17 =	sand.u32 $0x7F, s15;
	s26 =	sadd.s32 $0x400, s23;
	v14 =	vmul.f32 v16, v16;
	s5 =	sshll.u32 s15, $0x2;
	v40 =	vmul.f32 v62, v40;
	v49 =	vld [tilespmem:s8+$0xA600];
	[tilespmem:s18+$0x12580] =	vst v8  }
0x36e: {  	s24 =	sshra.s32 s2, $0x2;
	s5 =	sand.u32 $0xFFFFFE00, s5;
	s0 =	sshll.u32 s17, $0x2;
	v32 =	vmul.f32 v62, v43;
	v28 =	vmul.f32 v26, v26;
	v31 =	vld [tilespmem:s1+$0xA700];
	[tilespmem:s18+$0x12590] =	vst v61  }
0x36f: {  	v21 =	vmovc v60;
	v20 =	vmov v6;
	s4 =	sshra.s32 s12, $0x2;
	s0 =	sor.u32 s0, s5;
	v6 =	vmul.f32 v53, v39;
	s1 =	sadd.s32 $0x400, s24;
	v29 =	vld [tilespmem:s26+$0xA400];
	v10 =	vmul.f32 v47, v47;
	[tilespmem:s18+$0x125A0] =	vst v40  }
0x370: {  	s30 =	sand.u32 $0x7F, s28;
	s31 =	sadd.s32 $0x400, s4;
	v25 =	vadd.f32 v55, v25;
	v13 =	vmul.f32 v23, v23;
	s0 =	sshra.s32 s0, $0x2;
	v60 =	vadd.f32 v14, v28;
	v28 =	vld [tilespmem:s1+$0xA480];
	[tilespmem:s18+$0x125B0] =	vst v32  }
0x371: {  	s2 =	sshll.u32 s28, $0x2;
	s3 =	sshra.s32 s3, $0x2;
	s0 =	sadd.s32 $0x400, s0;
	v14 =	vmul.f32 v24, v24;
	v50 =	vld [tilespmem:s31+$0xA600];
	v12 =	vadd.f32 v10, v56;
	[tilespmem:s18+$0x12620] =	vst v6;
	v56 =	vmul.f32 v53, v4  }
0x372: {  	s2 =	sand.u32 $0xFFFFFE00, s2;
	s3 =	sadd.s32 $0x400, s3;
	v37 =	vadd.f32 v13, v9;
	s1 =	sshll.u32 s30, $0x2;
	v36 =	vld [tilespmem:s0+$0xA680];
	v9 =	vmul.f32 v48, v48;
	[tilespmem:s18+$0x12600] =	vst v35  }
0x373: {  	s29 =	sshra.s32 s6, $0x2;
	s1 =	sor.u32 s1, s2;
	v13 =	vmul.f32 v34, v34;
	v63 =	vadd.f32 v14, v25;
	v25 =	vld [tilespmem:s3+$0xA580];
	v14 =	vmul.f32 v31, v31;
	[tilespmem:s18+$0x12610] =	vst v56  }
0x374: {  	s5 =	sadd.s32 $0x400, s29;
	s1 =	sshra.s32 s1, $0x2;
	v42 =	vadd.f32 v9, v54;
	v11 =	vmul.f32 v49, v49;
	v4 =	vld [tilespmem:$0x1FE90]  }
0x375: {  	v27 =	vld [tilespmem:s5+$0xA500];
	s1 =	sadd.s32 $0x400, s1;
	v58 =	vadd.f32 v13, v58;
	v7 =	vmul.f32 v28, v28;
	v55 =	vadd.f32 v14, v60  }
0x376: {  	v54 =	vadd.f32 v11, v57;
	v11 =	vmul.f32 v50, v50;
	v33 =	vld [tilespmem:s1+$0xA700];
	v53 =	vmul.f32 v53, v41  }
0x377: {  	v10 =	vadd.f32 v7, v63;
	v62 =	vmul.f32 v29, v29;
	v35 =	vmul.f32 $8.000000000e+00, v52  }
0x378: {  	v14 =	vmul.f32 v36, v36;
	v9 =	vmul.f32 v25, v25;
	v54 =	vadd.f32 v11, v54;
	[tilespmem:s18+$0x12630] =	vst v53  }
0x379: {  	v13 =	vperm.xlane v10, v0;
	v37 =	vadd.f32 v62, v37;
	v52 =	vmul.f32 v35, v4;
	v4 =	vld [tilespmem:$0x1FEA0]  }
0x37a: {  	v43 =	vadd.f32 v9, v12;
	v63 =	vperm.xlane v54, v0;
	v8 =	vmul.f32 v27, v27  }
0x37b: {  	v12 =	vperm.xlane v37, v0;
	v59 =	vmul.f32 v33, v33  }
0x37c: {  	v40 =	vadd.f32 v14, v58;
	v61 =	vperm.xlane v43, v0;
	v42 =	vadd.f32 v8, v42  }
0x37d: {  	v32 =	vmul.f32 $8.000000000e+00, v51;
	v51 =	vadd.f32 v54, v63;
	v44 =	vadd.f32 v59, v55  }
0x37e: {  	v22 =	vmovc v5;
	v39 =	vadd.f32 v37, v12;
	v60 =	vperm.xlane v42, v0;
	v62 =	vmul.f32 v35, v4  }
0x37f: {  	v43 =	vadd.f32 v43, v61;
	v37 =	vperm.xlane v40, v0;
	v54 =	vperm.xlane v44, v0;
	[tilespmem:s18+$0x12680] =	vst v52  }
0x380: {  	s0 =	simm.s32 $0x8;
	s2 =	simm.s32 $0x16614;
	s1 =	simm.s32 $0x1000;
	v41 =	vadd.f32 v10, v13;
	v42 =	vadd.f32 v42, v60;
	v53 =	vperm.xlane v39, v1;
	[tilespmem:s18+$0x12690] =	vst v62  }
.LBB2_9:
0x381: {  	v52 =	vld [tilespmem:s2+$0x3];
	_ =	sdelay $0x4  }
0x382: {  	v53 =	vadd.f32 v39, v53;
	(v2sf) =	vpush v52, $0x0;
	_ =	sdelay $0x1  }
0x383: {  	v60 =	vperm.xlane v53, v2;
	_ =	sdelay $0x1  }
0x384: {  	v14 =	vadd.f32 v53, v60;
	v60 =	vld [tilespmem:s2+$0xFFFFFFFC];
	_ =	sdelay $0x1  }
0x385: {  	v57 =	vadd.f32 v40, v37;
	v37 =	vmov v38;
	v38 =	vld [tilespmem:s2+$0xFFFFFFFD];
	_ =	sdelay $0x1  }
0x386: {  	v40 =	vmov v46;
	v46 =	vld [tilespmem:s2+$0xFFFFFFFE]  }
0x387: {  	(v2sf) =	vpush v60, $0x0;
	_ =	sdelay $0x1  }
0x388: {  	v39 =	vmov v45;
	v45 =	vld [tilespmem:s2+$0xFFFFFFFF];
	(v2sf) =	vpush v38, $0x0  }
0x389: {  	[dreg:$0xa] =	wrdreg s18  }
0x38a: {  	[dreg:$0x8] =	wrdreg s2;
	s0 =	sadd.s32 $0x8, s0;
	v54 =	vadd.f32 v44, v54;
	v44 =	vmov v48;
	v48 =	vld [tilespmem:s2+$0x0];
	(v2sf) =	vpush v46, $0x0  }
0x38b: {  	s1 =	sadd.s32 $0x1000, s1;
	[dreg:$0x4] =	wrdreg s0  }
0x38c: {  	v59 =	vperm.xlane v51, v1;
	p0 =	slt.u32 s0, $0x78;
	[dreg:$0x6] =	wrdreg s1;
	s16 =	spop (v2sf)  }
0x38d: {  	s29 =	sshra.s32 s1, $0x2;
	(v2sf) =	vpush v45, $0x0;
	s17 =	sand.u32 $0x7F, s16;
	s18 =	sadd.s32 $0x20, s16  }
0x38e: {  	v56 =	vperm.xlane v42, v1;
	v51 =	vadd.f32 v51, v59;
	v59 =	vld [tilespmem:s2+$0x1];
	s3 =	sadd.s32 $0x30, s16;
	s4 =	sshll.u32 s16, $0x2;
	s0 =	sadd.s32 $0x10, s16  }
0x38f: {  	(v2sf) =	vpush v48, $0x0;
	s5 =	sand.u32 $0x7F, s3;
	s4 =	sand.u32 $0xFFFFFE00, s4;
	s6 =	sand.u32 $0x7F, s18  }
0x390: {  	v56 =	vadd.f32 v42, v56;
	v42 =	vmov v49;
	v49 =	vld [tilespmem:s2+$0x2];
	s2 =	sshll.u32 s18, $0x2;
	s1 =	sshll.u32 s17, $0x2;
	s7 =	sand.u32 $0x7F, s0  }
0x391: {  	s0 =	sshll.u32 s0, $0x2;
	s23 =	sshll.u32 s3, $0x2;
	s1 =	sor.u32 s1, s4  }
0x392: {  	s0 =	sand.u32 $0xFFFFFE00, s0;
	s19 =	sshll.u32 s7, $0x2;
	s2 =	sand.u32 $0xFFFFFE00, s2  }
0x393: {  	(v2sf) =	vpush v59, $0x0;
	s20 =	sshll.u32 s6, $0x2;
	s25 =	sand.u32 $0xFFFFFE00, s23;
	s26 =	sshll.u32 s5, $0x2  }
0x394: {  	s1 =	sshra.s32 s1, $0x2;
	s0 =	sor.u32 s19, s0;
	s21 =	sor.u32 s20, s2  }
0x395: {  	s1 =	sadd.s32 s29, s1;
	s0 =	sshra.s32 s0, $0x2;
	s28 =	spop (v2sf)  }
0x396: {  	s24 =	sshra.s32 s21, $0x2;
	v45 =	vld [tilespmem:s1+$0xA780];
	s1 =	sor.u32 s26, s25;
	s30 =	sadd.s32 $0x10, s28  }
0x397: {  	s15 =	spop (v2sf);
	s2 =	sand.u32 $0x7F, s28;
	s1 =	sshra.s32 s1, $0x2  }
0x398: {  	s31 =	sadd.s32 $0x10, s15;
	s7 =	sand.u32 $0x7F, s30;
	[smem:$0x7BD] =	sst s2  }
0x399: {  	v55 =	vperm.xlane v41, v1;
	s17 =	spop (v2sf);
	s6 =	sadd.s32 s29, s1;
	[smem:$0x7BA] =	sst s7  }
0x39a: {  	v58 =	vperm.xlane v43, v1;
	s9 =	sadd.s32 $0x10, s17;
	s1 =	sand.u32 $0x7F, s31;
	[dreg:$0x16] =	wrdreg s17  }
0x39b: {  	v55 =	vadd.f32 v41, v55;
	v5 =	vperm.xlane v57, v1;
	s0 =	sadd.s32 s29, s0;
	[smem:$0x7BB] =	sst s1;
	s3 =	sand.u32 $0x7F, s9  }
0x39c: {  	v58 =	vadd.f32 v43, v58;
	v4 =	vperm.xlane v54, v1;
	s8 =	spop (v2sf);
	s1 =	smov.u32 s28;
	[smem:$0x7BC] =	sst s3  }
0x39d: {  	v13 =	vperm.xlane v55, v2;
	v57 =	vadd.f32 v57, v5;
	v38 =	vld [tilespmem:s0+$0xA780];
	s0 =	sadd.s32 s29, s24;
	s2 =	smov.u32 s8;
	[dreg:$0x14] =	wrdreg s1  }
0x39e: {  	v52 =	vadd.f32 v54, v4;
	v7 =	vperm.xlane v58, v2;
	v8 =	vperm.xlane v51, v2;
	s7 =	sshll.u32 s30, $0x2;
	s19 =	spop (v2sf);
	[dreg:$0x18] =	wrdreg s2  }
0x39f: {  	v43 =	vmovc v47;
	v47 =	vadd.f32 v55, v13;
	v61 =	vperm.xlane v57, v2;
	(v2sf) =	vpush v49, $0x0;
	s11 =	sshll.u32 s15, $0x2;
	s7 =	sand.u32 $0xFFFFFE00, s7;
	[dreg:$0xc] =	wrdreg s19  }
0x3a0: {  	v6 =	vperm.xlane v56, v2;
	v54 =	vadd.f32 v58, v7;
	v10 =	vperm.xlane v14, v3;
	s30 =	sshll.u32 s31, $0x2;
	s10 =	sadd.s32 $0x10, s8;
	[smem:$0x7C0] =	sst s7  }
0x3a1: {  	v51 =	vadd.f32 v51, v8;
	v12 =	vperm.xlane v47, v3;
	v11 =	vadd.f32 v57, v61;
	s9 =	sshll.u32 s9, $0x2;
	s30 =	sand.u32 $0xFFFFFE00, s30;
	s7 =	sld [smem:$0x7BA]  }
0x3a2: {  	v41 =	vmovc v50;
	v53 =	vadd.f32 v56, v6;
	v50 =	vadd.f32 v14, v10;
	v14 =	vperm.xlane v54, v3;
	s12 =	sadd.s32 $0x10, s19;
	s25 =	spop (v2sf);
	[smem:$0x7C2] =	sst s30  }
0x3a3: {  	v6 =	vperm.xlane v51, v3;
	v47 =	vadd.f32 v47, v12;
	v7 =	vperm.xlane v11, v3;
	s21 =	sand.u32 $0x7F, s10;
	s3 =	smov.u32 s15;
	s30 =	sld [smem:$0x7BB]  }
0x3a4: {  	v9 =	vperm.xlane v52, v2;
	v56 =	vadd.f32 v54, v14;
	s23 =	sshll.u32 s10, $0x2;
	s5 =	sand.u32 $0x7F, s19;
	[dreg:$0x12] =	wrdreg s3  }
0x3a5: {  	v8 =	vadd.f32 v51, v6;
	v54 =	vmax.f32 v47, $1.000000000e-30;
	v55 =	vadd.f32 v11, v7;
	s10 =	sshll.u32 s17, $0x2;
	s9 =	sand.u32 $0xFFFFFE00, s9;
	[smem:$0x7BE] =	sst s5  }
0x3a6: {  	v51 =	vmax.f32 v56, $1.000000000e-30;
	v11 =	vshrl.u32 v54, $0x1;
	v56 =	vmul.f32 $5.000000000e-01, v54;
	s13 =	sadd.s32 $0x10, s25;
	[smem:$0x7C4] =	sst s9;
	s9 =	sand.u32 $0xFFFFFE00, s23  }
0x3a7: {  	v13 =	vperm.xlane v53, v3;
	v52 =	vadd.f32 v52, v9;
	v6 =	vsub.s32 $0x5F3759DF, v11;
	s20 =	sand.u32 $0x7F, s12;
	s23 =	sshll.u32 s21, $0x2;
	[smem:$0x7C6] =	sst s9  }
0x3a8: {  	v50 =	vmax.f32 v50, $1.000000000e-30;
	v49 =	vmul.f32 v6, v56;
	s24 =	sshll.u32 s12, $0x2;
	s12 =	sand.u32 $0x7F, s13;
	[smem:$0x7C7] =	sst s23  }
0x3a9: {  	v62 =	vperm.xlane v52, v3;
	v53 =	vadd.f32 v53, v13;
	v10 =	vshrl.u32 v50, $0x1;
	s26 =	sshll.u32 s13, $0x2;
	s13 =	smov.u32 s25;
	s9 =	sld [smem:$0x7BD]  }
0x3aa: {  	v47 =	vmax.f32 v55, $1.000000000e-30;
	v55 =	vmul.f32 $5.000000000e-01, v50;
	v49 =	vmul.f32 v6, v49;
	s23 =	sshll.u32 s20, $0x2;
	s20 =	sand.u32 $0xFFFFFE00, s10;
	s10 =	sld [smem:$0x7BE]  }
0x3ab: {  	v53 =	vmax.f32 v53, $1.000000000e-30;
	v9 =	vadd.f32 v52, v62;
	v5 =	vsub.s32 $0x5F3759DF, v10;
	s18 =	sand.u32 $0x7F, s17;
	s24 =	sand.u32 $0xFFFFFE00, s24;
	[dreg:$0xe] =	wrdreg s13  }
0x3ac: {  	v52 =	vmax.f32 v8, $1.000000000e-30;
	v48 =	vmul.f32 v5, v55;
	v15 =	vsub.f32 $1.500000000e+00, v49;
	v49 =	vld [tilespmem:s6+$0xA780];
	s6 =	sshll.u32 s1, $0x2;
	s4 =	sshll.u32 s19, $0x2;
	[smem:$0x7C8] =	sst s24  }
0x3ad: {  	v12 =	vshrl.u32 v53, $0x1;
	v57 =	vmul.f32 $5.000000000e-01, v53;
	v13 =	vshrl.u32 v51, $0x1;
	s24 =	sand.u32 $0xFFFFFE00, s26;
	s26 =	sshll.u32 s12, $0x2;
	s12 =	sand.u32 $0xFFFFFE00, s11  }
0x3ae: {  	v58 =	vmul.f32 $5.000000000e-01, v51;
	v8 =	vsub.s32 $0x5F3759DF, v13;
	v13 =	vmul.f32 v5, v48;
	v48 =	vld [tilespmem:s0+$0xA780];
	s11 =	sand.u32 $0xFFFFFE00, s4;
	s4 =	sadd.s32 $0x20, s1;
	s0 =	spop (v2sf)  }
0x3af: {  	v14 =	vshrl.u32 v52, $0x1;
	v46 =	vmax.f32 v9, $1.000000000e-30;
	v59 =	vmul.f32 $5.000000000e-01, v52;
	s1 =	sadd.s32 $0x20, s17;
	s17 =	sld [smem:$0x7C2];
	s5 =	sand.u32 $0x7F, s0  }
0x3b0: {  	v7 =	vsub.s32 $0x5F3759DF, v12;
	v62 =	vsub.s32 $0x5F3759DF, v14;
	v63 =	vshrl.u32 v47, $0x1;
	s24 =	sor.u32 s26, s24;
	[smem:$0x7BF] =	sst s5;
	s5 =	sshll.u32 s7, $0x2  }
0x3b1: {  	v60 =	vmul.f32 $5.000000000e-01, v47;
	v4 =	vshrl.u32 v46, $0x1;
	v61 =	vmul.f32 $5.000000000e-01, v46;
	s14 =	sadd.s32 $0x10, s0;
	s7 =	sshll.u32 s0, $0x2;
	[smem:$0x7C1] =	sst s5  }
0x3b2: {  	v9 =	vmul.f32 v7, v57;
	v10 =	vmul.f32 v8, v58;
	v63 =	vsub.s32 $0x5F3759DF, v63;
	s5 =	smov.u32 s0;
	s0 =	sshll.u32 s30, $0x2;
	s30 =	sld [smem:$0x7BC]  }
0x3b3: {  	v4 =	vsub.s32 $0x5F3759DF, v4;
	v11 =	vmul.f32 v62, v59;
	v12 =	vmul.f32 v63, v60;
	s16 =	sand.u32 $0x7F, s15;
	[smem:$0x7CF] =	sst s24  }
0x3b4: {  	v14 =	vmul.f32 v4, v61;
	v9 =	vmul.f32 v7, v9;
	s15 =	sand.u32 $0x7F, s8;
	s8 =	sshll.u32 s8, $0x2;
	[dreg:$0x10] =	wrdreg s5  }
0x3b5: {  	v10 =	vmul.f32 v8, v10;
	v11 =	vmul.f32 v62, v11;
	v13 =	vsub.f32 $1.500000000e+00, v13;
	s31 =	sshll.u32 s14, $0x2;
	[smem:$0x7C3] =	sst s0;
	s0 =	sshll.u32 s30, $0x2  }
0x3b6: {  	v12 =	vmul.f32 v63, v12;
	v14 =	vmul.f32 v4, v14;
	v9 =	vsub.f32 $1.500000000e+00, v9;
	s28 =	sand.u32 $0x7F, s14;
	s30 =	sand.u32 $0xFFFFFE00, s31;
	[smem:$0x7C5] =	sst s0  }
0x3b7: {  	v10 =	vsub.f32 $1.500000000e+00, v10;
	v11 =	vsub.f32 $1.500000000e+00, v11;
	v5 =	vmul.f32 v5, v13;
	s21 =	sand.u32 $0xFFFFFE00, s6;
	s31 =	sshll.u32 s28, $0x2;
	[smem:$0x7C9] =	sst s30  }
0x3b8: {  	v12 =	vsub.f32 $1.500000000e+00, v12;
	v13 =	vmul.f32 v45, v45;
	v17 =	vmul.f32 v38, v38;
	s25 =	sand.u32 $0x7F, s25;
	[smem:$0x7CA] =	sst s31;
	s0 =	sadd.s32 $0x20, s3  }
0x3b9: {  	v14 =	vsub.f32 $1.500000000e+00, v14;
	v7 =	vmul.f32 v7, v9;
	v8 =	vmul.f32 v8, v10;
	s3 =	sadd.s32 $0x20, s2;
	s2 =	sadd.s32 $0x20, s19;
	s19 =	sld [smem:$0x7C0]  }
0x3ba: {  	v6 =	vmul.f32 v6, v15;
	v15 =	vmul.f32 v48, v48;
	s25 =	sshll.u32 s25, $0x2;
	v13 =	vadd.f32 v17, v13;
	s14 =	sshll.u32 s13, $0x2;
	s30 =	sld [smem:$0x7C1]  }
0x3bb: {  	v9 =	vmul.f32 v62, v11;
	v12 =	vmul.f32 v63, v12;
	s31 =	sand.u32 $0xFFFFFE00, s8;
	s8 =	sand.u32 $0xFFFFFE00, s14;
	s14 =	sld [smem:$0x7BF]  }
0x3bc: {  	v4 =	vmul.f32 v4, v14;
	v62 =	vmul.f32 v49, v49;
	v10 =	vadd.f32 v15, v13;
	s28 =	sshll.u32 s9, $0x2;
	s26 =	sld [smem:$0x7C9];
	s8 =	sor.u32 s25, s8  }
0x3bd: {  	v14 =	vmul.f32 v7, v57;
	v11 =	vmul.f32 v6, v56;
	s8 =	sshra.s32 s8, $0x2;
	s30 =	sor.u32 s30, s19;
	s19 =	sld [smem:$0x7C3]  }
0x3be: {  	v63 =	vmul.f32 v12, v60;
	v18 =	vmul.f32 v4, v61;
	v10 =	vadd.f32 v62, v10;
	s6 =	sshll.u32 s14, $0x2;
	s14 =	sadd.s32 $0x20, s13;
	s13 =	sld [smem:$0x7C6]  }
0x3bf: {  	v14 =	vmul.f32 v14, v7;
	v11 =	vmul.f32 v11, v6;
	s9 =	sshll.u32 s15, $0x2;
	s15 =	sshll.u32 s10, $0x2;
	[dreg:$0x1c] =	wrdreg s8  }
0x3c0: {  	v63 =	vmul.f32 v63, v12;
	v62 =	vperm.xlane v10, v0;
	s10 =	sadd.s32 $0x20, s5;
	s5 =	sor.u32 s19, s17;
	s17 =	sld [smem:$0x7C4]  }
0x3c1: {  	v18 =	vmul.f32 v18, v4;
	v11 =	vsub.f32 $1.500000000e+00, v11;
	v13 =	vmul.f32 v5, v55;
	s19 =	sld [smem:$0x7C5]  }
0x3c2: {  	v63 =	vsub.f32 $1.500000000e+00, v63;
	v17 =	vmul.f32 v9, v59;
	v10 =	vadd.f32 v10, v62;
	s8 =	rddreg [dreg:$0x10]  }
0x3c3: {  	s16 =	sshll.u32 s16, $0x2;
	v6 =	vmul.f32 v11, v6;
	v13 =	vmul.f32 v13, v5;
	[smem:$0x7CB] =	sst s5  }
0x3c4: {  	v14 =	vsub.f32 $1.500000000e+00, v14;
	s18 =	sshll.u32 s18, $0x2;
	v11 =	vmul.f32 v63, v12;
	v62 =	vperm.xlane v10, v1;
	s5 =	sor.u32 s19, s17;
	s17 =	sld [smem:$0x7C7]  }
0x3c5: {  	s24 =	sor.u32 s16, s12;
	v15 =	vmul.f32 v8, v58;
	v17 =	vmul.f32 v17, v9;
	s7 =	sand.u32 $0xFFFFFE00, s7;
	v13 =	vsub.f32 $1.500000000e+00, v13;
	s12 =	sld [smem:$0x7CB]  }
0x3c6: {  	v63 =	vmul.f32 v6, v56;
	v60 =	vmul.f32 v11, v60;
	s16 =	sshll.u32 s3, $0x2;
	v10 =	vadd.f32 v10, v62;
	s25 =	sshra.s32 s30, $0x2;
	s19 =	sld [smem:$0x7C8]  }
0x3c7: {  	v15 =	vmul.f32 v15, v8;
	v5 =	vmul.f32 v13, v5;
	v62 =	vsub.f32 $1.500000000e+00, v17;
	[smem:$0x7CC] =	sst s5;
	s5 =	sor.u32 s17, s13;
	s17 =	sor.u32 s28, s21  }
0x3c8: {  	v13 =	vmul.f32 v63, v6;
	v17 =	vsub.f32 $1.500000000e+00, v18;
	v18 =	vperm.xlane v10, v2;
	s28 =	sld [smem:$0x7CA];
	s13 =	sor.u32 s18, s20;
	s18 =	sor.u32 s15, s11  }
0x3c9: {  	v9 =	vmul.f32 v62, v9;
	v62 =	vmul.f32 v5, v55;
	s15 =	sand.u32 $0x7F, s0;
	s21 =	sand.u32 $0x7F, s3;
	s11 =	rddreg [dreg:$0xa]  }
0x3ca: {  	v7 =	vmul.f32 v14, v7;
	v14 =	vmul.f32 v60, v11;
	v15 =	vsub.f32 $1.500000000e+00, v15;
	s3 =	sand.u32 $0x7F, s10;
	s20 =	sshra.s32 s12, $0x2;
	[smem:$0x7CD] =	sst s5  }
0x3cb: {  	v13 =	vsub.f32 $1.500000000e+00, v13;
	v10 =	vadd.f32 v10, v18;
	v12 =	vmul.f32 v62, v5;
	s5 =	sor.u32 s23, s19;
	s23 =	sshll.u32 s2, $0x2;
	s13 =	sshra.s32 s13, $0x2  }
0x3cc: {  	v8 =	vmul.f32 v15, v8;
	v15 =	vmul.f32 v7, v57;
	[smem:$0x7CE] =	sst s5;
	s5 =	sor.u32 s6, s7;
	s7 =	sshll.u32 s4, $0x2  }
0x3cd: {  	v6 =	vmul.f32 v13, v6;
	v56 =	vperm.xlane v10, v3;
	v12 =	vsub.f32 $1.500000000e+00, v12;
	s6 =	sshll.u32 s0, $0x2;
	s0 =	sshll.u32 s14, $0x2;
	s30 =	sld [smem:$0x7CD]  }
0x3ce: {  	v4 =	vmul.f32 v17, v4;
	v17 =	vmul.f32 v8, v58;
	[smem:$0x7D3] =	sst s13;
	s19 =	sor.u32 s28, s26;
	s28 =	sor.u32 s9, s31  }
0x3cf: {  	v6 =	vmul.f32 v6, v54;
	v10 =	vadd.f32 v10, v56;
	v5 =	vmul.f32 v12, v5;
	s26 =	sand.u32 $0x7F, s2;
	s2 =	sand.u32 $0x7F, s14;
	s14 =	sld [smem:$0x7CC]  }
0x3d0: {  	v14 =	vsub.f32 $1.500000000e+00, v14;
	v63 =	vld [tilespmem:$0x1FD80];
	v18 =	vmul.f32 v9, v59;
	v61 =	vmul.f32 v4, v61;
	s31 =	sand.u32 $0x7F, s4;
	s12 =	sld [smem:$0x7CE];
	s5 =	sshra.s32 s5, $0x2  }
0x3d1: {  	v62 =	vmul.f32 v15, v7;
	v55 =	vmax.f32 v10, $1.000000000e-30;
	v5 =	vmul.f32 v5, v50;
	s9 =	sand.u32 $0x7F, s1;
	s13 =	sand.u32 $0xFFFFFE00, s6;
	[dreg:$0x1d] =	wrdreg s5  }
0x3d2: {  	v15 =	vmul.f32 v17, v8;
	v17 =	vshrl.u32 v55, $0x1;
	v57 =	vmul.f32 $5.000000000e-01, v55;
	s4 =	sshll.u32 s1, $0x2;
	s1 =	sshll.u32 s10, $0x2;
	[dreg:$0x1b] =	wrdreg s13  }
0x3d3: {  	v18 =	vmul.f32 v18, v9;
	v17 =	vsub.s32 $0x5F3759DF, v17;
	s19 =	sshra.s32 s19, $0x2;
	v5 =	vmax.f32 v5, $9.999999960e-13;
	s5 =	sshll.u32 s21, $0x2;
	s21 =	rddreg [dreg:$0x14]  }
0x3d4: {  	v15 =	vsub.f32 $1.500000000e+00, v15;
	v58 =	vmul.f32 v17, v57;
	s10 =	sshra.s32 s30, $0x2;
	s30 =	sshra.s32 s17, $0x2;
	s17 =	sld [smem:$0x7CF];
	(erf) = vrcp.f32 v5;
	v5 =	vld [tilespmem:$0x1FDA0]  }
0x3d5: {  	v60 =	vmovc v34;
	v59 =	vmul.f32 v35, v63;
	v56 =	vmul.f32 v61, v4;
	v18 =	vsub.f32 $1.500000000e+00, v18;
	s28 =	sshra.s32 s28, $0x2;
	[smem:$0x7D2] =	sst s19  }
0x3d6: {  	[tilespmem:$0x1FD80] =	vst v60;
	v8 =	vmul.f32 v15, v8;
	v10 =	vsub.f32 $1.500000000e+00, v62;
	s4 =	sand.u32 $0xFFFFFE00, s4;
	[smem:$0x7D4] =	sst s28;
	v60 =	vmul.f32 v17, v58  }
0x3d7: {  	v63 =	vmul.f32 v14, v11;
	v61 =	vsub.f32 $1.500000000e+00, v56;
	v9 =	vmul.f32 v18, v9;
	[smem:$0x7D7] =	sst s4  }
0x3d8: {  	v8 =	vmul.f32 v8, v51;
	v7 =	vmul.f32 v10, v7;
	s19 =	sand.u32 $0xFFFFFE00, s23;
	s23 =	rddreg [dreg:$0x12];
	v62 =	vsub.f32 $1.500000000e+00, v60  }
0x3d9: {  	s24 =	sshra.s32 s24, $0x2;
	v4 =	vmul.f32 v61, v4;
	s4 =	rddreg [dreg:$0xe];
	v5 =	vmul.f32 v35, v5  }
0x3da: {  	s7 =	sand.u32 $0xFFFFFE00, s7;
	s31 =	sshll.u32 s31, $0x2;
	[smem:$0x7D0] =	sst s10;
	v7 =	vmul.f32 v7, v53;
	v34 =	vmul.f32 v17, v62  }
0x3db: {  	v6 =	vmax.f32 v6, $9.999999960e-13;
	v9 =	vmul.f32 v9, v52;
	v10 =	vmul.f32 v63, v47;
	s28 =	sshll.u32 s26, $0x2;
	s26 =	sand.u32 $0xFFFFFE00, s0;
	[smem:$0x7D1] =	sst s30;
	[tilespmem:s11+$0x126B0] =	vst v5;
	v5 =	vld [tilespmem:$0x1FD70]  }
0x3dc: {  	s0 =	sadd.s32 $0x30, s8;
	s30 =	sshra.s32 s18, $0x2;
	[smem:$0x7D9] =	sst s19;
	(erf) = vrcp.f32 v6;
	v7 =	vmax.f32 v7, $9.999999960e-13;
	v50 =	vmul.f32 v34, v57  }
0x3dd: {  	v14 =	vld [tilespmem:$0x1FDB0];
	v8 =	vmax.f32 v8, $9.999999960e-13;
	s18 =	sshll.u32 s9, $0x2;
	v4 =	vmul.f32 v4, v46;
	s9 =	sshll.u32 s2, $0x2;
	s2 =	rddreg [dreg:$0x18];
	(erf) = vrcp.f32 v7  }
0x3de: {  	s14 =	sshra.s32 s14, $0x2;
	s10 =	sshra.s32 s12, $0x2;
	v9 =	vmax.f32 v9, $9.999999960e-13;
	[smem:$0x7D5] =	sst s30;
	(erf) = vrcp.f32 v8;
	v62 =	vld [tilespmem:$0x1FDC0];
	v12 =	vmul.f32 v50, v34  }
0x3df: {  	v54 =	vmovc v36;
	v47 =	vld [tilespmem:$0x1FDD0];
	v10 =	vmax.f32 v10, $9.999999960e-13;
	s19 =	sadd.s32 s29, s25;
	s25 =	smov.u32 s11;
	[smem:$0x7D8] =	sst s18;
	v4 =	vmax.f32 v4, $9.999999960e-13;
	(erf) = vrcp.f32 v9  }
0x3e0: {  	[tilespmem:$0x1FDA0] =	vst v54;
	v54 =	vld [tilespmem:$0x1FDE0];
	s18 =	sand.u32 $0xFFFFFE00, s16;
	s30 =	sadd.s32 $0x30, s21;
	s16 =	sadd.s32 $0x30, s23;
	(erf) = vrcp.f32 v10;
	v12 =	vsub.f32 $1.500000000e+00, v12;
	v5 =	vmul.f32 v32, v5  }
0x3e1: {  	s6 =	sadd.s32 $0x30, s2;
	s21 =	sadd.s32 s29, s20;
	s23 =	sld [smem:$0x7D0];
	(erf) = vrcp.f32 v4;
	v4 =	vld [tilespmem:$0x1FD90]  }
0x3e2: {  	s10 =	sadd.s32 s29, s10;
	s20 =	sld [smem:$0x7D2];
	s12 =	sshra.s32 s17, $0x2;
	v11 =	vmul.f32 v12, v34;
	[tilespmem:s11+$0x12700] =	vst v5;
	v5 =	vld [tilespmem:$0x1FD60]  }
0x3e3: {  	[tilespmem:s11+$0x126A0] =	vst v59;
	v56 =	vmov v26;
	v36 =	vld [tilespmem:s19+$0xA400];
	s17 =	sshll.u32 s15, $0x2;
	s15 =	sand.u32 $0xFFFFFE00, s1;
	s1 =	rddreg [dreg:$0x16];
	v63 =	vmul.f32 v30, v62  }
0x3e4: {  	s8 =	sadd.s32 s29, s14;
	v52 =	vld [tilespmem:s10+$0xA600];
	[smem:$0x7D6] =	sst s17;
	s14 =	sadd.s32 s29, s23;
	[tilespmem:$0x1FD70] =	vst v56;
	v58 =	vmul.f32 v11, v57  }
0x3e5: {  	s9 =	sor.u32 s9, s26;
	s17 =	sshll.u32 s3, $0x2;
	s3 =	rddreg [dreg:$0xc];
	v60 =	vmov v16;
	v51 =	vld [tilespmem:s14+$0xA580];
	[tilespmem:s22+$0x12780] =	vst v63  }
0x3e6: {  	s18 =	sor.u32 s5, s18;
	s19 =	sadd.s32 s29, s12;
	s12 =	sld [smem:$0x7D1];
	v15 =	vmul.f32 v32, v4;
	v4 =	vmov v48;
	[tilespmem:$0x1FD60] =	vst v60;
	v34 =	vld [tilespmem:s21+$0xA480];
	v6 =	vmul.f32 v58, v11  }
0x3e7: {  	s5 =	sand.u32 $0x7F, s16;
	s16 =	sshll.u32 s16, $0x2;
	s21 =	sld [smem:$0x7D3];
	[tilespmem:$0x1FDE0] =	vst v4;
	v59 =	vmul.f32 v32, v5;
	v5 =	vmov v31  }
0x3e8: {  	s13 =	sadd.s32 $0x30, s1;
	s1 =	sadd.s32 $0x30, s4;
	s4 =	sld [smem:$0x7D5];
	v7 =	vmul.f32 v32, v14;
	v9 =	vmul.f32 v30, v54;
	v31 =	vld [tilespmem:s8+$0xA500];
	[tilespmem:$0x1FD90] =	vst v5;
	v61 =	vsub.f32 $1.500000000e+00, v6  }
0x3e9: {  	s26 =	sshra.s32 s9, $0x2;
	s14 =	rddreg [dreg:$0x1d];
	s23 =	sadd.s32 s29, s12;
	v56 =	vmov v38;
	v38 =	vld [tilespmem:s19+$0xA680];
	v18 =	vmul.f32 v52, v52;
	v50 =	vmul.f32 v30, v47;
	[tilespmem:s11+$0x12710] =	vst v59  }
0x3ea: {  	s12 =	sadd.s32 s29, s24;
	s24 =	sld [smem:$0x7D4];
	v63 =	vmul.f32 v51, v51;
	v60 =	vld [tilespmem:s23+$0xA400];
	s11 =	sadd.s32 s29, s21;
	[tilespmem:s25+$0x12720] =	vst v15;
	v4 =	vmul.f32 v61, v11;
	v5 =	vpop (erf)  }
0x3eb: {  	s20 =	sadd.s32 s29, s20;
	v58 =	vmul.f32 v34, v34;
	s21 =	sor.u32 s31, s7;
	s31 =	sld [smem:$0x7D6];
	[tilespmem:s25+$0x12730] =	vst v7;
	v7 =	vmul.f32 v36, v36;
	v17 =	vld [tilespmem:s11+$0xA500];
	v57 =	vpop (erf)  }
0x3ec: {  	v46 =	vmov v33;
	s2 =	sadd.s32 $0x30, s3;
	s3 =	sadd.s32 s29, s4;
	s7 =	rddreg [dreg:$0x1c];
	v5 =	vmul.f32 $8.000000000e+00, v5;
	v16 =	vld [tilespmem:s20+$0xA700];
	v30 =	vmul.f32 v4, v55;
	v59 =	vpop (erf)  }
0x3ed: {  	v35 =	vmov v45;
	s8 =	sadd.s32 s29, s24;
	s24 =	rddreg [dreg:$0x1b];
	s4 =	sadd.s32 s29, s7;
	v61 =	vmul.f32 v31, v31;
	v62 =	vpop (erf);
	v8 =	vmul.f32 $8.000000000e+00, v59;
	v59 =	vld [tilespmem:$0x1FDF0]  }
0x3ee: {  	[tilespmem:$0x1FDB0] =	vst v46;
	v54 =	vld [tilespmem:$0x1FE10];
	s7 =	sadd.s32 s29, s14;
	s14 =	sor.u32 s31, s24;
	s24 =	sld [smem:$0x7D7];
	v6 =	vmul.f32 $8.000000000e+00, v57;
	v26 =	vmax.f32 v30, $9.999999960e-13;
	v15 =	vpop (erf);
	v30 =	vmul.f32 v38, v38  }
0x3ef: {  	s18 =	sshra.s32 s18, $0x2;
	s16 =	sand.u32 $0xFFFFFE00, s16;
	[tilespmem:$0x1FDC0] =	vst v35;
	v13 =	vld [tilespmem:s12+$0xA480];
	s31 =	sld [smem:$0x7D8];
	v53 =	vmul.f32 $8.000000000e+00, v15;
	v15 =	vmul.f32 v60, v60  }
0x3f0: {  	s5 =	sshll.u32 s5, $0x2;
	s15 =	sor.u32 s17, s15;
	s17 =	sand.u32 $0x7F, s30;
	[tilespmem:$0x1FDD0] =	vst v56;
	v45 =	vld [tilespmem:s4+$0xA680];
	v33 =	vmul.f32 $8.000000000e+00, v62;
	(erf) = vrcp.f32 v26  }
0x3f1: {  	s18 =	sadd.s32 s29, s18;
	s5 =	sor.u32 s5, s16;
	[tilespmem:s22+$0x127A0] =	vst v9;
	v46 =	vld [tilespmem:s3+$0xA600];
	s23 =	sand.u32 $0x7F, s2;
	v57 =	vmul.f32 v17, v17;
	v7 =	vadd.f32 v7, v15;
	v15 =	vmul.f32 v5, v20  }
0x3f2: {  	[tilespmem:s22+$0x12790] =	vst v50;
	v50 =	vld [tilespmem:s8+$0xA580];
	s21 =	sshra.s32 s21, $0x2;
	s24 =	sor.u32 s31, s24;
	s31 =	sshll.u32 s30, $0x2;
	v4 =	vpop (erf);
	v56 =	vmul.f32 v16, v16;
	v11 =	vmul.f32 v5, v59  }
0x3f3: {  	s20 =	sand.u32 $0x7F, s13;
	v26 =	vld [tilespmem:s7+$0xA700];
	v35 =	vmul.f32 $8.000000000e+00, v4;
	s30 =	sand.u32 $0xFFFFFE00, s31;
	s31 =	sshll.u32 s17, $0x2;
	[tilespmem:s22+$0x12400] =	vst v15;
	v15 =	vmul.f32 v5, v23  }
0x3f4: {  	v4 =	vmul.f32 v13, v13;
	s17 =	sshll.u32 s20, $0x2;
	s20 =	sshll.u32 s23, $0x2;
	s23 =	sadd.s32 s29, s21;
	v5 =	vmul.f32 v5, v29;
	[tilespmem:s22+$0x12410] =	vst v11  }
0x3f5: {  	s5 =	sshra.s32 s5, $0x2;
	s11 =	sand.u32 $0x7F, s1;
	s1 =	sshll.u32 s1, $0x2;
	v62 =	vmul.f32 v45, v45;
	v20 =	vmovc v60;
	v60 =	vmov v36;
	v9 =	vadd.f32 v61, v57;
	v23 =	vld [tilespmem:s23+$0xA400];
	[tilespmem:s22+$0x12420] =	vst v15  }
0x3f6: {  	s1 =	sand.u32 $0xFFFFFE00, s1;
	s11 =	sshll.u32 s11, $0x2;
	s14 =	sshra.s32 s14, $0x2;
	v61 =	vmul.f32 v46, v46;
	v4 =	vadd.f32 v58, v4;
	v15 =	vmul.f32 v6, v19;
	[tilespmem:s22+$0x12430] =	vst v5;
	v5 =	vld [tilespmem:$0x1FE00]  }
0x3f7: {  	v47 =	vld [tilespmem:s18+$0xA580];
	s1 =	sor.u32 s11, s1;
	s14 =	sadd.s32 s29, s14;
	s24 =	sshra.s32 s24, $0x2;
	v58 =	vmul.f32 v50, v50;
	[tilespmem:$0x1FDF0] =	vst v60;
	v19 =	vmov v13;
	v13 =	vmul.f32 v8, v54  }
0x3f8: {  	s25 =	sld [smem:$0x7D9];
	s1 =	sshra.s32 s1, $0x2;
	v48 =	vpop (erf);
	s24 =	sadd.s32 s29, s24;
	v29 =	vld [tilespmem:s14+$0xA480];
	v36 =	vmul.f32 v26, v26;
	[tilespmem:s22+$0x12480] =	vst v15;
	v15 =	vmul.f32 v6, v24  }
0x3f9: {  	s12 =	sand.u32 $0x7F, s6;
	s6 =	sshll.u32 s6, $0x2;
	s1 =	sadd.s32 s29, s1;
	v32 =	vmul.f32 $8.000000000e+00, v48;
	v48 =	vld [tilespmem:s24+$0xA500];
	v60 =	vmul.f32 v35, v37;
	v10 =	vadd.f32 v63, v58;
	[tilespmem:s22+$0x12510] =	vst v13  }
0x3fa: {  	s18 =	smov.u32 s22;
	s2 =	sshll.u32 s2, $0x2;
	s4 =	sadd.s32 s29, s26;
	v63 =	vadd.f32 v18, v61;
	v12 =	vadd.f32 v56, v36;
	v36 =	vld [tilespmem:s1+$0xA680];
	v18 =	vpop (erf);
	[tilespmem:s22+$0x124A0] =	vst v15  }
0x3fb: {  	s6 =	sand.u32 $0xFFFFFE00, s6;
	s2 =	sand.u32 $0xFFFFFE00, s2;
	s28 =	sor.u32 s28, s25;
	v14 =	vadd.f32 v30, v62;
	v30 =	vmul.f32 $8.000000000e+00, v18;
	v18 =	vmovc v34;
	v34 =	vld [tilespmem:s4+$0xA680];
	[tilespmem:s18+$0x12690] =	vst v60;
	v5 =	vmul.f32 v6, v5  }
0x3fc: {  	s12 =	sshll.u32 s12, $0x2;
	v55 =	vld [tilespmem:$0x1FE30];
	s25 =	sshra.s32 s28, $0x2;
	s2 =	sor.u32 s20, s2;
	[tilespmem:$0x1FE00] =	vst v18;
	v6 =	vmul.f32 v6, v28  }
0x3fd: {  	s13 =	sshll.u32 s13, $0x2;
	s3 =	sadd.s32 s29, s25;
	v57 =	vmul.f32 v53, v40;
	s2 =	sshra.s32 s2, $0x2;
	v58 =	vld [tilespmem:$0x1FE20];
	v15 =	vmul.f32 v8, v44;
	[tilespmem:s22+$0x12490] =	vst v5  }
0x3fe: {  	s28 =	sshra.s32 s15, $0x2;
	s10 =	sor.u32 s31, s30;
	s2 =	sadd.s32 s29, s2;
	v18 =	vmul.f32 v30, v49;
	v49 =	vld [tilespmem:s3+$0xA600];
	v5 =	vmul.f32 v8, v22;
	[tilespmem:s22+$0x124B0] =	vst v6  }
0x3ff: {  	s13 =	sand.u32 $0xFFFFFE00, s13;
	s9 =	sadd.s32 s29, s28;
	s10 =	sshra.s32 s10, $0x2;
	v22 =	vmovc v17;
	v17 =	vmov v31;
	v8 =	vmul.f32 v8, v27;
	v27 =	vmov v50;
	v50 =	vld [tilespmem:s2+$0xA600];
	[tilespmem:s18+$0x12600] =	vst v57  }
0x400: {  	s6 =	sor.u32 s12, s6;
	s7 =	sor.u32 s17, s13;
	v59 =	vmul.f32 v53, v41;
	s26 =	sadd.s32 s29, s10;
	v31 =	vld [tilespmem:s9+$0xA700];
	[tilespmem:$0x1FE10] =	vst v17;
	v17 =	vmul.f32 v23, v23  }
0x401: {  	s6 =	sshra.s32 s6, $0x2;
	s28 =	sadd.s32 s29, s5;
	s25 =	sshra.s32 s7, $0x2;
	v56 =	vmul.f32 v33, v43;
	v24 =	vmov v29;
	[tilespmem:s29+$0x127B0] =	vst v18;
	v18 =	vmul.f32 v29, v29;
	v29 =	vld [tilespmem:s26+$0xA400]  }
0x402: {  	s8 =	sand.u32 $0x7F, s0;
	s0 =	sshll.u32 s0, $0x2;
	s3 =	sadd.s32 s29, s25;
	v6 =	vmul.f32 v33, v55;
	v28 =	vld [tilespmem:s28+$0xA480];
	[tilespmem:s22+$0x12500] =	vst v5;
	v7 =	vadd.f32 v17, v7;
	v17 =	vmul.f32 v48, v48  }
0x403: {  	s0 =	sand.u32 $0xFFFFFE00, s0;
	s8 =	sshll.u32 s8, $0x2;
	s30 =	sadd.s32 s29, s6;
	[tilespmem:$0x1FE30] =	vst v27;
	v5 =	vmul.f32 v33, v21;
	v4 =	vadd.f32 v18, v4;
	v18 =	vmul.f32 v47, v47;
	v27 =	vld [tilespmem:s3+$0xA500]  }
0x404: {  	s0 =	sor.u32 s8, s0;
	[tilespmem:s22+$0x12520] =	vst v15;
	v15 =	vmul.f32 v33, v25;
	v25 =	vld [tilespmem:s30+$0xA580];
	v9 =	vadd.f32 v17, v9;
	v17 =	vmul.f32 v49, v49  }
0x405: {  	s0 =	sshra.s32 s0, $0x2;
	[tilespmem:s18+$0x12580] =	vst v6;
	v6 =	vmul.f32 v53, v58;
	v10 =	vadd.f32 v18, v10;
	v18 =	vmul.f32 v34, v34  }
0x406: {  	s0 =	sadd.s32 s29, s0;
	[tilespmem:s18+$0x12630] =	vst v59;
	v21 =	vmul.f32 v29, v29;
	v11 =	vadd.f32 v17, v63;
	v17 =	vmul.f32 v31, v31  }
0x407: {  	v33 =	vld [tilespmem:s0+$0xA700];
	[tilespmem:s18+$0x12590] =	vst v5;
	v5 =	vmul.f32 v53, v42;
	v14 =	vadd.f32 v18, v14;
	v18 =	vmul.f32 v28, v28  }
0x408: {  	[tilespmem:s18+$0x125A0] =	vst v56;
	v7 =	vadd.f32 v21, v7;
	v12 =	vadd.f32 v17, v12;
	v17 =	vmul.f32 v27, v27  }
0x409: {  	[tilespmem:s18+$0x125B0] =	vst v15;
	v15 =	vmul.f32 v35, v39;
	v4 =	vadd.f32 v18, v4;
	v18 =	vmul.f32 v25, v25  }
0x40a: {  	[tilespmem:s18+$0x12530] =	vst v8;
	v21 =	vperm.xlane v7, v0;
	v9 =	vadd.f32 v17, v9;
	v17 =	vmul.f32 v50, v50  }
0x40b: {  	[tilespmem:s18+$0x12610] =	vst v6;
	v61 =	vperm.xlane v4, v0;
	v10 =	vadd.f32 v18, v10;
	v18 =	vmul.f32 v36, v36  }
.Ltmp4:
0x40c: {  	[tilespmem:s18+$0x12620] =	vst v5;
	v39 =	vadd.f32 v7, v21;
	v11 =	vadd.f32 v17, v11;
	v17 =	vmul.f32 v33, v33;
	(pc) =	sbr.rel @p0 .LBB2_9-.Ltmp4, $4  }
0x40d: {  	[tilespmem:s18+$0x12680] =	vst v15;
	v5 =	vperm.xlane v9, v0;
	v62 =	vperm.xlane v10, v0;
	v40 =	vadd.f32 v18, v14  }
0x40e: {  	s31 =	rddreg [dreg:$0x8];
	v41 =	vadd.f32 v4, v61;
	v4 =	vmovc v52;
	v63 =	vperm.xlane v11, v0;
	v44 =	vadd.f32 v17, v12  }
0x40f: {  	s1 =	rddreg [dreg:$0x6];
	v21 =	vmovc v51;
	v53 =	vperm.xlane v39, v1;
	v42 =	vadd.f32 v9, v5;
	v43 =	vadd.f32 v10, v62  }
0x410: {  	s2 =	sadd.s32 $0x8, s31;
	s22 =	smov.u32 s29;
	s0 =	rddreg [dreg:$0x4];
	[tilespmem:$0x1FE20] =	vst v4;
	v37 =	vperm.xlane v40, v0;
	v51 =	vadd.f32 v11, v63;
	v54 =	vperm.xlane v44, v0  }
0x411: {  	v4 =	vperm.xlane v41, v1;
	v5 =	vperm.xlane v42, v1;
	v10 =	vadd.f32 v39, v53  }
0x412: {  	v7 =	vperm.xlane v43, v1;
	v6 =	vadd.f32 v40, v37;
	v9 =	vadd.f32 v44, v54  }
0x413: {  	v8 =	vperm.xlane v51, v1;
	v4 =	vadd.f32 v41, v4;
	v5 =	vadd.f32 v42, v5  }
0x414: {  	v7 =	vadd.f32 v43, v7;
	v13 =	vperm.xlane v10, v2;
	v11 =	vperm.xlane v6, v1  }
0x415: {  	v12 =	vperm.xlane v9, v1;
	v8 =	vadd.f32 v51, v8;
	v14 =	vperm.xlane v4, v2  }
0x416: {  	v39 =	vperm.xlane v5, v2;
	v10 =	vadd.f32 v10, v13;
	v40 =	vperm.xlane v7, v2  }
0x417: {  	v6 =	vadd.f32 v6, v11;
	v9 =	vadd.f32 v9, v12;
	v41 =	vperm.xlane v8, v2  }
0x418: {  	v4 =	vadd.f32 v4, v14;
	v5 =	vadd.f32 v5, v39;
	v44 =	vperm.xlane v10, v3  }
0x419: {  	v7 =	vadd.f32 v7, v40;
	v42 =	vperm.xlane v6, v2;
	v43 =	vperm.xlane v9, v2  }
0x41a: {  	v8 =	vadd.f32 v8, v41;
	v51 =	vperm.xlane v4, v3;
	v52 =	vperm.xlane v5, v3  }
0x41b: {  	v10 =	vadd.f32 v10, v44;
	v53 =	vperm.xlane v7, v3;
	v6 =	vadd.f32 v6, v42  }
0x41c: {  	v9 =	vadd.f32 v9, v43;
	v54 =	vperm.xlane v8, v3;
	v4 =	vadd.f32 v4, v51  }
0x41d: {  	v5 =	vadd.f32 v5, v52;
	v10 =	vmax.f32 v10, $1.000000000e-30;
	v7 =	vadd.f32 v7, v53  }
0x41e: {  	v55 =	vperm.xlane v6, v3;
	v15 =	vperm.xlane v9, v3;
	v8 =	vadd.f32 v8, v54  }
0x41f: {  	v56 =	vshrl.u32 v10, $0x1;
	v4 =	vmax.f32 v4, $1.000000000e-30;
	v5 =	vmax.f32 v5, $1.000000000e-30  }
0x420: {  	v7 =	vmax.f32 v7, $1.000000000e-30;
	v6 =	vadd.f32 v6, v55;
	v9 =	vadd.f32 v9, v15  }
0x421: {  	v40 =	vmax.f32 v8, $1.000000000e-30;
	v8 =	vmul.f32 $5.000000000e-01, v10;
	v57 =	vshrl.u32 v4, $0x1  }
0x422: {  	v11 =	vmul.f32 $5.000000000e-01, v4;
	v58 =	vshrl.u32 v5, $0x1;
	v13 =	vmul.f32 $5.000000000e-01, v5  }
0x423: {  	v59 =	vshrl.u32 v7, $0x1;
	v17 =	vmul.f32 $5.000000000e-01, v7;
	v18 =	vshrl.u32 v40, $0x1  }
0x424: {  	v42 =	vmul.f32 $5.000000000e-01, v40;
	v12 =	vsub.s32 $0x5F3759DF, v58;
	v14 =	vsub.s32 $0x5F3759DF, v59  }
0x425: {  	v39 =	vmax.f32 v6, $1.000000000e-30;
	v37 =	vmax.f32 v9, $1.000000000e-30;
	v6 =	vsub.s32 $0x5F3759DF, v56  }
0x426: {  	v9 =	vsub.s32 $0x5F3759DF, v57;
	v63 =	vmul.f32 v12, v13;
	v57 =	vmul.f32 v14, v17  }
0x427: {  	v18 =	vsub.s32 $0x5F3759DF, v18;
	v60 =	vmul.f32 v6, v8;
	v61 =	vmul.f32 v9, v11  }
0x428: {  	v52 =	vmul.f32 $5.000000000e-01, v37;
	v56 =	vshrl.u32 v37, $0x1;
	v58 =	vmul.f32 v18, v42  }
0x429: {  	v44 =	vmul.f32 v12, v63;
	v53 =	vsub.s32 $0x5F3759DF, v56;
	v15 =	vmul.f32 v6, v60  }
0x42a: {  	v41 =	vmul.f32 v9, v61;
	v60 =	vmul.f32 v53, v52  }
0x42b: {  	v43 =	vmul.f32 v18, v58;
	v44 =	vsub.f32 $1.500000000e+00, v44;
	v15 =	vsub.f32 $1.500000000e+00, v15  }
0x42c: {  	v51 =	vmul.f32 $5.000000000e-01, v39;
	v41 =	vsub.f32 $1.500000000e+00, v41;
	v61 =	vmul.f32 v53, v60  }
0x42d: {  	v43 =	vsub.f32 $1.500000000e+00, v43;
	v12 =	vmul.f32 v12, v44;
	v6 =	vmul.f32 v6, v15  }
0x42e: {  	v62 =	vshrl.u32 v39, $0x1;
	v9 =	vmul.f32 v9, v41;
	v15 =	vmul.f32 v14, v57  }
0x42f: {  	v41 =	vsub.s32 $0x5F3759DF, v62;
	v18 =	vmul.f32 v18, v43;
	v55 =	vmul.f32 v6, v8  }
0x430: {  	v59 =	vmul.f32 v41, v51;
	v56 =	vmul.f32 v12, v13;
	v15 =	vsub.f32 $1.500000000e+00, v15  }
0x431: {  	v63 =	vmul.f32 v9, v11;
	v62 =	vmul.f32 v55, v6  }
0x432: {  	v44 =	vmul.f32 v41, v59;
	v14 =	vmul.f32 v14, v15;
	v15 =	vsub.f32 $1.500000000e+00, v61  }
0x433: {  	v60 =	vmul.f32 v63, v9;
	v61 =	vmul.f32 v56, v12;
	v54 =	vsub.f32 $1.500000000e+00, v62  }
0x434: {  	v63 =	vmul.f32 v18, v42;
	v44 =	vsub.f32 $1.500000000e+00, v44;
	v62 =	vmul.f32 v14, v17  }
0x435: {  	v15 =	vmul.f32 v53, v15;
	v43 =	vsub.f32 $1.500000000e+00, v60;
	v6 =	vmul.f32 v54, v6  }
0x436: {  	v59 =	vmul.f32 v63, v18;
	v41 =	vmul.f32 v41, v44;
	v44 =	vsub.f32 $1.500000000e+00, v61  }
0x437: {  	v9 =	vmul.f32 v43, v9;
	v8 =	vmul.f32 v6, v8  }
0x438: {  	v58 =	vmul.f32 v62, v14;
	v12 =	vmul.f32 v44, v12  }
0x439: {  	v11 =	vmul.f32 v9, v11;
	v8 =	vmul.f32 v8, v6  }
0x43a: {  	v61 =	vsub.f32 $1.500000000e+00, v59;
	v62 =	vmul.f32 v41, v51;
	v13 =	vmul.f32 v12, v13  }
0x43b: {  	v63 =	vmul.f32 v15, v52;
	v11 =	vmul.f32 v11, v9;
	v8 =	vsub.f32 $1.500000000e+00, v8  }
0x43c: {  	v60 =	vsub.f32 $1.500000000e+00, v58;
	v44 =	vmul.f32 v62, v41;
	v62 =	vld [tilespmem:$0x1FD80];
	v13 =	vmul.f32 v13, v12  }
0x43d: {  	v18 =	vmul.f32 v61, v18;
	v55 =	vsub.f32 $1.500000000e+00, v11;
	v6 =	vmul.f32 v8, v6  }
0x43e: {  	v53 =	vmul.f32 v63, v15;
	v63 =	vld [tilespmem:$0x1FDA0];
	v14 =	vmul.f32 v60, v14;
	v56 =	vsub.f32 $1.500000000e+00, v13  }
0x43f: {  	v9 =	vmul.f32 v55, v9;
	v6 =	vmul.f32 v6, v10  }
0x440: {  	v59 =	vmul.f32 v18, v42;
	v58 =	vmul.f32 v56, v12  }
0x441: {  	v12 =	vmul.f32 v35, v62;
	v4 =	vmul.f32 v9, v4;
	v6 =	vmax.f32 v6, $9.999999960e-13  }
0x442: {  	v54 =	vsub.f32 $1.500000000e+00, v44;
	(erf) = vrcp.f32 v6;
	v6 =	vmul.f32 v59, v18  }
0x443: {  	v17 =	vmul.f32 v14, v17;
	v13 =	vmul.f32 v35, v63;
	v4 =	vmax.f32 v4, $9.999999960e-13  }
0x444: {  	v41 =	vmul.f32 v54, v41;
	[tilespmem:s18+$0x126A0] =	vst v12;
	(erf) = vrcp.f32 v4;
	v4 =	vsub.f32 $1.500000000e+00, v6  }
0x445: {  	v57 =	vmul.f32 v17, v14;
	v17 =	vld [tilespmem:$0x1FD70];
	[tilespmem:s18+$0x126B0] =	vst v13  }
0x446: {  	v61 =	vmul.f32 v41, v51;
	v4 =	vmul.f32 v4, v18;
	v18 =	vld [tilespmem:$0x1FD60];
	_ =	sdelay $0x1  }
0x447: {  	v8 =	vsub.f32 $1.500000000e+00, v53;
	v9 =	vmul.f32 v61, v41;
	_ =	sdelay $0x1  }
0x448: {  	v8 =	vmul.f32 v8, v15;
	v15 =	vsub.f32 $1.500000000e+00, v9;
	v9 =	vmul.f32 v32, v17  }
0x449: {  	v5 =	vmul.f32 v58, v5;
	v10 =	vmul.f32 v32, v18  }
0x44a: {  	[tilespmem:s18+$0x12700] =	vst v9  }
0x44b: {  	v5 =	vmax.f32 v5, $9.999999960e-13;
	v9 =	vld [tilespmem:$0x1FD90];
	[tilespmem:s18+$0x12710] =	vst v10  }
0x44c: {  	(erf) = vrcp.f32 v5;
	v5 =	vld [tilespmem:$0x1FDB0];
	_ =	sdelay $0x3  }
0x44d: {  	v9 =	vmul.f32 v32, v9  }
0x44e: {  	v5 =	vmul.f32 v32, v5  }
0x44f: {  	v10 =	vld [tilespmem:$0x1FDC0];
	[tilespmem:s18+$0x12720] =	vst v9  }
0x450: {  	[tilespmem:s18+$0x12730] =	vst v5  }
0x451: {  	v5 =	vld [tilespmem:$0x1FDD0]  }
0x452: {  	v4 =	vmul.f32 v4, v40;
	v40 =	vld [tilespmem:$0x1FDE0]  }
0x453: {  	v60 =	vsub.f32 $1.500000000e+00, v57;
	_ =	sdelay $0x1  }
0x454: {  	v11 =	vmul.f32 v60, v14;
	v10 =	vmul.f32 v30, v10  }
0x455: {  	v5 =	vmul.f32 v30, v5  }
0x456: {  	v7 =	vmul.f32 v11, v7;
	[tilespmem:s22+$0x12780] =	vst v10;
	v11 =	vmul.f32 v30, v40  }
0x457: {  	[tilespmem:s22+$0x12790] =	vst v5  }
0x458: {  	[tilespmem:s22+$0x127A0] =	vst v11  }
0x459: {  	v35 =	vpop (erf);
	v11 =	vld [tilespmem:$0x1FDF0]  }
0x45a: {  	v9 =	vmul.f32 $8.000000000e+00, v35;
	_ =	sdelay $0x1  }
0x45b: {  	v43 =	vmul.f32 v9, v23  }
0x45c: {  	v5 =	vmul.f32 v9, v20  }
0x45d: {  	[tilespmem:s22+$0x12420] =	vst v43;
	v11 =	vmul.f32 v9, v11  }
0x45e: {  	[tilespmem:s22+$0x12400] =	vst v5;
	v9 =	vmul.f32 v9, v29  }
0x45f: {  	[tilespmem:s22+$0x12410] =	vst v11  }
0x460: {  	[tilespmem:s22+$0x12430] =	vst v9  }
0x461: {  	v42 =	vpop (erf);
	v10 =	vld [tilespmem:$0x1FE00]  }
0x462: {  	v7 =	vmax.f32 v7, $9.999999960e-13;
	v5 =	vmul.f32 $8.000000000e+00, v42  }
0x463: {  	v4 =	vmax.f32 v4, $9.999999960e-13;
	(erf) = vrcp.f32 v7  }
0x464: {  	(erf) = vrcp.f32 v4;
	v4 =	vmul.f32 v5, v19  }
0x465: {  	v51 =	vmul.f32 v5, v24  }
0x466: {  	[tilespmem:s22+$0x12480] =	vst v4;
	v10 =	vmul.f32 v5, v10  }
0x467: {  	[tilespmem:s22+$0x124A0] =	vst v51;
	v5 =	vmul.f32 v5, v28  }
0x468: {  	[tilespmem:s22+$0x12490] =	vst v10  }
0x469: {  	v6 =	vmul.f32 v15, v41;
	v41 =	vmul.f32 v8, v52;
	[tilespmem:s22+$0x124B0] =	vst v5  }
0x46a: {  	v44 =	vpop (erf);
	v53 =	vld [tilespmem:$0x1FE10]  }
0x46b: {  	v7 =	vmul.f32 v41, v8;
	v4 =	vmul.f32 $8.000000000e+00, v44;
	_ =	sdelay $0x1  }
0x46c: {  	v7 =	vsub.f32 $1.500000000e+00, v7;
	v52 =	vmul.f32 v4, v22  }
0x46d: {  	v6 =	vmul.f32 v6, v39;
	v54 =	vmul.f32 v4, v48  }
0x46e: {  	v7 =	vmul.f32 v7, v8;
	[tilespmem:s22+$0x12500] =	vst v52;
	v8 =	vmul.f32 v4, v53  }
0x46f: {  	[tilespmem:s22+$0x12520] =	vst v54  }
0x470: {  	v6 =	vmax.f32 v6, $9.999999960e-13;
	[tilespmem:s22+$0x12510] =	vst v8  }
0x471: {  	(erf) = vrcp.f32 v6;
	v5 =	vpop (erf);
	v6 =	vld [tilespmem:$0x1FE30]  }
0x472: {  	v5 =	vmul.f32 $8.000000000e+00, v5  }
0x473: {  	v4 =	vmul.f32 v4, v27  }
0x474: {  	v55 =	vmul.f32 v5, v21  }
0x475: {  	v56 =	vmul.f32 v5, v47;
	[tilespmem:s22+$0x12530] =	vst v4  }
0x476: {  	[tilespmem:s22+$0x12590] =	vst v55;
	v6 =	vmul.f32 v5, v6  }
0x477: {  	v7 =	vmul.f32 v7, v37;
	[tilespmem:s22+$0x125A0] =	vst v56;
	v5 =	vmul.f32 v5, v25  }
0x478: {  	[tilespmem:s22+$0x12580] =	vst v6  }
0x479: {  	v7 =	vmax.f32 v7, $9.999999960e-13;
	[tilespmem:s22+$0x125B0] =	vst v5  }
0x47a: {  	(erf) = vrcp.f32 v7;
	v4 =	vpop (erf);
	v7 =	vld [tilespmem:$0x1FE20]  }
0x47b: {  	v4 =	vmul.f32 $8.000000000e+00, v4;
	_ =	sdelay $0x1  }
0x47c: {  	v57 =	vmul.f32 v4, v46;
	v5 =	vpop (erf)  }
0x47d: {  	v58 =	vmul.f32 v4, v49;
	v5 =	vmul.f32 $8.000000000e+00, v5  }
0x47e: {  	v7 =	vmul.f32 v4, v7;
	v4 =	vmul.f32 v4, v50  }
0x47f: {  	[tilespmem:s22+$0x12600] =	vst v57;
	v59 =	vmul.f32 v5, v45  }
0x480: {  	[tilespmem:s22+$0x12620] =	vst v58  }
0x481: {  	v60 =	vmul.f32 v5, v38;
	[tilespmem:s22+$0x12680] =	vst v59  }
0x482: {  	v61 =	vmul.f32 v5, v34;
	[tilespmem:s22+$0x12630] =	vst v4;
	v4 =	vpop (erf)  }
0x483: {  	v5 =	vmul.f32 v5, v36;
	[tilespmem:s22+$0x12690] =	vst v60;
	v4 =	vmul.f32 $8.000000000e+00, v4  }
0x484: {  	[tilespmem:s22+$0x126A0] =	vst v61  }
0x485: {  	[tilespmem:s22+$0x126B0] =	vst v5;
	v62 =	vmul.f32 v4, v26  }
0x486: {  	[tilespmem:s22+$0x12610] =	vst v7  }
0x487: {  	v5 =	vmul.f32 v4, v16;
	[tilespmem:s22+$0x12700] =	vst v62  }
0x488: {  	v63 =	vmul.f32 v4, v31;
	s0 =	sld [smem:$0x7FB]  }
0x489: {  	v4 =	vmul.f32 v4, v33;
	s1 =	sld [smem:$0x7F5];
	[tilespmem:s22+$0x12710] =	vst v5  }
0x48a: {  	[tilespmem:s22+$0x12720] =	vst v63  }
0x48b: {  	[tilespmem:s22+$0x12730] =	vst v4  }
0x48c: {  	s29 =	sld [smem:$0x7FA];
	s0 =	sadd.s32 s0, s1  }
0x48d: {  	s0 =	sshll.u32 s0, $0xB  }
0x48e: {  	s31 =	sld [smem:$0x7F6];
	s0 =	sand.u32 $0x1FFFF800, s0  }
0x48f: {  	s30 =	simm.s32 $0x0;
	s2 =	simm.s32 $0x12400;
	s0 =	sadd.s32 s29, s0  }
0x490: {  	[hbm4b:s0+s30] =	stream.linear.scatter [tilespmem:s2], [sflag:$0x4], $0x4000, $0x38;
	[tilespmem:$0x16700] =	vst v63  }
0x491: {  	s0 =	sadd.s32 $0x1, s31  }
0x492: {  	p0 =	sne.s32 s0, $0x64  }
.Ltmp5:
0x493: {  	_ = 	snop;
	(pc) =	sbr.rel @p0 .LBB2_2-.Ltmp5, $1  }
0x494: {  	_ =	sdelay $0x3  }
0x495: {  	s0 =	simm.s32 $0x3  }
0x496: {  	_ =	swait.ge [sflag:s0], $0x4000  }
0x497: {  	[sflag:s0] =	ssyncset.done $0x0  }
0x498: {  	s1 =	simm.s32 $0x4;
	[sflag:s0] =	ssyncadd.s32 $0xFFFFC000  }
0x499: {  	_ =	swait.ge [sflag:s1], $0x4000  }
0x49a: {  	s2 =	sld [smem:$0x7F8]  }
0x49b: {  	s31 =	sld [smem:$0x7FD];
	_ =	sdelay $0x1  }
0x49c: {  	s2 =	sadd.s32 $0x1, s2  }
0x49d: {  	p0 =	sne.s32 s2, s31  }
.Ltmp6:
0x49e: {  	_ = 	snop;
	(pc) =	sbr.rel @p0 .LBB2_1-.Ltmp6, $3  }
0x49f: {  	_ =	sdelay $0x1  }
0x4a0: {  	[sflag:s1] =	ssyncset.done $0x0  }
0x4a1: {  	[sflag:s1] =	ssyncadd.s32 $0xFFFFC000  }
0x4a2: {  	_ =	sfence.sel $0x180000  }
0x4a3: {  	[bflag:$0x0] =	sbarrier.arrive $0xFFFF  }
0x4a4: {  	_ =	strace $0x90000047  }
0x4a5: {  	s0 =	stileid.u32;
	[bflag:$0x2] =	sbarrier.arrive $0xFFFF  }
0x4a6: {  	p0 =	sne.s32 s0, $0x0;
	s0 =	rddreg [dreg:$0x2]  }
0x4a7: {  	s0 =	sadd.s32 @!p0 $0x100000, s0  }
0x4a8: {  	[sflag:s0] =	ssyncadd.tile.s32 @!p0 $0x1;
	_ =	shalt  }
.Lfunc_end2:
_tile_overlayer_lowered:
.L_overlay_start_2:
0x4a9: {  	(tag) =	ssettag $0x2  }
0x4aa: {  	s0 =	rddreg [dreg:$0x0];
	s2 =	stileid.u32  }
0x4ab: {  	s1 =	rddreg [dreg:$0x1];
	p0 =	sne.s32 s2, $0x0  }
0x4ac: {  	s3 =	rddreg [dreg:$0x2];
	[bflag:$0x3] =	sbarrier.arrive $0xFFFF;
	s2 =	simm.s32 @!p0 $0x1C05  }
0x4ad: {  	[timem:s3], [sflag:s2] =	dma.local @!p0 [hbm:s0], s1  }
0x4ae: {  	s0 =	simm.s32 @!p0 $0x5  }
0x4af: {  	_ =	swait.ge @!p0 [sflag:s0], s1  }
0x4b0: {  	s1 =	ssub.s32 @!p0 $0x0, s1;
	[sflag:s0] =	ssyncset.done @!p0 $0x0  }
0x4b1: {  	[sflag:s0] =	ssyncadd.s32 @!p0 s1  }
0x4b2: {  	[bflag:$0x3] =	sbarrier.arrive $0xFFFF  }
0x4b3: {  	_ =	shalt  }

// kernel: sparse-core-data-format-call.cloned.1.call-start
scs
called_computation_lowered:
.L_overlay_start_0:
0x0: {  	s2 =	sld [smem:$0x3FD9]  }
0x1: {  	s3 =	sld [smem:$0x3FFE];
	_ =	sdelay $0x1  }
0x2: {  	s1 =	srdreg.scid  }
0x3: {  	s0 =	sand.u32 $0x1, s1  }
0x4: {  	s18 =	sshll.u32 s0, $0xA;
	s2 =	sadd.s32 s3, s2  }
0x5: {  	s2 =	sadd.s32 s2, s18  }
0x6: {  	[smem:$0x3FC6] =	sst s2  }
0x7: {  	_ = 	snop  }
0x8: {  	s2 =	sld [smem:$0x3FD0];
	(tm) =	ssettm $0x1  }
0x9: {  	s19 =	sld [smem:$0x3FFB];
	_ =	sdelay $0x3  }
0xa: {  	_ =	strace s19  }
0xb: {  	s3 =	sld [smem:$0x3FFC];
	_ =	sdelay $0x3  }
0xc: {  	_ =	strace s3  }
0xd: {  	s3 =	sld [smem:$0x3FFD];
	_ =	sdelay $0x3  }
0xe: {  	_ =	strace s3  }
0xf: {  	_ =	strace $0x8FFFFFFF  }
0x10: {  	s20 =	sld [smem:$0x3FDB];
	_ =	sdelay $0x1  }
0x11: {  	s4 =	simm.s32 $_scs_section_size  }
0x12: {  	s5 =	simm.s32 $_size__tile_overlayer_lowered;
	s6 =	simm.s32 $_tile_overlayer_lowered  }
0x13: {  	s23 =	simm.s32 $0x1BFF;
	s22 =	sshll.u32 s6, $0x1;
	s3 =	sadd.s32 s4, s20  }
0x14: {  	s7 =	simm.s32 $0x0;
	s21 =	sshll.u32 s5, $0x1;
	s5 =	sadd.s32 s22, s3  }
0x15: {  	[timem:s7], [sflag:s23] =	dma.local [hbm:s5], s21  }
0x16: {  	_ =	swait.ge [sflag:s23], s21  }
0x17: {  	s4 =	ssub.s32 $0x0, s21;
	[sflag:s23] =	ssyncset.done $0x0  }
0x18: {  	[sflag:s23] =	ssyncadd.s32 s4;
	_ =	sdelay $0x1  }
0x19: {  	s24 =	simm.s32 $0x1B8B  }
0x1a: {  	_ =	swait.ge [sflag:s24], $0x1  }
0x1b: {  	[sflag:s24] =	ssyncset.done $0x0  }
0x1c: {  	s26 =	simm.s32 $0x1B8E;
	s25 =	sld [smem:$0x3FFE];
	[sflag:s24] =	ssyncadd.s32 $0xFFFFFFFF  }
0x1d: {  	s27 =	simm.s32 $execute0_lowered;
	[smem:$0x3FD2] =	sst s26  }
0x1e: {  	s5 =	sshll.u32 s27, $0x1;
	_ =	strace $0x80000049;
	[dreg:$0x1] =	wrdreg $0xFFFFFFFF  }
0x1f: {  	s28 =	simm.s32 $_size_execute0_lowered;
	s3 =	sadd.s32 s3, s5;
	[dreg:$0x0] =	wrdreg $0x0  }
0x20: {  	s5 =	sshll.u32 s28, $0x1;
	[dreg:$0x2] =	wrdreg s3  }
0x21: {  	[dreg:$0x3] =	wrdreg s5  }
0x22: {  	[dreg:$0x4] =	wrdreg $0xC0  }
0x23: {  	_ =	task [dreg:s7], $0x5FFFF  }
0x24: {  	[dreg:$0x1] =	wrdreg $0xFFFFFFFF  }
0x25: {  	[dreg:$0x0] =	wrdreg $0x60  }
0x26: {  	[dreg:$0x2] =	wrdreg s25  }
0x27: {  	[dreg:$0x3] =	wrdreg s2  }
0x28: {  	[dreg:$0x4] =	wrdreg $0x9  }
0x29: {  	_ =	task.clear_ibuf [dreg:s7], $0x5FFFF;
	_ =	strace $0x90000049  }
0x2a: {  	s29 =	simm.s32 $0x9;
	_ =	strace $0x8000004B  }
0x2b: {  	_ =	swait.ge [sflag:s29], $0x1  }
0x2c: {  	[sflag:s29] =	ssyncadd.s32 $0xFFFFFFFF  }
0x2d: {  	_ =	strace $0x9000004B  }
0x2e: {  	_ =	sfence  }
0x2f: {  	s30 =	sld [smem:$0x0];
	_ =	sdelay $0x2  }
0x30: {  	s31 =	sshll.u32 s1, $0xD;
	s1 =	sshrl.u32 s1, $0x2  }
0x31: {  	s3 =	sand.u32 $0x4000, s31;
	s1 =	sadd.s32 s1, s30  }
0x32: {  	s0 =	sor.u32 s3, s0;
	s1 =	sshll.u32 s1, $0x11  }
0x33: {  	s0 =	sor.u32 s1, s0  }
0x34: {  	s0 =	sadd.s32 $0x8F2B, s0  }
0x35: {  	[sflag:s0] =	ssyncadd.remote.s32 $0x1  }
0x36: {  	_ =	sfence.sel $0xFFFF  }
0x37: {  	[dreg:$0x0] =	wrdreg $0xFFFFFFFF;
	(pc) =	sbr.abs _section_cstart, $3  }
0x38: {  	[dreg:$0x1] =	wrdreg $0xFFFFFFFF  }
0x39: {  	_ =	task.clear_ibuf [dreg:s7], $0x2FFFF;
	_ =	strace $0x9FFFFFFF  }
0x3a: {  	(tm) =	ssettm $0x7FFFFFFF  }
0x3b: {  	_ =	shalt  }
tec
execute0_lowered:
.L_overlay_start_1:
0x0: {  	(tag) =	ssettag $0x1  }
0x1: {  	s0 =	srdreg.scid  }
0x2: {  	s1 =	sshll.u32 s0, $0x4  }
0x3: {  	s0 =	stileid.u32;
	s1 =	sand.u32 $0x10, s1  }
0x4: {  	s1 =	sor.u32 s0, s1  }
0x5: {  	s6 =	rddreg [dreg:$0x0];
	s4 =	simm.s32 $0x1;
	s2 =	sshll.u32 s1, $0x7  }
0x6: {  	s7 =	simm.s32 $0x2;
	s12 =	simm.s32 $0x0;
	s1 =	ssub.s32 $0x1000, s2  }
0x7: {  	s8 =	simm.s32 $0x8000;
	s13 =	simm.s32 $0x0;
	s3 =	sand.u32 $0xF80, s1  }
0x8: {  	s9 =	simm.s32 $0x0;
	s5 =	sshrl.u32 s1, $0xC;
	p0 =	sne.s32 s3, $0x0  }
.Ltmp0:
0x9: {  	s1 =	rddreg [dreg:$0x2];
	s4 =	simm.s32 @!p0 $0x0;
	(pc) =	sbr.rel .LBB1_1-.Ltmp0, $4  }
0xa: {  	s11 =	simm.s32 $0x0;
	s3 =	rddreg [dreg:$0x1];
	s5 =	sadd.s32 s4, s5  }
0xb: {  	_ =	strace $0x8000004A;
	s4 =	simm.s32 $0x1;
	s5 =	smul.u32 $0xC8, s5  }
0xc: {  	s6 =	sadd.s32 $0xA00, s6;
	s10 =	smov.u32 s2;
	[sflag:s4] =	ssyncpa.u1 $0x0  }
0xd: {  	p0 =	por $0x0, $0x0;
	[sflag:s7] =	ssyncpa.u1 $0x0;
	s7 =	sor.u32 $0x1, s5  }
.LBB1_4:
0xe: {  	s16 =	sshll.u32 s13, $0x3;
	s17 =	sand.u32 $0x78, s13  }
0xf: {  	s30 =	sand.u32 $0x7E00, s13;
	s12 =	sshll.u32 s12, $0xF;
	s16 =	sand.u32 $0xC00, s16  }
0x10: {  	[tilespmem:s15+$0x810 ss:$0x81] =	vst.msk $0xffff, v2;
	s31 =	sand.u32 $0x7, s13;
	s16 =	sor.u32 s17, s16;
	s17 =	sadd.s32 s3, s30  }
0x11: {  	[tilespmem:s15+$0x1020 ss:$0x81] =	vst.msk $0xffff, v0;
	s13 =	sshll.u32 s31, $0x12;
	s12 =	sadd.s32 s12, s17;
	s16 =	sshrl.u32 s16, $0x3  }
0x12: {  	[tilespmem:s15+$0x0 ss:$0x81] =	vst.msk $0xffff, v1;
	s13 =	sor.u32 $0x400, s13;
	s12 =	sadd.s32 s16, s12  }
0x13: {  	[hbm4b:s12+s13] =	stream.strided.scatter [tilespmem:s14], [sflag:$0x2], $0x2000, s8, s13, $0x20;
	[tilespmem:$0x8080] =	vst v63  }
.LBB1_5:
0x14: {  	s14 =	sadd.s32 $0x1, s9  }
0x15: {  	s12 =	sadd.s32 $0x1000, s10;
	s16 =	smov.u32 s10;
	p2 =	sgt.s32 s14, $0xC7  }
0x16: {  	s16 =	smov.u32 @p2 s12  }
0x17: {  	s14 =	simm.s32 @p2 $0x0;
	p2 =	sgt.s32 s16, $0xFFF  }
0x18: {  	s16 =	smov.u32 @p2 s2;
	p2 =	sne.s32 s11, s7  }
.Ltmp1:
0x19: {  	p1 =	slt.u32 s11, $0x2;
	(pc) =	sbr.rel @!p2 .LBB1_6-.Ltmp1, $4  }
0x1a: {  	s15 =	simm.s32 @!p1 $0x2  }
0x1b: {  	s13 =	smov.u32 s10;
	p0 =	por !p0, !p0;
	_ =	swait.ge @!p1 [sflag:s15], $0x2000  }
0x1c: {  	s12 =	smov.u32 s9;
	[sflag:s15] =	ssyncset.done @!p1 $0x0;
	s9 =	smov.u32 s14  }
0x1d: {  	s11 =	sadd.s32 $0x1, s11;
	[sflag:s15] =	ssyncadd.s32 @!p1 $0xFFFFE000;
	s10 =	smov.u32 s16  }
.LBB1_1:
0x1e: {  	p1 =	sge.u32 s11, s5  }
0x1f: {  	s14 =	sand.u32 @!p1 $0x1FFFFFF, s9  }
0x20: {  	s15 =	smulhi.u32 @!p1 $0x147AE15, s14;
	_ =	sdelay $0x1  }
0x21: {  	s15 =	smul.u32 @!p1 $0xC8, s15  }
0x22: {  	s16 =	sxor.u32 @!p1 $0xFFFFFFFF, s11;
	s17 =	smul.u32 @!p1 $0xC80, s10  }
0x23: {  	s31 =	sadd.s32 $0xFFFFFFFF, s11;
	s16 =	sshll.u32 @!p1 s16, $0xD;
	s14 =	ssub.s32 @!p1 s14, s15  }
0x24: {  	s15 =	sand.u32 @!p1 $0x2000, s16;
	s16 =	sadd.s32 @!p1 s6, s17;
	s14 =	sshll.u32 @!p1 s14, $0x4  }
0x25: {  	s17 =	simm.s32 @!p1 $0x6400;
	s14 =	sadd.s32 @!p1 s14, s16;
	s16 =	simm.s32 @!p1 $0x40  }
0x26: {  	[tilespmem:s15], [sflag:$0x1] =	stream.strided.gather @!p1 [hbm4b:s14+s16], $0x2000, s17, s16, $0x38;
	[tilespmem:$0x8080] =	vst v63  }
0x27: {  	p1 =	sge.u32 s31, s5  }
.Ltmp2:
0x28: {  	_ = 	snop;
	(pc) =	sbr.rel @p1 .LBB1_5-.Ltmp2, $1  }
0x29: {  	_ =	sdelay $0x3  }
0x2a: {  	s14 =	simm.s32 $0x1  }
0x2b: {  	_ =	swait.ge [sflag:s4], $0x2000;
	s14 =	simm.s32 @!p0 $0x0  }
0x2c: {  	[sflag:s4] =	ssyncset.done $0x0;
	s15 =	sshll.u32 s14, $0xD  }
0x2d: {  	[sflag:s4] =	ssyncadd.s32 $0xFFFFE000;
	s18 =	sor.u32 $0x20, s15  }
0x2e: {  	s14 =	smul.u32 $0x8100, s14;
	v3 =	vld [tilespmem:s18+$0x10]  }
0x2f: {  	s30 =	sand.u32 $0x1, s11;
	v2 =	vld [tilespmem:s18+$0xFFFFFFF0]  }
0x30: {  	s15 =	smul.u32 $0x8100, s30;
	s14 =	sshrl.u32 s14, $0x2;
	v0 =	vld [tilespmem:s18+$0x0]  }
0x31: {  	v1 =	vld [tilespmem:s18+$0xFFFFFFE0];
	s16 =	sor.u32 $0x4000, s14  }
0x32: {  	s31 =	sshrl.u32 s15, $0x2;
	s15 =	sadd.s32 $0x0, s16  }
0x33: {  	s17 =	simm.s32 $0x4;
	s18 =	sadd.s32 $0x40, s18;
	s14 =	sor.u32 $0x4000, s31;
	[tilespmem:s15+$0x1830 ss:$0x81] =	vst.msk $0xffff, v3  }
.LBB1_3:
0x34: {  	v3 =	vld [tilespmem:s18+$0x10];
	p1 =	sne.s32 s17, $0x1FC;
	[tilespmem:s15+$0x810 ss:$0x81] =	vst.msk $0xffff, v2;
	s19 =	smov.u32 s17;
	s17 =	sadd.s32 $0x4, s17  }
.Ltmp3:
0x35: {  	v2 =	vld [tilespmem:s18+$0xFFFFFFF0];
	[tilespmem:s15+$0x1020 ss:$0x81] =	vst.msk $0xffff, v0;
	(pc) =	sbr.rel @p1 .LBB1_3-.Ltmp3, $4  }
0x36: {  	v0 =	vld [tilespmem:s18+$0x0];
	[tilespmem:s15+$0x0 ss:$0x81] =	vst.msk $0xffff, v1  }
0x37: {  	s15 =	sshra.s32 s19, $0x2;
	v1 =	vld [tilespmem:s18+$0xFFFFFFE0]  }
0x38: {  	s15 =	sadd.s32 s15, s16  }
0x39: {  	s18 =	sadd.s32 $0x40, s18;
	[tilespmem:s15+$0x1830 ss:$0x81] =	vst.msk $0xffff, v3  }
.Ltmp4:
0x3a: {  	_ = 	snop;
	(pc) =	sbr.rel .LBB1_4-.Ltmp4, $1  }
0x3b: {  	_ =	sdelay $0x3  }
.LBB1_6:
0x3c: {  	_ =	sfence.sel $0x180000  }
0x3d: {  	s2 =	simm.s32 $0x1;
	[bflag:$0x0] =	sbarrier.arrive $0xFFFF  }
0x3e: {  	s31 =	simm.s32 $0x2;
	[sflag:s2] =	ssyncpa.u1 $0x1  }
0x3f: {  	[sflag:s31] =	ssyncpa.u1 $0x1  }
0x40: {  	p0 =	sne.s32 s0, $0x0;
	_ =	strace $0x9000004A  }
0x41: {  	s0 =	sadd.s32 @!p0 $0x100000, s1;
	[bflag:$0x2] =	sbarrier.arrive $0xFFFF  }
0x42: {  	[sflag:s0] =	ssyncadd.tile.s32 @!p0 $0x1;
	_ =	shalt  }
.Lfunc_end1:
_tile_overlayer_lowered:
.L_overlay_start_2:
0x43: {  	(tag) =	ssettag $0x2  }
0x44: {  	s0 =	rddreg [dreg:$0x0];
	s2 =	stileid.u32  }
0x45: {  	s1 =	rddreg [dreg:$0x1];
	p0 =	sne.s32 s2, $0x0  }
0x46: {  	s3 =	rddreg [dreg:$0x2];
	[bflag:$0x3] =	sbarrier.arrive $0xFFFF;
	s2 =	simm.s32 @!p0 $0x1C01  }
0x47: {  	[timem:s3], [sflag:s2] =	dma.local @!p0 [hbm:s0], s1  }
0x48: {  	s0 =	simm.s32 @!p0 $0x1  }
0x49: {  	_ =	swait.ge @!p0 [sflag:s0], s1  }
0x4a: {  	s1 =	ssub.s32 @!p0 $0x0, s1;
	[sflag:s0] =	ssyncset.done @!p0 $0x0  }
0x4b: {  	[sflag:s0] =	ssyncadd.s32 @!p0 s1  }
0x4c: {  	[bflag:$0x3] =	sbarrier.arrive $0xFFFF  }
0x4d: {  	_ =	shalt  }

</sc_bundles>
